<compile_context>
chip_gen: v7x
topology: tpu7x:2x2x1
jax: 0.10.2.dev20260603
libtpu: 0.0.44.dev20260713+nightly
codegen_flags: <defaults>
</compile_context>

<pallas_src>
import functools

import jax
import jax.numpy as jnp
from jax import lax
from jax.experimental import pallas as pl
from jax.experimental.pallas import tpu as pltpu
from jax.experimental.pallas import tpu_sc as plsc

N = 10000
D = 128
E = 320000
NS = 16
EPT = E // NS
C = 50
ITERS = EPT // C
NB = 8
NBLK = ITERS // NB
RCH = 40
NCHUNKS = N // RCH
CPT = -(-NCHUNKS // NS)

_mesh = plsc.VectorSubcoreMesh(
    core_axis_name="c", subcore_axis_name="s", num_cores=1)


@functools.partial(
    pl.kernel,
    out_type=[
        jax.ShapeDtypeStruct((N, D), jnp.float32),
        jax.ShapeDtypeStruct((NS, N), jnp.float32),
    ],
    mesh=_mesh,
    compiler_params=pltpu.CompilerParams(needs_layout_passes=False),
    scratch_types=[
        pltpu.VMEM((2, NB, C), jnp.int32),
        pltpu.VMEM((2, NB, C), jnp.int32),
        pltpu.VMEM((2, C, D), jnp.float32),
        pltpu.VMEM((RCH, D), jnp.float32),
        pltpu.VMEM((RCH,), jnp.int32),
        pltpu.VMEM((N,), jnp.float32),
        pltpu.VMEM_SHARED((N, D), jnp.float32),
        pltpu.SemaphoreType.DMA,
        pltpu.SemaphoreType.DMA,
        pltpu.SemaphoreType.DMA,
    ],
)
def _sc_aggregate(x_hbm, src_hbm, dst_hbm, sum_hbm, cnt_hbm,
                  sidx_v, didx_v, rows_v, zrow_v, idxz_v, hist_v,
                  acc_sh, gsem, isem, ssem):
    s = lax.axis_index("s")
    ch_lo = s * CPT
    ch_hi = jnp.minimum((s + 1) * CPT, NCHUNKS)

    ov = jnp.ones((16,), jnp.float32)
    zv = jnp.zeros((16,), jnp.float32)
    it16 = lax.iota(jnp.int32, 16)

    def _fill_zrow(r, carry):
        for j in range(D // 16):
            zrow_v[r, pl.ds(j * 16, 16)] = zv
        return carry

    lax.fori_loop(0, RCH, _fill_zrow, 0)

    def _fill_hist(r, carry):
        hist_v[pl.ds(r * 16, 16)] = zv
        return carry

    lax.fori_loop(0, N // 16, _fill_hist, 0)

    def _set_idxz(j, carry):
        base = j * RCH
        idxz_v[pl.ds(0, 16)] = base + it16
        idxz_v[pl.ds(16, 16)] = base + 16 + it16
        idxz_v[pl.ds(24, 16)] = base + 24 + it16
        return carry

    def _zero_acc(j, carry):
        _set_idxz(j, 0)
        pltpu.sync_copy(zrow_v, acc_sh.at[idxz_v])
        return carry

    lax.fori_loop(ch_lo, ch_hi, _zero_acc, 0)

    pltpu.sync_copy(src_hbm.at[s, pl.ds(0, NB)], sidx_v.at[0])
    pltpu.sync_copy(dst_hbm.at[s, pl.ds(0, NB)], didx_v.at[0])

    plsc.subcore_barrier()

    def _do_block(b, ss):
        ns = 1 - ss

        @pl.when(b > 0)
        def _():
            pltpu.make_async_copy(
                src_hbm.at[s, pl.ds(b * NB, NB)], sidx_v.at[ss], isem).wait()
            pltpu.make_async_copy(
                dst_hbm.at[s, pl.ds(b * NB, NB)], didx_v.at[ss], isem).wait()

        pltpu.async_copy(x_hbm.at[sidx_v.at[ss, 0]], rows_v.at[0], gsem)
        for j in range(NB):
            rbuf = j % 2
            obuf = (j + 1) % 2
            pltpu.make_async_copy(
                x_hbm.at[sidx_v.at[ss, j]], rows_v.at[rbuf], gsem).wait()
            if j == 0:
                @pl.when(b > 0)
                def _():
                    pltpu.make_async_copy(
                        rows_v.at[(NB - 1) % 2],
                        acc_sh.at[didx_v.at[ns, NB - 1]], ssem).wait()
            else:
                pltpu.make_async_copy(
                    rows_v.at[obuf], acc_sh.at[didx_v.at[ss, j - 1]],
                    ssem).wait()
            if j == 0:
                @pl.when(b + 1 < NBLK)
                def _():
                    pltpu.async_copy(
                        src_hbm.at[s, pl.ds((b + 1) * NB, NB)],
                        sidx_v.at[ns], isem)
                    pltpu.async_copy(
                        dst_hbm.at[s, pl.ds((b + 1) * NB, NB)],
                        didx_v.at[ns], isem)
            if j + 1 < NB:
                pltpu.async_copy(
                    x_hbm.at[sidx_v.at[ss, j + 1]], rows_v.at[obuf], gsem)
            pltpu.async_copy(rows_v.at[rbuf], acc_sh.at[didx_v.at[ss, j]],
                             ssem, add=True)
            for k in range(C // 16):
                plsc.addupdate_scatter(
                    hist_v, [didx_v[ss, j, pl.ds(k * 16, 16)]], ov)
            plsc.addupdate_scatter(
                hist_v, [didx_v[ss, j, pl.ds(C - 16, 16)]], ov,
                mask=it16 >= 16 - (C - 16 * (C // 16)))

    def _block(b, carry):
        slot = lax.rem(b, 2)

        @pl.when(slot == 0)
        def _():
            _do_block(b, 0)

        @pl.when(slot == 1)
        def _():
            _do_block(b, 1)

        return carry

    lax.fori_loop(0, NBLK, _block, 0)

    pltpu.make_async_copy(
        rows_v.at[(NB - 1) % 2], acc_sh.at[didx_v.at[(NBLK - 1) % 2, NB - 1]],
        ssem).wait()

    plsc.subcore_barrier()

    def _drain(j, carry):
        _set_idxz(j, 0)
        pltpu.sync_copy(acc_sh.at[idxz_v], zrow_v)
        pltpu.sync_copy(zrow_v, sum_hbm.at[pl.ds(j * RCH, RCH)])
        return carry

    lax.fori_loop(ch_lo, ch_hi, _drain, 0)
    pltpu.sync_copy(hist_v, cnt_hbm.at[s])


def _tc_body(s_ref, c_ref, x_ref, wl_ref, wr_ref, b_ref, o_ref):
    cnt = jnp.clip(jnp.sum(c_ref[...], axis=1), 1.0, None)
    mean = s_ref[...] / cnt[:, None]
    o_ref[...] = jnp.maximum(
        jnp.dot(mean, wl_ref[...], preferred_element_type=jnp.float32)
        + b_ref[...]
        + jnp.dot(x_ref[...], wr_ref[...], preferred_element_type=jnp.float32),
        0.0,
    )


_TC_R = 1000


def _tc_epilogue(S, C16, x, W_l, W_r, b_l):
    return pl.pallas_call(
        _tc_body,
        grid=(N // _TC_R,),
        in_specs=[
            pl.BlockSpec((_TC_R, D), lambda i: (i, 0)),
            pl.BlockSpec((_TC_R, NS), lambda i: (i, 0)),
            pl.BlockSpec((_TC_R, D), lambda i: (i, 0)),
            pl.BlockSpec((D, D), lambda i: (0, 0)),
            pl.BlockSpec((D, D), lambda i: (0, 0)),
            pl.BlockSpec((D,), lambda i: (0,)),
        ],
        out_specs=pl.BlockSpec((_TC_R, D), lambda i: (i, 0)),
        out_shape=jax.ShapeDtypeStruct((N, D), jnp.float32),
    )(S, C16, x, W_l, W_r, b_l)


def kernel(x, edge_index, W_l, W_r, b_l):
    dst = edge_index[0].astype(jnp.int32).reshape(NS, ITERS, C)
    src = edge_index[1].astype(jnp.int32).reshape(NS, ITERS, C)
    S, CH = _sc_aggregate(x, src, dst)
    return _tc_epilogue(S, CH.T, x, W_l, W_r, b_l)

# --- scband reference (transcript-rebuilt; emitter-appended) ---
"""Pipeline reference for scband-graph-embedding-3195455668883 (READ-ONLY COPY).

The authoritative reference and input builder live on the scoring server;
editing this copy changes nothing except your own understanding.
"""

import jax, jax.numpy as jnp
import numpy as np

N = 10000
E = 320000
D_IN = 128
D_OUT = 128

def setup_inputs(seed: int = 0) -> dict:
    key = jax.random.key(seed)
    k1, k2, k3, k4, k5 = jax.random.split(key, 5)
    x = jax.random.normal(k1, (N, D_IN), dtype=jnp.float32)
    edge_index = jax.random.randint(k2, (2, E), 0, N, dtype=jnp.int64)
    # SAGEConv parameters: lin_l (applied to aggregated neighbors, with bias),
    # lin_r (applied to root/dst features, no bias) -- PyG convention.
    W_l = jax.random.normal(k3, (D_IN, D_OUT), dtype=jnp.float32) * (1.0 / np.sqrt(D_IN))
    W_r = jax.random.normal(k4, (D_IN, D_OUT), dtype=jnp.float32) * (1.0 / np.sqrt(D_IN))
    b_l = jax.random.normal(k5, (D_OUT,), dtype=jnp.float32) * 0.01
    return {"x": x, "edge_index": edge_index, "W_l": W_l, "W_r": W_r, "b_l": b_l}

def reference(x, edge_index, W_l, W_r, b_l):
    # GraphEmbedding.forward: SAGEConv((x, x[:N_dst]), adj_t) then relu.
    # adj_t stores (dst, src): row 0 = dst node ids, row 1 = src node ids.
    dst = edge_index[0]
    src = edge_index[1]
    # gather neighbor (source) features
    msg = jnp.take(x, src, axis=0)                      # [E, D_IN]
    # mean aggregation per destination node (scatter-add + count)
    summed = jax.ops.segment_sum(msg, dst, num_segments=N)            # [N, D_IN]
    cnt = jax.ops.segment_sum(jnp.ones((E,), dtype=x.dtype), dst, num_segments=N)
    mean = summed / jnp.clip(cnt, 1.0, None)[:, None]
    # SAGEConv: lin_l(aggregated) + lin_r(x_dst)
    out = mean @ W_l + b_l + x @ W_r
    return jax.nn.relu(out)

if __name__ == "__main__":
    import jax
    _d = setup_inputs()
    print(jax.jit(kernel)(*tuple(_d.values())))

</pallas_src>

<mosaic_0001>
#map = affine_map<(d0, d1) -> (0, 0)>
#map1 = affine_map<(d0, d1) -> (0, 0, 0)>
module attributes {stable_mosaic.version = 14 : i64} {
  func.func @_sc_aggregate(%arg0: i32, %arg1: i32, %arg2: memref<10000x128xf32, #tpu.memory_space<hbm>>, %arg3: memref<16x400x50xi32, #tpu.memory_space<hbm>>, %arg4: memref<16x400x50xi32, #tpu.memory_space<hbm>>, %arg5: memref<10000x128xf32, #tpu.memory_space<hbm>>, %arg6: memref<16x10000xf32, #tpu.memory_space<hbm>>, %arg7: memref<2x8x50xi32, #tpu.memory_space<vmem>>, %arg8: memref<2x8x50xi32, #tpu.memory_space<vmem>>, %arg9: memref<2x50x128xf32, #tpu.memory_space<vmem>>, %arg10: memref<40x128xf32, #tpu.memory_space<vmem>>, %arg11: memref<40xi32, #tpu.memory_space<vmem>>, %arg12: memref<10000xf32, #tpu.memory_space<vmem>>, %arg13: memref<10000x128xf32, #tpu.memory_space<vmem_shared>>, %arg14: memref<!tpu.dma_semaphore, #tpu.memory_space<semaphore_mem>>, %arg15: memref<!tpu.dma_semaphore, #tpu.memory_space<semaphore_mem>>, %arg16: memref<!tpu.dma_semaphore, #tpu.memory_space<semaphore_mem>>) attributes {dimension_semantics = [#tpu.dimension_semantics<core_parallel>, #tpu.dimension_semantics<subcore_parallel>], iteration_bounds = array<i64: 1, 16>, scalar_prefetch = 0 : i64, scratch_operands = 10 : i64, tpu.core_type = #tpu.core_type<sc_vector_subcore>, window_params = [{transform_indices = #map}, {transform_indices = #map1}, {transform_indices = #map1}, {transform_indices = #map}, {transform_indices = #map}]} {
    %mul3A = arith.constant 16 : i32
    %mul3A_0 = arith.muli %arg1, %mul3A : i32
    %add3A = arith.constant 1 : i32
    %add3A_1 = arith.addi %arg1, %add3A : i32
    %mul3A_2 = arith.constant 16 : i32
    %mul3A_3 = arith.muli %add3A_1, %mul3A_2 : i32
    %min3A = arith.constant 250 : i32
    %min3A_4 = arith.minsi %mul3A_3, %min3A : i32
    %broadcast_in_dim3A = arith.constant 1.000000e+00 : f32
    %broadcast_in_dim3A_5 = vector.broadcast %broadcast_in_dim3A : f32 to vector<16xf32>
    %broadcast_in_dim3A_6 = arith.constant 0.000000e+00 : f32
    %broadcast_in_dim3A_7 = vector.broadcast %broadcast_in_dim3A_6 : f32 to vector<16xf32>
    %iota3A = tpu.iota {dimensions = array<i32: 0>} : vector<16xi32>
    %scan3A = arith.constant 0 : i32
    %scan3A_8 = arith.constant 0 : i32
    %scan3A_9 = arith.constant 40 : i32
    %scan3A_10 = arith.addi %scan3A_8, %scan3A_9 : i32
    %scan3A_11 = arith.constant 1 : i32
    scf.for %scan3A_56 = %scan3A_8 to %scan3A_10 step %scan3A_11  : i32 {
      %swap3A = arith.index_cast %scan3A_56 : i32 to index
      %swap3A_57 = arith.constant 0 : index
      %swap3A_58 = tpu.vector_load %arg10[%swap3A, %swap3A_57] {strides = array<i32>} : memref<40x128xf32, #tpu.memory_space<vmem>>, vector<16xf32>,
      tpu.vector_store %arg10[%swap3A, %swap3A_57], %broadcast_in_dim3A_7 {strides = array<i32>} : memref<40x128xf32, #tpu.memory_space<vmem>>, vector<16xf32>,
      %swap3A_59 = arith.index_cast %scan3A_56 : i32 to index
      %swap3A_60 = arith.constant 16 : index
      %swap3A_61 = tpu.vector_load %arg10[%swap3A_59, %swap3A_60] {strides = array<i32>} : memref<40x128xf32, #tpu.memory_space<vmem>>, vector<16xf32>,
      tpu.vector_store %arg10[%swap3A_59, %swap3A_60], %broadcast_in_dim3A_7 {strides = array<i32>} : memref<40x128xf32, #tpu.memory_space<vmem>>, vector<16xf32>,
      %swap3A_62 = arith.index_cast %scan3A_56 : i32 to index
      %swap3A_63 = arith.constant 32 : index
      %swap3A_64 = tpu.vector_load %arg10[%swap3A_62, %swap3A_63] {strides = array<i32>} : memref<40x128xf32, #tpu.memory_space<vmem>>, vector<16xf32>,
      tpu.vector_store %arg10[%swap3A_62, %swap3A_63], %broadcast_in_dim3A_7 {strides = array<i32>} : memref<40x128xf32, #tpu.memory_space<vmem>>, vector<16xf32>,
      %swap3A_65 = arith.index_cast %scan3A_56 : i32 to index
      %swap3A_66 = arith.constant 48 : index
      %swap3A_67 = tpu.vector_load %arg10[%swap3A_65, %swap3A_66] {strides = array<i32>} : memref<40x128xf32, #tpu.memory_space<vmem>>, vector<16xf32>,
      tpu.vector_store %arg10[%swap3A_65, %swap3A_66], %broadcast_in_dim3A_7 {strides = array<i32>} : memref<40x128xf32, #tpu.memory_space<vmem>>, vector<16xf32>,
      %swap3A_68 = arith.index_cast %scan3A_56 : i32 to index
      %swap3A_69 = arith.constant 64 : index
      %swap3A_70 = tpu.vector_load %arg10[%swap3A_68, %swap3A_69] {strides = array<i32>} : memref<40x128xf32, #tpu.memory_space<vmem>>, vector<16xf32>,
      tpu.vector_store %arg10[%swap3A_68, %swap3A_69], %broadcast_in_dim3A_7 {strides = array<i32>} : memref<40x128xf32, #tpu.memory_space<vmem>>, vector<16xf32>,
      %swap3A_71 = arith.index_cast %scan3A_56 : i32 to index
      %swap3A_72 = arith.constant 80 : index
      %swap3A_73 = tpu.vector_load %arg10[%swap3A_71, %swap3A_72] {strides = array<i32>} : memref<40x128xf32, #tpu.memory_space<vmem>>, vector<16xf32>,
      tpu.vector_store %arg10[%swap3A_71, %swap3A_72], %broadcast_in_dim3A_7 {strides = array<i32>} : memref<40x128xf32, #tpu.memory_space<vmem>>, vector<16xf32>,
      %swap3A_74 = arith.index_cast %scan3A_56 : i32 to index
      %swap3A_75 = arith.constant 96 : index
      %swap3A_76 = tpu.vector_load %arg10[%swap3A_74, %swap3A_75] {strides = array<i32>} : memref<40x128xf32, #tpu.memory_space<vmem>>, vector<16xf32>,
      tpu.vector_store %arg10[%swap3A_74, %swap3A_75], %broadcast_in_dim3A_7 {strides = array<i32>} : memref<40x128xf32, #tpu.memory_space<vmem>>, vector<16xf32>,
      %swap3A_77 = arith.index_cast %scan3A_56 : i32 to index
      %swap3A_78 = arith.constant 112 : index
      %swap3A_79 = tpu.vector_load %arg10[%swap3A_77, %swap3A_78] {strides = array<i32>} : memref<40x128xf32, #tpu.memory_space<vmem>>, vector<16xf32>,
      tpu.vector_store %arg10[%swap3A_77, %swap3A_78], %broadcast_in_dim3A_7 {strides = array<i32>} : memref<40x128xf32, #tpu.memory_space<vmem>>, vector<16xf32>,
    }
    %scan3A_12 = arith.constant 40 : i32
    %scan3A_13 = arith.constant 0 : i32
    %scan3A_14 = arith.constant 0 : i32
    %scan3A_15 = arith.constant 625 : i32
    %scan3A_16 = arith.addi %scan3A_14, %scan3A_15 : i32
    %scan3A_17 = arith.constant 1 : i32
    scf.for %scan3A_56 = %scan3A_14 to %scan3A_16 step %scan3A_17  : i32 {
      %mul3A_57 = arith.constant 16 : i32
      %mul3A_58 = arith.muli %scan3A_56, %mul3A_57 : i32
      %swap3A = arith.index_cast %mul3A_58 : i32 to index
      %swap3A_59 = tpu.vector_load %arg12[%swap3A] {strides = array<i32>} : memref<10000xf32, #tpu.memory_space<vmem>>, vector<16xf32>,
      tpu.vector_store %arg12[%swap3A], %broadcast_in_dim3A_7 {strides = array<i32>} : memref<10000xf32, #tpu.memory_space<vmem>>, vector<16xf32>,
    }
    %scan3A_18 = arith.constant 625 : i32
    %while3A = arith.constant 0 : i32
    %while3A_19 = arith.subi %min3A_4, %mul3A_0 : i32
    %while3A_20 = arith.addi %mul3A_0, %while3A_19 : i32
    %while3A_21 = arith.constant 1 : i32
    %while3A_22 = arith.divsi %while3A_19, %while3A_21 : i32
    %while3A_23 = arith.muli %while3A_22, %while3A_21 : i32
    %while3A_24 = arith.addi %mul3A_0, %while3A_23 : i32
    %while3A_25 = arith.constant 1 : i32
    scf.for %while3A_56 = %mul3A_0 to %while3A_24 step %while3A_25  : i32 {
      %mul3A_57 = arith.constant 40 : i32
      %mul3A_58 = arith.muli %while3A_56, %mul3A_57 : i32
      %add3A_59 = vector.broadcast %mul3A_58 : i32 to vector<16xi32>
      %add3A_60 = arith.addi %add3A_59, %iota3A : vector<16xi32>
      %swap3A = arith.constant 0 : index
      %swap3A_61 = tpu.vector_load %arg11[%swap3A] {strides = array<i32>} : memref<40xi32, #tpu.memory_space<vmem>>, vector<16xi32>,
      tpu.vector_store %arg11[%swap3A], %add3A_60 {strides = array<i32>} : memref<40xi32, #tpu.memory_space<vmem>>, vector<16xi32>,
      %add3A_62 = arith.constant 16 : i32
      %add3A_63 = arith.addi %mul3A_58, %add3A_62 : i32
      %add3A_64 = vector.broadcast %add3A_63 : i32 to vector<16xi32>
      %add3A_65 = arith.addi %add3A_64, %iota3A : vector<16xi32>
      %swap3A_66 = arith.constant 16 : index
      %swap3A_67 = tpu.vector_load %arg11[%swap3A_66] {strides = array<i32>} : memref<40xi32, #tpu.memory_space<vmem>>, vector<16xi32>,
      tpu.vector_store %arg11[%swap3A_66], %add3A_65 {strides = array<i32>} : memref<40xi32, #tpu.memory_space<vmem>>, vector<16xi32>,
      %add3A_68 = arith.constant 24 : i32
      %add3A_69 = arith.addi %mul3A_58, %add3A_68 : i32
      %add3A_70 = vector.broadcast %add3A_69 : i32 to vector<16xi32>
      %add3A_71 = arith.addi %add3A_70, %iota3A : vector<16xi32>
      %swap3A_72 = arith.constant 24 : index
      %swap3A_73 = tpu.vector_load %arg11[%swap3A_72] {strides = array<i32>} : memref<40xi32, #tpu.memory_space<vmem>>, vector<16xi32>,
      tpu.vector_store %arg11[%swap3A_72], %add3A_71 {strides = array<i32>} : memref<40xi32, #tpu.memory_space<vmem>>, vector<16xi32>,
      "tpu.region"() ({
        %run_scoped3A_74 = tpu.sem_alloc : memref<!tpu.dma_semaphore, #tpu.memory_space<semaphore_mem>>
        %dma_start3A = arith.constant 0 : i32
        %dma_start3A_75 = arith.constant 0 : i32
        %dma_start3A_76 = tpu.memref_slice %arg13[%dma_start3A, %dma_start3A_75] : memref<10000x128xf32, #tpu.memory_space<vmem_shared>> -> memref<10000x128xf32, #tpu.memory_space<vmem_shared>>
        tpu.enqueue_indirect_dma source(%arg10 : memref<40x128xf32, #tpu.memory_space<vmem>>) target(%dma_start3A_76 : memref<10000x128xf32, #tpu.memory_space<vmem_shared>>) offsets(%arg11 : memref<40xi32, #tpu.memory_space<vmem>>) semaphore(%run_scoped3A_74 : memref<!tpu.dma_semaphore, #tpu.memory_space<semaphore_mem>>)
        %dma_wait3A_77 = arith.constant 0 : i32
        %dma_wait3A_78 = arith.constant 0 : i32
        %dma_wait3A_79 = tpu.memref_slice %arg13[%dma_wait3A_77, %dma_wait3A_78] : memref<10000x128xf32, #tpu.memory_space<vmem_shared>> -> memref<10000x128xf32, #tpu.memory_space<vmem_shared>>
        tpu.wait_indirect_dma semaphore(%run_scoped3A_74 : memref<!tpu.dma_semaphore, #tpu.memory_space<semaphore_mem>>) src(%arg10 : memref<40x128xf32, #tpu.memory_space<vmem>>) dst(%dma_wait3A_79 : memref<10000x128xf32, #tpu.memory_space<vmem_shared>>)
        tpu.yield
      }) : () -> ()
    }
    %while3A_26 = arith.constant 1 : i32
    scf.for %while3A_56 = %while3A_24 to %while3A_20 step %while3A_26  : i32 {
      %mul3A_57 = arith.constant 40 : i32
      %mul3A_58 = arith.muli %while3A_56, %mul3A_57 : i32
      %add3A_59 = vector.broadcast %mul3A_58 : i32 to vector<16xi32>
      %add3A_60 = arith.addi %add3A_59, %iota3A : vector<16xi32>
      %swap3A = arith.constant 0 : index
      %swap3A_61 = tpu.vector_load %arg11[%swap3A] {strides = array<i32>} : memref<40xi32, #tpu.memory_space<vmem>>, vector<16xi32>,
      tpu.vector_store %arg11[%swap3A], %add3A_60 {strides = array<i32>} : memref<40xi32, #tpu.memory_space<vmem>>, vector<16xi32>,
      %add3A_62 = arith.constant 16 : i32
      %add3A_63 = arith.addi %mul3A_58, %add3A_62 : i32
      %add3A_64 = vector.broadcast %add3A_63 : i32 to vector<16xi32>
      %add3A_65 = arith.addi %add3A_64, %iota3A : vector<16xi32>
      %swap3A_66 = arith.constant 16 : index
      %swap3A_67 = tpu.vector_load %arg11[%swap3A_66] {strides = array<i32>} : memref<40xi32, #tpu.memory_space<vmem>>, vector<16xi32>,
      tpu.vector_store %arg11[%swap3A_66], %add3A_65 {strides = array<i32>} : memref<40xi32, #tpu.memory_space<vmem>>, vector<16xi32>,
      %add3A_68 = arith.constant 24 : i32
      %add3A_69 = arith.addi %mul3A_58, %add3A_68 : i32
      %add3A_70 = vector.broadcast %add3A_69 : i32 to vector<16xi32>
      %add3A_71 = arith.addi %add3A_70, %iota3A : vector<16xi32>
      %swap3A_72 = arith.constant 24 : index
      %swap3A_73 = tpu.vector_load %arg11[%swap3A_72] {strides = array<i32>} : memref<40xi32, #tpu.memory_space<vmem>>, vector<16xi32>,
      tpu.vector_store %arg11[%swap3A_72], %add3A_71 {strides = array<i32>} : memref<40xi32, #tpu.memory_space<vmem>>, vector<16xi32>,
      "tpu.region"() ({
        %run_scoped3A_74 = tpu.sem_alloc : memref<!tpu.dma_semaphore, #tpu.memory_space<semaphore_mem>>
        %dma_start3A = arith.constant 0 : i32
        %dma_start3A_75 = arith.constant 0 : i32
        %dma_start3A_76 = tpu.memref_slice %arg13[%dma_start3A, %dma_start3A_75] : memref<10000x128xf32, #tpu.memory_space<vmem_shared>> -> memref<10000x128xf32, #tpu.memory_space<vmem_shared>>
        tpu.enqueue_indirect_dma source(%arg10 : memref<40x128xf32, #tpu.memory_space<vmem>>) target(%dma_start3A_76 : memref<10000x128xf32, #tpu.memory_space<vmem_shared>>) offsets(%arg11 : memref<40xi32, #tpu.memory_space<vmem>>) semaphore(%run_scoped3A_74 : memref<!tpu.dma_semaphore, #tpu.memory_space<semaphore_mem>>)
        %dma_wait3A_77 = arith.constant 0 : i32
        %dma_wait3A_78 = arith.constant 0 : i32
        %dma_wait3A_79 = tpu.memref_slice %arg13[%dma_wait3A_77, %dma_wait3A_78] : memref<10000x128xf32, #tpu.memory_space<vmem_shared>> -> memref<10000x128xf32, #tpu.memory_space<vmem_shared>>
        tpu.wait_indirect_dma semaphore(%run_scoped3A_74 : memref<!tpu.dma_semaphore, #tpu.memory_space<semaphore_mem>>) src(%arg10 : memref<40x128xf32, #tpu.memory_space<vmem>>) dst(%dma_wait3A_79 : memref<10000x128xf32, #tpu.memory_space<vmem_shared>>)
        tpu.yield
      }) : () -> ()
    }
    %run_scoped3A = arith.constant 0 : i32
    "tpu.region"() ({
      %run_scoped3A_56 = tpu.sem_alloc : memref<!tpu.dma_semaphore, #tpu.memory_space<semaphore_mem>>
      %dma_start3A = arith.constant 0 : i32
      %dma_start3A_57 = arith.constant 0 : i32
      %dma_start3A_58 = tpu.memref_slice %arg7[%run_scoped3A, %dma_start3A, %dma_start3A_57] : memref<2x8x50xi32, #tpu.memory_space<vmem>> -> memref<1x8x50xi32, #tpu.memory_space<vmem>>
      %dma_start3A_59 = tpu.memref_squeeze %dma_start3A_58 : memref<1x8x50xi32, #tpu.memory_space<vmem>> -> memref<8x50xi32, #tpu.memory_space<vmem>>
      %dma_start3A_60 = arith.constant 0 : i32
      %dma_start3A_61 = arith.constant 0 : i32
      %dma_start3A_62 = tpu.memref_slice %arg3[%arg1, %dma_start3A_60, %dma_start3A_61] : memref<16x400x50xi32, #tpu.memory_space<hbm>> -> memref<1x8x50xi32, #tpu.memory_space<hbm>>
      %dma_start3A_63 = tpu.memref_squeeze %dma_start3A_62 : memref<1x8x50xi32, #tpu.memory_space<hbm>> -> memref<8x50xi32, #tpu.memory_space<hbm>>
      %dma_start3A_64 = arith.constant 0 : i32
      %dma_start3A_65 = arith.constant 0 : i32
      %dma_start3A_66 = tpu.memref_slice %arg7[%run_scoped3A, %dma_start3A_64, %dma_start3A_65] : memref<2x8x50xi32, #tpu.memory_space<vmem>> -> memref<1x8x50xi32, #tpu.memory_space<vmem>>
      %dma_start3A_67 = tpu.memref_squeeze %dma_start3A_66 : memref<1x8x50xi32, #tpu.memory_space<vmem>> -> memref<8x50xi32, #tpu.memory_space<vmem>>
      %dma_start3A_68 = arith.constant 0 : i32
      %dma_start3A_69 = arith.constant 0 : i32
      %dma_start3A_70 = tpu.memref_slice %arg3[%arg1, %dma_start3A_68, %dma_start3A_69] : memref<16x400x50xi32, #tpu.memory_space<hbm>> -> memref<1x8x50xi32, #tpu.memory_space<hbm>>
      %dma_start3A_71 = tpu.memref_squeeze %dma_start3A_70 : memref<1x8x50xi32, #tpu.memory_space<hbm>> -> memref<8x50xi32, #tpu.memory_space<hbm>>
      tpu.enqueue_dma source(%dma_start3A_71 : memref<8x50xi32, #tpu.memory_space<hbm>>) target(%dma_start3A_67 : memref<8x50xi32, #tpu.memory_space<vmem>>) target_semaphore(%run_scoped3A_56 : memref<!tpu.dma_semaphore, #tpu.memory_space<semaphore_mem>>)
      %dma_wait3A_72 = arith.constant 0 : i32
      %dma_wait3A_73 = arith.constant 0 : i32
      %dma_wait3A_74 = tpu.memref_slice %arg7[%run_scoped3A, %dma_wait3A_72, %dma_wait3A_73] : memref<2x8x50xi32, #tpu.memory_space<vmem>> -> memref<1x8x50xi32, #tpu.memory_space<vmem>>
      %dma_wait3A_75 = tpu.memref_squeeze %dma_wait3A_74 : memref<1x8x50xi32, #tpu.memory_space<vmem>> -> memref<8x50xi32, #tpu.memory_space<vmem>>
      %dma_wait3A_76 = arith.constant 0 : i32
      %dma_wait3A_77 = arith.constant 0 : i32
      %dma_wait3A_78 = tpu.memref_slice %arg3[%arg1, %dma_wait3A_76, %dma_wait3A_77] : memref<16x400x50xi32, #tpu.memory_space<hbm>> -> memref<1x8x50xi32, #tpu.memory_space<hbm>>
      %dma_wait3A_79 = tpu.memref_squeeze %dma_wait3A_78 : memref<1x8x50xi32, #tpu.memory_space<hbm>> -> memref<8x50xi32, #tpu.memory_space<hbm>>
      %dma_wait3A_80 = arith.constant 0 : i32
      %dma_wait3A_81 = arith.constant 0 : i32
      %dma_wait3A_82 = tpu.memref_slice %arg7[%run_scoped3A, %dma_wait3A_80, %dma_wait3A_81] : memref<2x8x50xi32, #tpu.memory_space<vmem>> -> memref<1x8x50xi32, #tpu.memory_space<vmem>>
      %dma_wait3A_83 = tpu.memref_squeeze %dma_wait3A_82 : memref<1x8x50xi32, #tpu.memory_space<vmem>> -> memref<8x50xi32, #tpu.memory_space<vmem>>
      %dma_wait3A_84 = arith.constant 0 : i32
      %dma_wait3A_85 = arith.constant 0 : i32
      %dma_wait3A_86 = tpu.memref_slice %arg3[%arg1, %dma_wait3A_84, %dma_wait3A_85] : memref<16x400x50xi32, #tpu.memory_space<hbm>> -> memref<1x8x50xi32, #tpu.memory_space<hbm>>
      %dma_wait3A_87 = tpu.memref_squeeze %dma_wait3A_86 : memref<1x8x50xi32, #tpu.memory_space<hbm>> -> memref<8x50xi32, #tpu.memory_space<hbm>>
      tpu.wait_dma2 semaphore(%run_scoped3A_56 : memref<!tpu.dma_semaphore, #tpu.memory_space<semaphore_mem>>) src(%dma_wait3A_87 : memref<8x50xi32, #tpu.memory_space<hbm>>) dst(%dma_wait3A_83 : memref<8x50xi32, #tpu.memory_space<vmem>>)
      tpu.yield
    }) : () -> ()
    %run_scoped3A_27 = arith.constant 0 : i32
    "tpu.region"() ({
      %run_scoped3A_56 = tpu.sem_alloc : memref<!tpu.dma_semaphore, #tpu.memory_space<semaphore_mem>>
      %dma_start3A = arith.constant 0 : i32
      %dma_start3A_57 = arith.constant 0 : i32
      %dma_start3A_58 = tpu.memref_slice %arg8[%run_scoped3A_27, %dma_start3A, %dma_start3A_57] : memref<2x8x50xi32, #tpu.memory_space<vmem>> -> memref<1x8x50xi32, #tpu.memory_space<vmem>>
      %dma_start3A_59 = tpu.memref_squeeze %dma_start3A_58 : memref<1x8x50xi32, #tpu.memory_space<vmem>> -> memref<8x50xi32, #tpu.memory_space<vmem>>
      %dma_start3A_60 = arith.constant 0 : i32
      %dma_start3A_61 = arith.constant 0 : i32
      %dma_start3A_62 = tpu.memref_slice %arg4[%arg1, %dma_start3A_60, %dma_start3A_61] : memref<16x400x50xi32, #tpu.memory_space<hbm>> -> memref<1x8x50xi32, #tpu.memory_space<hbm>>
      %dma_start3A_63 = tpu.memref_squeeze %dma_start3A_62 : memref<1x8x50xi32, #tpu.memory_space<hbm>> -> memref<8x50xi32, #tpu.memory_space<hbm>>
      %dma_start3A_64 = arith.constant 0 : i32
      %dma_start3A_65 = arith.constant 0 : i32
      %dma_start3A_66 = tpu.memref_slice %arg8[%run_scoped3A_27, %dma_start3A_64, %dma_start3A_65] : memref<2x8x50xi32, #tpu.memory_space<vmem>> -> memref<1x8x50xi32, #tpu.memory_space<vmem>>
      %dma_start3A_67 = tpu.memref_squeeze %dma_start3A_66 : memref<1x8x50xi32, #tpu.memory_space<vmem>> -> memref<8x50xi32, #tpu.memory_space<vmem>>
      %dma_start3A_68 = arith.constant 0 : i32
      %dma_start3A_69 = arith.constant 0 : i32
      %dma_start3A_70 = tpu.memref_slice %arg4[%arg1, %dma_start3A_68, %dma_start3A_69] : memref<16x400x50xi32, #tpu.memory_space<hbm>> -> memref<1x8x50xi32, #tpu.memory_space<hbm>>
      %dma_start3A_71 = tpu.memref_squeeze %dma_start3A_70 : memref<1x8x50xi32, #tpu.memory_space<hbm>> -> memref<8x50xi32, #tpu.memory_space<hbm>>
      tpu.enqueue_dma source(%dma_start3A_71 : memref<8x50xi32, #tpu.memory_space<hbm>>) target(%dma_start3A_67 : memref<8x50xi32, #tpu.memory_space<vmem>>) target_semaphore(%run_scoped3A_56 : memref<!tpu.dma_semaphore, #tpu.memory_space<semaphore_mem>>)
      %dma_wait3A_72 = arith.constant 0 : i32
      %dma_wait3A_73 = arith.constant 0 : i32
      %dma_wait3A_74 = tpu.memref_slice %arg8[%run_scoped3A_27, %dma_wait3A_72, %dma_wait3A_73] : memref<2x8x50xi32, #tpu.memory_space<vmem>> -> memref<1x8x50xi32, #tpu.memory_space<vmem>>
      %dma_wait3A_75 = tpu.memref_squeeze %dma_wait3A_74 : memref<1x8x50xi32, #tpu.memory_space<vmem>> -> memref<8x50xi32, #tpu.memory_space<vmem>>
      %dma_wait3A_76 = arith.constant 0 : i32
      %dma_wait3A_77 = arith.constant 0 : i32
      %dma_wait3A_78 = tpu.memref_slice %arg4[%arg1, %dma_wait3A_76, %dma_wait3A_77] : memref<16x400x50xi32, #tpu.memory_space<hbm>> -> memref<1x8x50xi32, #tpu.memory_space<hbm>>
      %dma_wait3A_79 = tpu.memref_squeeze %dma_wait3A_78 : memref<1x8x50xi32, #tpu.memory_space<hbm>> -> memref<8x50xi32, #tpu.memory_space<hbm>>
      %dma_wait3A_80 = arith.constant 0 : i32
      %dma_wait3A_81 = arith.constant 0 : i32
      %dma_wait3A_82 = tpu.memref_slice %arg8[%run_scoped3A_27, %dma_wait3A_80, %dma_wait3A_81] : memref<2x8x50xi32, #tpu.memory_space<vmem>> -> memref<1x8x50xi32, #tpu.memory_space<vmem>>
      %dma_wait3A_83 = tpu.memref_squeeze %dma_wait3A_82 : memref<1x8x50xi32, #tpu.memory_space<vmem>> -> memref<8x50xi32, #tpu.memory_space<vmem>>
      %dma_wait3A_84 = arith.constant 0 : i32
      %dma_wait3A_85 = arith.constant 0 : i32
      %dma_wait3A_86 = tpu.memref_slice %arg4[%arg1, %dma_wait3A_84, %dma_wait3A_85] : memref<16x400x50xi32, #tpu.memory_space<hbm>> -> memref<1x8x50xi32, #tpu.memory_space<hbm>>
      %dma_wait3A_87 = tpu.memref_squeeze %dma_wait3A_86 : memref<1x8x50xi32, #tpu.memory_space<hbm>> -> memref<8x50xi32, #tpu.memory_space<hbm>>
      tpu.wait_dma2 semaphore(%run_scoped3A_56 : memref<!tpu.dma_semaphore, #tpu.memory_space<semaphore_mem>>) src(%dma_wait3A_87 : memref<8x50xi32, #tpu.memory_space<hbm>>) dst(%dma_wait3A_83 : memref<8x50xi32, #tpu.memory_space<vmem>>)
      tpu.yield
    }) : () -> ()
    %barrier3A = arith.constant 0 : index
    tpu.barrier barrier_id(%barrier3A)
    %scan3A_28 = arith.constant 0 : i32
    %scan3A_29 = arith.constant 0 : i32
    %scan3A_30 = arith.constant 50 : i32
    %scan3A_31 = arith.addi %scan3A_29, %scan3A_30 : i32
    %scan3A_32 = arith.constant 1 : i32
    scf.for %scan3A_56 = %scan3A_29 to %scan3A_31 step %scan3A_32  : i32 {
      %rem3A = arith.constant 2 : i32
      %rem3A_57 = arith.remsi %scan3A_56, %rem3A : i32
      %eq3A = arith.constant 0 : i32
      %eq3A_58 = arith.cmpi eq, %rem3A_57, %eq3A : i32
      %convert_element_type3A = arith.extui %eq3A_58 : i1 to i32
      %cond3A = arith.constant 0 : i32
      %cond3A_59 = arith.cmpi ne, %convert_element_type3A, %cond3A : i32
      scf.if %cond3A_59 {
        %gt3A = arith.constant 0 : i32
        %gt3A_65 = arith.cmpi sgt, %scan3A_56, %gt3A : i32
        %convert_element_type3A_66 = arith.extui %gt3A_65 : i1 to i32
        %cond3A_67 = arith.constant 0 : i32
        %cond3A_68 = arith.cmpi ne, %convert_element_type3A_66, %cond3A_67 : i32
        scf.if %cond3A_68 {
          %mul3A_696 = arith.constant 8 : i32
          %mul3A_697 = arith.muli %scan3A_56, %mul3A_696 : i32
          %dma_wait3A_698 = arith.constant 0 : i32
          %dma_wait3A_699 = arith.constant 0 : i32
          %dma_wait3A_700 = arith.constant 0 : i32
          %dma_wait3A_701 = tpu.memref_slice %arg7[%dma_wait3A_698, %dma_wait3A_699, %dma_wait3A_700] : memref<2x8x50xi32, #tpu.memory_space<vmem>> -> memref<1x8x50xi32, #tpu.memory_space<vmem>>
          %dma_wait3A_702 = tpu.memref_squeeze %dma_wait3A_701 : memref<1x8x50xi32, #tpu.memory_space<vmem>> -> memref<8x50xi32, #tpu.memory_space<vmem>>
          %dma_wait3A_703 = arith.constant 0 : i32
          %dma_wait3A_704 = tpu.memref_slice %arg3[%arg1, %mul3A_697, %dma_wait3A_703] : memref<16x400x50xi32, #tpu.memory_space<hbm>> -> memref<1x8x50xi32, #tpu.memory_space<hbm>>
          %dma_wait3A_705 = tpu.memref_squeeze %dma_wait3A_704 : memref<1x8x50xi32, #tpu.memory_space<hbm>> -> memref<8x50xi32, #tpu.memory_space<hbm>>
          %dma_wait3A_706 = arith.constant 0 : i32
          %dma_wait3A_707 = arith.constant 0 : i32
          %dma_wait3A_708 = tpu.memref_slice %arg7[%dma_wait3A_698, %dma_wait3A_706, %dma_wait3A_707] : memref<2x8x50xi32, #tpu.memory_space<vmem>> -> memref<1x8x50xi32, #tpu.memory_space<vmem>>
          %dma_wait3A_709 = tpu.memref_squeeze %dma_wait3A_708 : memref<1x8x50xi32, #tpu.memory_space<vmem>> -> memref<8x50xi32, #tpu.memory_space<vmem>>
          %dma_wait3A_710 = arith.constant 0 : i32
          %dma_wait3A_711 = tpu.memref_slice %arg3[%arg1, %mul3A_697, %dma_wait3A_710] : memref<16x400x50xi32, #tpu.memory_space<hbm>> -> memref<1x8x50xi32, #tpu.memory_space<hbm>>
          %dma_wait3A_712 = tpu.memref_squeeze %dma_wait3A_711 : memref<1x8x50xi32, #tpu.memory_space<hbm>> -> memref<8x50xi32, #tpu.memory_space<hbm>>
          tpu.wait_dma2 semaphore(%arg15 : memref<!tpu.dma_semaphore, #tpu.memory_space<semaphore_mem>>) src(%dma_wait3A_712 : memref<8x50xi32, #tpu.memory_space<hbm>>) dst(%dma_wait3A_709 : memref<8x50xi32, #tpu.memory_space<vmem>>)
          %mul3A_713 = arith.constant 8 : i32
          %mul3A_714 = arith.muli %scan3A_56, %mul3A_713 : i32
          %dma_wait3A_715 = arith.constant 0 : i32
          %dma_wait3A_716 = arith.constant 0 : i32
          %dma_wait3A_717 = arith.constant 0 : i32
          %dma_wait3A_718 = tpu.memref_slice %arg8[%dma_wait3A_715, %dma_wait3A_716, %dma_wait3A_717] : memref<2x8x50xi32, #tpu.memory_space<vmem>> -> memref<1x8x50xi32, #tpu.memory_space<vmem>>
          %dma_wait3A_719 = tpu.memref_squeeze %dma_wait3A_718 : memref<1x8x50xi32, #tpu.memory_space<vmem>> -> memref<8x50xi32, #tpu.memory_space<vmem>>
          %dma_wait3A_720 = arith.constant 0 : i32
          %dma_wait3A_721 = tpu.memref_slice %arg4[%arg1, %mul3A_714, %dma_wait3A_720] : memref<16x400x50xi32, #tpu.memory_space<hbm>> -> memref<1x8x50xi32, #tpu.memory_space<hbm>>
          %dma_wait3A_722 = tpu.memref_squeeze %dma_wait3A_721 : memref<1x8x50xi32, #tpu.memory_space<hbm>> -> memref<8x50xi32, #tpu.memory_space<hbm>>
          %dma_wait3A_723 = arith.constant 0 : i32
          %dma_wait3A_724 = arith.constant 0 : i32
          %dma_wait3A_725 = tpu.memref_slice %arg8[%dma_wait3A_715, %dma_wait3A_723, %dma_wait3A_724] : memref<2x8x50xi32, #tpu.memory_space<vmem>> -> memref<1x8x50xi32, #tpu.memory_space<vmem>>
          %dma_wait3A_726 = tpu.memref_squeeze %dma_wait3A_725 : memref<1x8x50xi32, #tpu.memory_space<vmem>> -> memref<8x50xi32, #tpu.memory_space<vmem>>
          %dma_wait3A_727 = arith.constant 0 : i32
          %dma_wait3A_728 = tpu.memref_slice %arg4[%arg1, %mul3A_714, %dma_wait3A_727] : memref<16x400x50xi32, #tpu.memory_space<hbm>> -> memref<1x8x50xi32, #tpu.memory_space<hbm>>
          %dma_wait3A_729 = tpu.memref_squeeze %dma_wait3A_728 : memref<1x8x50xi32, #tpu.memory_space<hbm>> -> memref<8x50xi32, #tpu.memory_space<hbm>>
          tpu.wait_dma2 semaphore(%arg15 : memref<!tpu.dma_semaphore, #tpu.memory_space<semaphore_mem>>) src(%dma_wait3A_729 : memref<8x50xi32, #tpu.memory_space<hbm>>) dst(%dma_wait3A_726 : memref<8x50xi32, #tpu.memory_space<vmem>>)
        } else {
        }
        %dma_start3A = arith.constant 0 : i32
        %dma_start3A_69 = arith.constant 0 : i32
        %dma_start3A_70 = arith.constant 0 : i32
        %dma_start3A_71 = arith.constant 0 : i32
        %dma_start3A_72 = arith.constant 0 : i32
        %dma_start3A_73 = tpu.memref_slice %arg9[%dma_start3A_70, %dma_start3A_71, %dma_start3A_72] : memref<2x50x128xf32, #tpu.memory_space<vmem>> -> memref<1x50x128xf32, #tpu.memory_space<vmem>>
        %dma_start3A_74 = tpu.memref_squeeze %dma_start3A_73 : memref<1x50x128xf32, #tpu.memory_space<vmem>> -> memref<50x128xf32, #tpu.memory_space<vmem>>
        %dma_start3A_75 = arith.constant 0 : i32
        %dma_start3A_76 = tpu.memref_slice %arg7[%dma_start3A, %dma_start3A_69, %dma_start3A_75] : memref<2x8x50xi32, #tpu.memory_space<vmem>> -> memref<1x1x50xi32, #tpu.memory_space<vmem>>
        %dma_start3A_77 = tpu.memref_squeeze %dma_start3A_76 : memref<1x1x50xi32, #tpu.memory_space<vmem>> -> memref<50xi32, #tpu.memory_space<vmem>>
        %dma_start3A_78 = arith.constant 0 : i32
        %dma_start3A_79 = arith.constant 0 : i32
        %dma_start3A_80 = tpu.memref_slice %arg2[%dma_start3A_78, %dma_start3A_79] : memref<10000x128xf32, #tpu.memory_space<hbm>> -> memref<10000x128xf32, #tpu.memory_space<hbm>>
        tpu.enqueue_indirect_dma source(%dma_start3A_80 : memref<10000x128xf32, #tpu.memory_space<hbm>>) target(%dma_start3A_74 : memref<50x128xf32, #tpu.memory_space<vmem>>) offsets(%dma_start3A_77 : memref<50xi32, #tpu.memory_space<vmem>>) semaphore(%arg14 : memref<!tpu.dma_semaphore, #tpu.memory_space<semaphore_mem>>)
        %dma_wait3A_81 = arith.constant 0 : i32
        %dma_wait3A_82 = arith.constant 0 : i32
        %dma_wait3A_83 = arith.constant 0 : i32
        %dma_wait3A_84 = arith.constant 0 : i32
        %dma_wait3A_85 = arith.constant 0 : i32
        %dma_wait3A_86 = tpu.memref_slice %arg9[%dma_wait3A_83, %dma_wait3A_84, %dma_wait3A_85] : memref<2x50x128xf32, #tpu.memory_space<vmem>> -> memref<1x50x128xf32, #tpu.memory_space<vmem>>
        %dma_wait3A_87 = tpu.memref_squeeze %dma_wait3A_86 : memref<1x50x128xf32, #tpu.memory_space<vmem>> -> memref<50x128xf32, #tpu.memory_space<vmem>>
        %dma_wait3A_88 = arith.constant 0 : i32
        %dma_wait3A_89 = tpu.memref_slice %arg7[%dma_wait3A_81, %dma_wait3A_82, %dma_wait3A_88] : memref<2x8x50xi32, #tpu.memory_space<vmem>> -> memref<1x1x50xi32, #tpu.memory_space<vmem>>
        %dma_wait3A_90 = tpu.memref_squeeze %dma_wait3A_89 : memref<1x1x50xi32, #tpu.memory_space<vmem>> -> memref<50xi32, #tpu.memory_space<vmem>>
        %dma_wait3A_91 = arith.constant 0 : i32
        %dma_wait3A_92 = arith.constant 0 : i32
        %dma_wait3A_93 = tpu.memref_slice %arg2[%dma_wait3A_91, %dma_wait3A_92] : memref<10000x128xf32, #tpu.memory_space<hbm>> -> memref<10000x128xf32, #tpu.memory_space<hbm>>
        tpu.wait_indirect_dma semaphore(%arg14 : memref<!tpu.dma_semaphore, #tpu.memory_space<semaphore_mem>>) src(%dma_wait3A_93 : memref<10000x128xf32, #tpu.memory_space<hbm>>) dst(%dma_wait3A_87 : memref<50x128xf32, #tpu.memory_space<vmem>>)
        %gt3A_94 = arith.constant 0 : i32
        %gt3A_95 = arith.cmpi sgt, %scan3A_56, %gt3A_94 : i32
        %convert_element_type3A_96 = arith.extui %gt3A_95 : i1 to i32
        %cond3A_97 = arith.constant 0 : i32
        %cond3A_98 = arith.cmpi ne, %convert_element_type3A_96, %cond3A_97 : i32
        scf.if %cond3A_98 {
          %dma_wait3A_696 = arith.constant 1 : i32
          %dma_wait3A_697 = arith.constant 1 : i32
          %dma_wait3A_698 = arith.constant 7 : i32
          %dma_wait3A_699 = arith.constant 0 : i32
          %dma_wait3A_700 = arith.constant 0 : i32
          %dma_wait3A_701 = tpu.memref_slice %arg9[%dma_wait3A_696, %dma_wait3A_699, %dma_wait3A_700] : memref<2x50x128xf32, #tpu.memory_space<vmem>> -> memref<1x50x128xf32, #tpu.memory_space<vmem>>
          %dma_wait3A_702 = tpu.memref_squeeze %dma_wait3A_701 : memref<1x50x128xf32, #tpu.memory_space<vmem>> -> memref<50x128xf32, #tpu.memory_space<vmem>>
          %dma_wait3A_703 = arith.constant 0 : i32
          %dma_wait3A_704 = tpu.memref_slice %arg8[%dma_wait3A_697, %dma_wait3A_698, %dma_wait3A_703] : memref<2x8x50xi32, #tpu.memory_space<vmem>> -> memref<1x1x50xi32, #tpu.memory_space<vmem>>
          %dma_wait3A_705 = tpu.memref_squeeze %dma_wait3A_704 : memref<1x1x50xi32, #tpu.memory_space<vmem>> -> memref<50xi32, #tpu.memory_space<vmem>>
          %dma_wait3A_706 = arith.constant 0 : i32
          %dma_wait3A_707 = arith.constant 0 : i32
          %dma_wait3A_708 = tpu.memref_slice %arg13[%dma_wait3A_706, %dma_wait3A_707] : memref<10000x128xf32, #tpu.memory_space<vmem_shared>> -> memref<10000x128xf32, #tpu.memory_space<vmem_shared>>
          tpu.wait_indirect_dma semaphore(%arg16 : memref<!tpu.dma_semaphore, #tpu.memory_space<semaphore_mem>>) src(%dma_wait3A_702 : memref<50x128xf32, #tpu.memory_space<vmem>>) dst(%dma_wait3A_708 : memref<10000x128xf32, #tpu.memory_space<vmem_shared>>)
        } else {
        }
        %add3A_99 = arith.constant 1 : i32
        %add3A_100 = arith.addi %scan3A_56, %add3A_99 : i32
        %lt3A = arith.constant 50 : i32
        %lt3A_101 = arith.cmpi slt, %add3A_100, %lt3A : i32
        %convert_element_type3A_102 = arith.extui %lt3A_101 : i1 to i32
        %cond3A_103 = arith.constant 0 : i32
        %cond3A_104 = arith.cmpi ne, %convert_element_type3A_102, %cond3A_103 : i32
        scf.if %cond3A_104 {
          %add3A_696 = arith.constant 1 : i32
          %add3A_697 = arith.addi %scan3A_56, %add3A_696 : i32
          %mul3A_698 = arith.constant 8 : i32
          %mul3A_699 = arith.muli %add3A_697, %mul3A_698 : i32
          %dma_start3A_700 = arith.constant 1 : i32
          %dma_start3A_701 = arith.constant 0 : i32
          %dma_start3A_702 = arith.constant 0 : i32
          %dma_start3A_703 = tpu.memref_slice %arg7[%dma_start3A_700, %dma_start3A_701, %dma_start3A_702] : memref<2x8x50xi32, #tpu.memory_space<vmem>> -> memref<1x8x50xi32, #tpu.memory_space<vmem>>
          %dma_start3A_704 = tpu.memref_squeeze %dma_start3A_703 : memref<1x8x50xi32, #tpu.memory_space<vmem>> -> memref<8x50xi32, #tpu.memory_space<vmem>>
          %dma_start3A_705 = arith.constant 0 : i32
          %dma_start3A_706 = tpu.memref_slice %arg3[%arg1, %mul3A_699, %dma_start3A_705] : memref<16x400x50xi32, #tpu.memory_space<hbm>> -> memref<1x8x50xi32, #tpu.memory_space<hbm>>
          %dma_start3A_707 = tpu.memref_squeeze %dma_start3A_706 : memref<1x8x50xi32, #tpu.memory_space<hbm>> -> memref<8x50xi32, #tpu.memory_space<hbm>>
          %dma_start3A_708 = arith.constant 0 : i32
          %dma_start3A_709 = arith.constant 0 : i32
          %dma_start3A_710 = tpu.memref_slice %arg7[%dma_start3A_700, %dma_start3A_708, %dma_start3A_709] : memref<2x8x50xi32, #tpu.memory_space<vmem>> -> memref<1x8x50xi32, #tpu.memory_space<vmem>>
          %dma_start3A_711 = tpu.memref_squeeze %dma_start3A_710 : memref<1x8x50xi32, #tpu.memory_space<vmem>> -> memref<8x50xi32, #tpu.memory_space<vmem>>
          %dma_start3A_712 = arith.constant 0 : i32
          %dma_start3A_713 = tpu.memref_slice %arg3[%arg1, %mul3A_699, %dma_start3A_712] : memref<16x400x50xi32, #tpu.memory_space<hbm>> -> memref<1x8x50xi32, #tpu.memory_space<hbm>>
          %dma_start3A_714 = tpu.memref_squeeze %dma_start3A_713 : memref<1x8x50xi32, #tpu.memory_space<hbm>> -> memref<8x50xi32, #tpu.memory_space<hbm>>
          tpu.enqueue_dma source(%dma_start3A_714 : memref<8x50xi32, #tpu.memory_space<hbm>>) target(%dma_start3A_711 : memref<8x50xi32, #tpu.memory_space<vmem>>) target_semaphore(%arg15 : memref<!tpu.dma_semaphore, #tpu.memory_space<semaphore_mem>>)
          %add3A_715 = arith.constant 1 : i32
          %add3A_716 = arith.addi %scan3A_56, %add3A_715 : i32
          %mul3A_717 = arith.constant 8 : i32
          %mul3A_718 = arith.muli %add3A_716, %mul3A_717 : i32
          %dma_start3A_719 = arith.constant 1 : i32
          %dma_start3A_720 = arith.constant 0 : i32
          %dma_start3A_721 = arith.constant 0 : i32
          %dma_start3A_722 = tpu.memref_slice %arg8[%dma_start3A_719, %dma_start3A_720, %dma_start3A_721] : memref<2x8x50xi32, #tpu.memory_space<vmem>> -> memref<1x8x50xi32, #tpu.memory_space<vmem>>
          %dma_start3A_723 = tpu.memref_squeeze %dma_start3A_722 : memref<1x8x50xi32, #tpu.memory_space<vmem>> -> memref<8x50xi32, #tpu.memory_space<vmem>>
          %dma_start3A_724 = arith.constant 0 : i32
          %dma_start3A_725 = tpu.memref_slice %arg4[%arg1, %mul3A_718, %dma_start3A_724] : memref<16x400x50xi32, #tpu.memory_space<hbm>> -> memref<1x8x50xi32, #tpu.memory_space<hbm>>
          %dma_start3A_726 = tpu.memref_squeeze %dma_start3A_725 : memref<1x8x50xi32, #tpu.memory_space<hbm>> -> memref<8x50xi32, #tpu.memory_space<hbm>>
          %dma_start3A_727 = arith.constant 0 : i32
          %dma_start3A_728 = arith.constant 0 : i32
          %dma_start3A_729 = tpu.memref_slice %arg8[%dma_start3A_719, %dma_start3A_727, %dma_start3A_728] : memref<2x8x50xi32, #tpu.memory_space<vmem>> -> memref<1x8x50xi32, #tpu.memory_space<vmem>>
          %dma_start3A_730 = tpu.memref_squeeze %dma_start3A_729 : memref<1x8x50xi32, #tpu.memory_space<vmem>> -> memref<8x50xi32, #tpu.memory_space<vmem>>
          %dma_start3A_731 = arith.constant 0 : i32
          %dma_start3A_732 = tpu.memref_slice %arg4[%arg1, %mul3A_718, %dma_start3A_731] : memref<16x400x50xi32, #tpu.memory_space<hbm>> -> memref<1x8x50xi32, #tpu.memory_space<hbm>>
          %dma_start3A_733 = tpu.memref_squeeze %dma_start3A_732 : memref<1x8x50xi32, #tpu.memory_space<hbm>> -> memref<8x50xi32, #tpu.memory_space<hbm>>
          tpu.enqueue_dma source(%dma_start3A_733 : memref<8x50xi32, #tpu.memory_space<hbm>>) target(%dma_start3A_730 : memref<8x50xi32, #tpu.memory_space<vmem>>) target_semaphore(%arg15 : memref<!tpu.dma_semaphore, #tpu.memory_space<semaphore_mem>>)
        } else {
        }
        %dma_start3A_105 = arith.constant 0 : i32
        %dma_start3A_106 = arith.constant 1 : i32
        %dma_start3A_107 = arith.constant 1 : i32
        %dma_start3A_108 = arith.constant 0 : i32
        %dma_start3A_109 = arith.constant 0 : i32
        %dma_start3A_110 = tpu.memref_slice %arg9[%dma_start3A_107, %dma_start3A_108, %dma_start3A_109] : memref<2x50x128xf32, #tpu.memory_space<vmem>> -> memref<1x50x128xf32, #tpu.memory_space<vmem>>
        %dma_start3A_111 = tpu.memref_squeeze %dma_start3A_110 : memref<1x50x128xf32, #tpu.memory_space<vmem>> -> memref<50x128xf32, #tpu.memory_space<vmem>>
        %dma_start3A_112 = arith.constant 0 : i32
        %dma_start3A_113 = tpu.memref_slice %arg7[%dma_start3A_105, %dma_start3A_106, %dma_start3A_112] : memref<2x8x50xi32, #tpu.memory_space<vmem>> -> memref<1x1x50xi32, #tpu.memory_space<vmem>>
        %dma_start3A_114 = tpu.memref_squeeze %dma_start3A_113 : memref<1x1x50xi32, #tpu.memory_space<vmem>> -> memref<50xi32, #tpu.memory_space<vmem>>
        %dma_start3A_115 = arith.constant 0 : i32
        %dma_start3A_116 = arith.constant 0 : i32
        %dma_start3A_117 = tpu.memref_slice %arg2[%dma_start3A_115, %dma_start3A_116] : memref<10000x128xf32, #tpu.memory_space<hbm>> -> memref<10000x128xf32, #tpu.memory_space<hbm>>
        tpu.enqueue_indirect_dma source(%dma_start3A_117 : memref<10000x128xf32, #tpu.memory_space<hbm>>) target(%dma_start3A_111 : memref<50x128xf32, #tpu.memory_space<vmem>>) offsets(%dma_start3A_114 : memref<50xi32, #tpu.memory_space<vmem>>) semaphore(%arg14 : memref<!tpu.dma_semaphore, #tpu.memory_space<semaphore_mem>>)
        %dma_start3A_118 = arith.constant 0 : i32
        %dma_start3A_119 = arith.constant 0 : i32
        %dma_start3A_120 = arith.constant 0 : i32
        %dma_start3A_121 = arith.constant 0 : i32
        %dma_start3A_122 = arith.constant 0 : i32
        %dma_start3A_123 = tpu.memref_slice %arg9[%dma_start3A_118, %dma_start3A_121, %dma_start3A_122] : memref<2x50x128xf32, #tpu.memory_space<vmem>> -> memref<1x50x128xf32, #tpu.memory_space<vmem>>
        %dma_start3A_124 = tpu.memref_squeeze %dma_start3A_123 : memref<1x50x128xf32, #tpu.memory_space<vmem>> -> memref<50x128xf32, #tpu.memory_space<vmem>>
        %dma_start3A_125 = arith.constant 0 : i32
        %dma_start3A_126 = tpu.memref_slice %arg8[%dma_start3A_119, %dma_start3A_120, %dma_start3A_125] : memref<2x8x50xi32, #tpu.memory_space<vmem>> -> memref<1x1x50xi32, #tpu.memory_space<vmem>>
        %dma_start3A_127 = tpu.memref_squeeze %dma_start3A_126 : memref<1x1x50xi32, #tpu.memory_space<vmem>> -> memref<50xi32, #tpu.memory_space<vmem>>
        %dma_start3A_128 = arith.constant 0 : i32
        %dma_start3A_129 = arith.constant 0 : i32
        %dma_start3A_130 = tpu.memref_slice %arg13[%dma_start3A_128, %dma_start3A_129] : memref<10000x128xf32, #tpu.memory_space<vmem_shared>> -> memref<10000x128xf32, #tpu.memory_space<vmem_shared>>
        tpu.enqueue_indirect_dma source(%dma_start3A_124 : memref<50x128xf32, #tpu.memory_space<vmem>>) target(%dma_start3A_130 : memref<10000x128xf32, #tpu.memory_space<vmem_shared>>) offsets(%dma_start3A_127 : memref<50xi32, #tpu.memory_space<vmem>>) semaphore(%arg16 : memref<!tpu.dma_semaphore, #tpu.memory_space<semaphore_mem>>) {add = true}
        %get3A = arith.constant 0 : i32
        %get3A_131 = arith.constant 0 : i32
        %get3A_132 = arith.index_cast %get3A : i32 to index
        %get3A_133 = arith.index_cast %get3A_131 : i32 to index
        %get3A_134 = arith.constant 0 : index
        %get3A_135 = tpu.vector_load %arg8[%get3A_132, %get3A_133, %get3A_134] {strides = array<i32>} : memref<2x8x50xi32, #tpu.memory_space<vmem>>, vector<16xi32>,
        tpu.vector_store_idx %arg12[%get3A_135], %broadcast_in_dim3A_5 {add = true} : memref<10000xf32, #tpu.memory_space<vmem>>[vector<16xi32>], vector<16xf32>,
        %get3A_136 = arith.constant 0 : i32
        %get3A_137 = arith.constant 0 : i32
        %get3A_138 = arith.index_cast %get3A_136 : i32 to index
        %get3A_139 = arith.index_cast %get3A_137 : i32 to index
        %get3A_140 = arith.constant 16 : index
        %get3A_141 = tpu.vector_load %arg8[%get3A_138, %get3A_139, %get3A_140] {strides = array<i32>} : memref<2x8x50xi32, #tpu.memory_space<vmem>>, vector<16xi32>,
        tpu.vector_store_idx %arg12[%get3A_141], %broadcast_in_dim3A_5 {add = true} : memref<10000xf32, #tpu.memory_space<vmem>>[vector<16xi32>], vector<16xf32>,
        %get3A_142 = arith.constant 0 : i32
        %get3A_143 = arith.constant 0 : i32
        %get3A_144 = arith.index_cast %get3A_142 : i32 to index
        %get3A_145 = arith.index_cast %get3A_143 : i32 to index
        %get3A_146 = arith.constant 32 : index
        %get3A_147 = tpu.vector_load %arg8[%get3A_144, %get3A_145, %get3A_146] {strides = array<i32>} : memref<2x8x50xi32, #tpu.memory_space<vmem>>, vector<16xi32>,
        tpu.vector_store_idx %arg12[%get3A_147], %broadcast_in_dim3A_5 {add = true} : memref<10000xf32, #tpu.memory_space<vmem>>[vector<16xi32>], vector<16xf32>,
        %get3A_148 = arith.constant 0 : i32
        %get3A_149 = arith.constant 0 : i32
        %get3A_150 = arith.index_cast %get3A_148 : i32 to index
        %get3A_151 = arith.index_cast %get3A_149 : i32 to index
        %get3A_152 = arith.constant 34 : index
        %get3A_153 = tpu.vector_load %arg8[%get3A_150, %get3A_151, %get3A_152] {strides = array<i32>} : memref<2x8x50xi32, #tpu.memory_space<vmem>>, vector<16xi32>,
        %ge3A = arith.constant 14 : i32
        %ge3A_154 = vector.broadcast %ge3A : i32 to vector<16xi32>
        %ge3A_155 = arith.cmpi sge, %iota3A, %ge3A_154 : vector<16xi32>
        tpu.vector_store_idx %arg12[%get3A_153], %broadcast_in_dim3A_5 masked %ge3A_155 {add = true} : memref<10000xf32, #tpu.memory_space<vmem>>[vector<16xi32>], vector<16xf32>, vector<16xi1>
        %dma_wait3A_156 = arith.constant 0 : i32
        %dma_wait3A_157 = arith.constant 1 : i32
        %dma_wait3A_158 = arith.constant 1 : i32
        %dma_wait3A_159 = arith.constant 0 : i32
        %dma_wait3A_160 = arith.constant 0 : i32
        %dma_wait3A_161 = tpu.memref_slice %arg9[%dma_wait3A_158, %dma_wait3A_159, %dma_wait3A_160] : memref<2x50x128xf32, #tpu.memory_space<vmem>> -> memref<1x50x128xf32, #tpu.memory_space<vmem>>
        %dma_wait3A_162 = tpu.memref_squeeze %dma_wait3A_161 : memref<1x50x128xf32, #tpu.memory_space<vmem>> -> memref<50x128xf32, #tpu.memory_space<vmem>>
        %dma_wait3A_163 = arith.constant 0 : i32
        %dma_wait3A_164 = tpu.memref_slice %arg7[%dma_wait3A_156, %dma_wait3A_157, %dma_wait3A_163] : memref<2x8x50xi32, #tpu.memory_space<vmem>> -> memref<1x1x50xi32, #tpu.memory_space<vmem>>
        %dma_wait3A_165 = tpu.memref_squeeze %dma_wait3A_164 : memref<1x1x50xi32, #tpu.memory_space<vmem>> -> memref<50xi32, #tpu.memory_space<vmem>>
        %dma_wait3A_166 = arith.constant 0 : i32
        %dma_wait3A_167 = arith.constant 0 : i32
        %dma_wait3A_168 = tpu.memref_slice %arg2[%dma_wait3A_166, %dma_wait3A_167] : memref<10000x128xf32, #tpu.memory_space<hbm>> -> memref<10000x128xf32, #tpu.memory_space<hbm>>
        tpu.wait_indirect_dma semaphore(%arg14 : memref<!tpu.dma_semaphore, #tpu.memory_space<semaphore_mem>>) src(%dma_wait3A_168 : memref<10000x128xf32, #tpu.memory_space<hbm>>) dst(%dma_wait3A_162 : memref<50x128xf32, #tpu.memory_space<vmem>>)
        %dma_wait3A_169 = arith.constant 0 : i32
        %dma_wait3A_170 = arith.constant 0 : i32
        %dma_wait3A_171 = arith.constant 0 : i32
        %dma_wait3A_172 = arith.constant 0 : i32
        %dma_wait3A_173 = arith.constant 0 : i32
        %dma_wait3A_174 = tpu.memref_slice %arg9[%dma_wait3A_169, %dma_wait3A_172, %dma_wait3A_173] : memref<2x50x128xf32, #tpu.memory_space<vmem>> -> memref<1x50x128xf32, #tpu.memory_space<vmem>>
        %dma_wait3A_175 = tpu.memref_squeeze %dma_wait3A_174 : memref<1x50x128xf32, #tpu.memory_space<vmem>> -> memref<50x128xf32, #tpu.memory_space<vmem>>
        %dma_wait3A_176 = arith.constant 0 : i32
        %dma_wait3A_177 = tpu.memref_slice %arg8[%dma_wait3A_170, %dma_wait3A_171, %dma_wait3A_176] : memref<2x8x50xi32, #tpu.memory_space<vmem>> -> memref<1x1x50xi32, #tpu.memory_space<vmem>>
        %dma_wait3A_178 = tpu.memref_squeeze %dma_wait3A_177 : memref<1x1x50xi32, #tpu.memory_space<vmem>> -> memref<50xi32, #tpu.memory_space<vmem>>
        %dma_wait3A_179 = arith.constant 0 : i32
        %dma_wait3A_180 = arith.constant 0 : i32
        %dma_wait3A_181 = tpu.memref_slice %arg13[%dma_wait3A_179, %dma_wait3A_180] : memref<10000x128xf32, #tpu.memory_space<vmem_shared>> -> memref<10000x128xf32, #tpu.memory_space<vmem_shared>>
        tpu.wait_indirect_dma semaphore(%arg16 : memref<!tpu.dma_semaphore, #tpu.memory_space<semaphore_mem>>) src(%dma_wait3A_175 : memref<50x128xf32, #tpu.memory_space<vmem>>) dst(%dma_wait3A_181 : memref<10000x128xf32, #tpu.memory_space<vmem_shared>>)
        %dma_start3A_182 = arith.constant 0 : i32
        %dma_start3A_183 = arith.constant 2 : i32
        %dma_start3A_184 = arith.constant 0 : i32
        %dma_start3A_185 = arith.constant 0 : i32
        %dma_start3A_186 = arith.constant 0 : i32
        %dma_start3A_187 = tpu.memref_slice %arg9[%dma_start3A_184, %dma_start3A_185, %dma_start3A_186] : memref<2x50x128xf32, #tpu.memory_space<vmem>> -> memref<1x50x128xf32, #tpu.memory_space<vmem>>
        %dma_start3A_188 = tpu.memref_squeeze %dma_start3A_187 : memref<1x50x128xf32, #tpu.memory_space<vmem>> -> memref<50x128xf32, #tpu.memory_space<vmem>>
        %dma_start3A_189 = arith.constant 0 : i32
        %dma_start3A_190 = tpu.memref_slice %arg7[%dma_start3A_182, %dma_start3A_183, %dma_start3A_189] : memref<2x8x50xi32, #tpu.memory_space<vmem>> -> memref<1x1x50xi32, #tpu.memory_space<vmem>>
        %dma_start3A_191 = tpu.memref_squeeze %dma_start3A_190 : memref<1x1x50xi32, #tpu.memory_space<vmem>> -> memref<50xi32, #tpu.memory_space<vmem>>
        %dma_start3A_192 = arith.constant 0 : i32
        %dma_start3A_193 = arith.constant 0 : i32
        %dma_start3A_194 = tpu.memref_slice %arg2[%dma_start3A_192, %dma_start3A_193] : memref<10000x128xf32, #tpu.memory_space<hbm>> -> memref<10000x128xf32, #tpu.memory_space<hbm>>
        tpu.enqueue_indirect_dma source(%dma_start3A_194 : memref<10000x128xf32, #tpu.memory_space<hbm>>) target(%dma_start3A_188 : memref<50x128xf32, #tpu.memory_space<vmem>>) offsets(%dma_start3A_191 : memref<50xi32, #tpu.memory_space<vmem>>) semaphore(%arg14 : memref<!tpu.dma_semaphore, #tpu.memory_space<semaphore_mem>>)
        %dma_start3A_195 = arith.constant 1 : i32
        %dma_start3A_196 = arith.constant 0 : i32
        %dma_start3A_197 = arith.constant 1 : i32
        %dma_start3A_198 = arith.constant 0 : i32
        %dma_start3A_199 = arith.constant 0 : i32
        %dma_start3A_200 = tpu.memref_slice %arg9[%dma_start3A_195, %dma_start3A_198, %dma_start3A_199] : memref<2x50x128xf32, #tpu.memory_space<vmem>> -> memref<1x50x128xf32, #tpu.memory_space<vmem>>
        %dma_start3A_201 = tpu.memref_squeeze %dma_start3A_200 : memref<1x50x128xf32, #tpu.memory_space<vmem>> -> memref<50x128xf32, #tpu.memory_space<vmem>>
        %dma_start3A_202 = arith.constant 0 : i32
        %dma_start3A_203 = tpu.memref_slice %arg8[%dma_start3A_196, %dma_start3A_197, %dma_start3A_202] : memref<2x8x50xi32, #tpu.memory_space<vmem>> -> memref<1x1x50xi32, #tpu.memory_space<vmem>>
        %dma_start3A_204 = tpu.memref_squeeze %dma_start3A_203 : memref<1x1x50xi32, #tpu.memory_space<vmem>> -> memref<50xi32, #tpu.memory_space<vmem>>
        %dma_start3A_205 = arith.constant 0 : i32
        %dma_start3A_206 = arith.constant 0 : i32
        %dma_start3A_207 = tpu.memref_slice %arg13[%dma_start3A_205, %dma_start3A_206] : memref<10000x128xf32, #tpu.memory_space<vmem_shared>> -> memref<10000x128xf32, #tpu.memory_space<vmem_shared>>
        tpu.enqueue_indirect_dma source(%dma_start3A_201 : memref<50x128xf32, #tpu.memory_space<vmem>>) target(%dma_start3A_207 : memref<10000x128xf32, #tpu.memory_space<vmem_shared>>) offsets(%dma_start3A_204 : memref<50xi32, #tpu.memory_space<vmem>>) semaphore(%arg16 : memref<!tpu.dma_semaphore, #tpu.memory_space<semaphore_mem>>) {add = true}
        %get3A_208 = arith.constant 0 : i32
        %get3A_209 = arith.constant 1 : i32
        %get3A_210 = arith.index_cast %get3A_208 : i32 to index
        %get3A_211 = arith.index_cast %get3A_209 : i32 to index
        %get3A_212 = arith.constant 0 : index
        %get3A_213 = tpu.vector_load %arg8[%get3A_210, %get3A_211, %get3A_212] {strides = array<i32>} : memref<2x8x50xi32, #tpu.memory_space<vmem>>, vector<16xi32>,
        tpu.vector_store_idx %arg12[%get3A_213], %broadcast_in_dim3A_5 {add = true} : memref<10000xf32, #tpu.memory_space<vmem>>[vector<16xi32>], vector<16xf32>,
        %get3A_214 = arith.constant 0 : i32
        %get3A_215 = arith.constant 1 : i32
        %get3A_216 = arith.index_cast %get3A_214 : i32 to index
        %get3A_217 = arith.index_cast %get3A_215 : i32 to index
        %get3A_218 = arith.constant 16 : index
        %get3A_219 = tpu.vector_load %arg8[%get3A_216, %get3A_217, %get3A_218] {strides = array<i32>} : memref<2x8x50xi32, #tpu.memory_space<vmem>>, vector<16xi32>,
        tpu.vector_store_idx %arg12[%get3A_219], %broadcast_in_dim3A_5 {add = true} : memref<10000xf32, #tpu.memory_space<vmem>>[vector<16xi32>], vector<16xf32>,
        %get3A_220 = arith.constant 0 : i32
        %get3A_221 = arith.constant 1 : i32
        %get3A_222 = arith.index_cast %get3A_220 : i32 to index
        %get3A_223 = arith.index_cast %get3A_221 : i32 to index
        %get3A_224 = arith.constant 32 : index
        %get3A_225 = tpu.vector_load %arg8[%get3A_222, %get3A_223, %get3A_224] {strides = array<i32>} : memref<2x8x50xi32, #tpu.memory_space<vmem>>, vector<16xi32>,
        tpu.vector_store_idx %arg12[%get3A_225], %broadcast_in_dim3A_5 {add = true} : memref<10000xf32, #tpu.memory_space<vmem>>[vector<16xi32>], vector<16xf32>,
        %get3A_226 = arith.constant 0 : i32
        %get3A_227 = arith.constant 1 : i32
        %get3A_228 = arith.index_cast %get3A_226 : i32 to index
        %get3A_229 = arith.index_cast %get3A_227 : i32 to index
        %get3A_230 = arith.constant 34 : index
        %get3A_231 = tpu.vector_load %arg8[%get3A_228, %get3A_229, %get3A_230] {strides = array<i32>} : memref<2x8x50xi32, #tpu.memory_space<vmem>>, vector<16xi32>,
        %ge3A_232 = arith.constant 14 : i32
        %ge3A_233 = vector.broadcast %ge3A_232 : i32 to vector<16xi32>
        %ge3A_234 = arith.cmpi sge, %iota3A, %ge3A_233 : vector<16xi32>
        tpu.vector_store_idx %arg12[%get3A_231], %broadcast_in_dim3A_5 masked %ge3A_234 {add = true} : memref<10000xf32, #tpu.memory_space<vmem>>[vector<16xi32>], vector<16xf32>, vector<16xi1>
        %dma_wait3A_235 = arith.constant 0 : i32
        %dma_wait3A_236 = arith.constant 2 : i32
        %dma_wait3A_237 = arith.constant 0 : i32
        %dma_wait3A_238 = arith.constant 0 : i32
        %dma_wait3A_239 = arith.constant 0 : i32
        %dma_wait3A_240 = tpu.memref_slice %arg9[%dma_wait3A_237, %dma_wait3A_238, %dma_wait3A_239] : memref<2x50x128xf32, #tpu.memory_space<vmem>> -> memref<1x50x128xf32, #tpu.memory_space<vmem>>
        %dma_wait3A_241 = tpu.memref_squeeze %dma_wait3A_240 : memref<1x50x128xf32, #tpu.memory_space<vmem>> -> memref<50x128xf32, #tpu.memory_space<vmem>>
        %dma_wait3A_242 = arith.constant 0 : i32
        %dma_wait3A_243 = tpu.memref_slice %arg7[%dma_wait3A_235, %dma_wait3A_236, %dma_wait3A_242] : memref<2x8x50xi32, #tpu.memory_space<vmem>> -> memref<1x1x50xi32, #tpu.memory_space<vmem>>
        %dma_wait3A_244 = tpu.memref_squeeze %dma_wait3A_243 : memref<1x1x50xi32, #tpu.memory_space<vmem>> -> memref<50xi32, #tpu.memory_space<vmem>>
        %dma_wait3A_245 = arith.constant 0 : i32
        %dma_wait3A_246 = arith.constant 0 : i32
        %dma_wait3A_247 = tpu.memref_slice %arg2[%dma_wait3A_245, %dma_wait3A_246] : memref<10000x128xf32, #tpu.memory_space<hbm>> -> memref<10000x128xf32, #tpu.memory_space<hbm>>
        tpu.wait_indirect_dma semaphore(%arg14 : memref<!tpu.dma_semaphore, #tpu.memory_space<semaphore_mem>>) src(%dma_wait3A_247 : memref<10000x128xf32, #tpu.memory_space<hbm>>) dst(%dma_wait3A_241 : memref<50x128xf32, #tpu.memory_space<vmem>>)
        %dma_wait3A_248 = arith.constant 1 : i32
        %dma_wait3A_249 = arith.constant 0 : i32
        %dma_wait3A_250 = arith.constant 1 : i32
        %dma_wait3A_251 = arith.constant 0 : i32
        %dma_wait3A_252 = arith.constant 0 : i32
        %dma_wait3A_253 = tpu.memref_slice %arg9[%dma_wait3A_248, %dma_wait3A_251, %dma_wait3A_252] : memref<2x50x128xf32, #tpu.memory_space<vmem>> -> memref<1x50x128xf32, #tpu.memory_space<vmem>>
        %dma_wait3A_254 = tpu.memref_squeeze %dma_wait3A_253 : memref<1x50x128xf32, #tpu.memory_space<vmem>> -> memref<50x128xf32, #tpu.memory_space<vmem>>
        %dma_wait3A_255 = arith.constant 0 : i32
        %dma_wait3A_256 = tpu.memref_slice %arg8[%dma_wait3A_249, %dma_wait3A_250, %dma_wait3A_255] : memref<2x8x50xi32, #tpu.memory_space<vmem>> -> memref<1x1x50xi32, #tpu.memory_space<vmem>>
        %dma_wait3A_257 = tpu.memref_squeeze %dma_wait3A_256 : memref<1x1x50xi32, #tpu.memory_space<vmem>> -> memref<50xi32, #tpu.memory_space<vmem>>
        %dma_wait3A_258 = arith.constant 0 : i32
        %dma_wait3A_259 = arith.constant 0 : i32
        %dma_wait3A_260 = tpu.memref_slice %arg13[%dma_wait3A_258, %dma_wait3A_259] : memref<10000x128xf32, #tpu.memory_space<vmem_shared>> -> memref<10000x128xf32, #tpu.memory_space<vmem_shared>>
        tpu.wait_indirect_dma semaphore(%arg16 : memref<!tpu.dma_semaphore, #tpu.memory_space<semaphore_mem>>) src(%dma_wait3A_254 : memref<50x128xf32, #tpu.memory_space<vmem>>) dst(%dma_wait3A_260 : memref<10000x128xf32, #tpu.memory_space<vmem_shared>>)
        %dma_start3A_261 = arith.constant 0 : i32
        %dma_start3A_262 = arith.constant 3 : i32
        %dma_start3A_263 = arith.constant 1 : i32
        %dma_start3A_264 = arith.constant 0 : i32
        %dma_start3A_265 = arith.constant 0 : i32
        %dma_start3A_266 = tpu.memref_slice %arg9[%dma_start3A_263, %dma_start3A_264, %dma_start3A_265] : memref<2x50x128xf32, #tpu.memory_space<vmem>> -> memref<1x50x128xf32, #tpu.memory_space<vmem>>
        %dma_start3A_267 = tpu.memref_squeeze %dma_start3A_266 : memref<1x50x128xf32, #tpu.memory_space<vmem>> -> memref<50x128xf32, #tpu.memory_space<vmem>>
        %dma_start3A_268 = arith.constant 0 : i32
        %dma_start3A_269 = tpu.memref_slice %arg7[%dma_start3A_261, %dma_start3A_262, %dma_start3A_268] : memref<2x8x50xi32, #tpu.memory_space<vmem>> -> memref<1x1x50xi32, #tpu.memory_space<vmem>>
        %dma_start3A_270 = tpu.memref_squeeze %dma_start3A_269 : memref<1x1x50xi32, #tpu.memory_space<vmem>> -> memref<50xi32, #tpu.memory_space<vmem>>
        %dma_start3A_271 = arith.constant 0 : i32
        %dma_start3A_272 = arith.constant 0 : i32
        %dma_start3A_273 = tpu.memref_slice %arg2[%dma_start3A_271, %dma_start3A_272] : memref<10000x128xf32, #tpu.memory_space<hbm>> -> memref<10000x128xf32, #tpu.memory_space<hbm>>
        tpu.enqueue_indirect_dma source(%dma_start3A_273 : memref<10000x128xf32, #tpu.memory_space<hbm>>) target(%dma_start3A_267 : memref<50x128xf32, #tpu.memory_space<vmem>>) offsets(%dma_start3A_270 : memref<50xi32, #tpu.memory_space<vmem>>) semaphore(%arg14 : memref<!tpu.dma_semaphore, #tpu.memory_space<semaphore_mem>>)
        %dma_start3A_274 = arith.constant 0 : i32
        %dma_start3A_275 = arith.constant 0 : i32
        %dma_start3A_276 = arith.constant 2 : i32
        %dma_start3A_277 = arith.constant 0 : i32
        %dma_start3A_278 = arith.constant 0 : i32
        %dma_start3A_279 = tpu.memref_slice %arg9[%dma_start3A_274, %dma_start3A_277, %dma_start3A_278] : memref<2x50x128xf32, #tpu.memory_space<vmem>> -> memref<1x50x128xf32, #tpu.memory_space<vmem>>
        %dma_start3A_280 = tpu.memref_squeeze %dma_start3A_279 : memref<1x50x128xf32, #tpu.memory_space<vmem>> -> memref<50x128xf32, #tpu.memory_space<vmem>>
        %dma_start3A_281 = arith.constant 0 : i32
        %dma_start3A_282 = tpu.memref_slice %arg8[%dma_start3A_275, %dma_start3A_276, %dma_start3A_281] : memref<2x8x50xi32, #tpu.memory_space<vmem>> -> memref<1x1x50xi32, #tpu.memory_space<vmem>>
        %dma_start3A_283 = tpu.memref_squeeze %dma_start3A_282 : memref<1x1x50xi32, #tpu.memory_space<vmem>> -> memref<50xi32, #tpu.memory_space<vmem>>
        %dma_start3A_284 = arith.constant 0 : i32
        %dma_start3A_285 = arith.constant 0 : i32
        %dma_start3A_286 = tpu.memref_slice %arg13[%dma_start3A_284, %dma_start3A_285] : memref<10000x128xf32, #tpu.memory_space<vmem_shared>> -> memref<10000x128xf32, #tpu.memory_space<vmem_shared>>
        tpu.enqueue_indirect_dma source(%dma_start3A_280 : memref<50x128xf32, #tpu.memory_space<vmem>>) target(%dma_start3A_286 : memref<10000x128xf32, #tpu.memory_space<vmem_shared>>) offsets(%dma_start3A_283 : memref<50xi32, #tpu.memory_space<vmem>>) semaphore(%arg16 : memref<!tpu.dma_semaphore, #tpu.memory_space<semaphore_mem>>) {add = true}
        %get3A_287 = arith.constant 0 : i32
        %get3A_288 = arith.constant 2 : i32
        %get3A_289 = arith.index_cast %get3A_287 : i32 to index
        %get3A_290 = arith.index_cast %get3A_288 : i32 to index
        %get3A_291 = arith.constant 0 : index
        %get3A_292 = tpu.vector_load %arg8[%get3A_289, %get3A_290, %get3A_291] {strides = array<i32>} : memref<2x8x50xi32, #tpu.memory_space<vmem>>, vector<16xi32>,
        tpu.vector_store_idx %arg12[%get3A_292], %broadcast_in_dim3A_5 {add = true} : memref<10000xf32, #tpu.memory_space<vmem>>[vector<16xi32>], vector<16xf32>,
        %get3A_293 = arith.constant 0 : i32
        %get3A_294 = arith.constant 2 : i32
        %get3A_295 = arith.index_cast %get3A_293 : i32 to index
        %get3A_296 = arith.index_cast %get3A_294 : i32 to index
        %get3A_297 = arith.constant 16 : index
        %get3A_298 = tpu.vector_load %arg8[%get3A_295, %get3A_296, %get3A_297] {strides = array<i32>} : memref<2x8x50xi32, #tpu.memory_space<vmem>>, vector<16xi32>,
        tpu.vector_store_idx %arg12[%get3A_298], %broadcast_in_dim3A_5 {add = true} : memref<10000xf32, #tpu.memory_space<vmem>>[vector<16xi32>], vector<16xf32>,
        %get3A_299 = arith.constant 0 : i32
        %get3A_300 = arith.constant 2 : i32
        %get3A_301 = arith.index_cast %get3A_299 : i32 to index
        %get3A_302 = arith.index_cast %get3A_300 : i32 to index
        %get3A_303 = arith.constant 32 : index
        %get3A_304 = tpu.vector_load %arg8[%get3A_301, %get3A_302, %get3A_303] {strides = array<i32>} : memref<2x8x50xi32, #tpu.memory_space<vmem>>, vector<16xi32>,
        tpu.vector_store_idx %arg12[%get3A_304], %broadcast_in_dim3A_5 {add = true} : memref<10000xf32, #tpu.memory_space<vmem>>[vector<16xi32>], vector<16xf32>,
        %get3A_305 = arith.constant 0 : i32
        %get3A_306 = arith.constant 2 : i32
        %get3A_307 = arith.index_cast %get3A_305 : i32 to index
        %get3A_308 = arith.index_cast %get3A_306 : i32 to index
        %get3A_309 = arith.constant 34 : index
        %get3A_310 = tpu.vector_load %arg8[%get3A_307, %get3A_308, %get3A_309] {strides = array<i32>} : memref<2x8x50xi32, #tpu.memory_space<vmem>>, vector<16xi32>,
        %ge3A_311 = arith.constant 14 : i32
        %ge3A_312 = vector.broadcast %ge3A_311 : i32 to vector<16xi32>
        %ge3A_313 = arith.cmpi sge, %iota3A, %ge3A_312 : vector<16xi32>
        tpu.vector_store_idx %arg12[%get3A_310], %broadcast_in_dim3A_5 masked %ge3A_313 {add = true} : memref<10000xf32, #tpu.memory_space<vmem>>[vector<16xi32>], vector<16xf32>, vector<16xi1>
        %dma_wait3A_314 = arith.constant 0 : i32
        %dma_wait3A_315 = arith.constant 3 : i32
        %dma_wait3A_316 = arith.constant 1 : i32
        %dma_wait3A_317 = arith.constant 0 : i32
        %dma_wait3A_318 = arith.constant 0 : i32
        %dma_wait3A_319 = tpu.memref_slice %arg9[%dma_wait3A_316, %dma_wait3A_317, %dma_wait3A_318] : memref<2x50x128xf32, #tpu.memory_space<vmem>> -> memref<1x50x128xf32, #tpu.memory_space<vmem>>
        %dma_wait3A_320 = tpu.memref_squeeze %dma_wait3A_319 : memref<1x50x128xf32, #tpu.memory_space<vmem>> -> memref<50x128xf32, #tpu.memory_space<vmem>>
        %dma_wait3A_321 = arith.constant 0 : i32
        %dma_wait3A_322 = tpu.memref_slice %arg7[%dma_wait3A_314, %dma_wait3A_315, %dma_wait3A_321] : memref<2x8x50xi32, #tpu.memory_space<vmem>> -> memref<1x1x50xi32, #tpu.memory_space<vmem>>
        %dma_wait3A_323 = tpu.memref_squeeze %dma_wait3A_322 : memref<1x1x50xi32, #tpu.memory_space<vmem>> -> memref<50xi32, #tpu.memory_space<vmem>>
        %dma_wait3A_324 = arith.constant 0 : i32
        %dma_wait3A_325 = arith.constant 0 : i32
        %dma_wait3A_326 = tpu.memref_slice %arg2[%dma_wait3A_324, %dma_wait3A_325] : memref<10000x128xf32, #tpu.memory_space<hbm>> -> memref<10000x128xf32, #tpu.memory_space<hbm>>
        tpu.wait_indirect_dma semaphore(%arg14 : memref<!tpu.dma_semaphore, #tpu.memory_space<semaphore_mem>>) src(%dma_wait3A_326 : memref<10000x128xf32, #tpu.memory_space<hbm>>) dst(%dma_wait3A_320 : memref<50x128xf32, #tpu.memory_space<vmem>>)
        %dma_wait3A_327 = arith.constant 0 : i32
        %dma_wait3A_328 = arith.constant 0 : i32
        %dma_wait3A_329 = arith.constant 2 : i32
        %dma_wait3A_330 = arith.constant 0 : i32
        %dma_wait3A_331 = arith.constant 0 : i32
        %dma_wait3A_332 = tpu.memref_slice %arg9[%dma_wait3A_327, %dma_wait3A_330, %dma_wait3A_331] : memref<2x50x128xf32, #tpu.memory_space<vmem>> -> memref<1x50x128xf32, #tpu.memory_space<vmem>>
        %dma_wait3A_333 = tpu.memref_squeeze %dma_wait3A_332 : memref<1x50x128xf32, #tpu.memory_space<vmem>> -> memref<50x128xf32, #tpu.memory_space<vmem>>
        %dma_wait3A_334 = arith.constant 0 : i32
        %dma_wait3A_335 = tpu.memref_slice %arg8[%dma_wait3A_328, %dma_wait3A_329, %dma_wait3A_334] : memref<2x8x50xi32, #tpu.memory_space<vmem>> -> memref<1x1x50xi32, #tpu.memory_space<vmem>>
        %dma_wait3A_336 = tpu.memref_squeeze %dma_wait3A_335 : memref<1x1x50xi32, #tpu.memory_space<vmem>> -> memref<50xi32, #tpu.memory_space<vmem>>
        %dma_wait3A_337 = arith.constant 0 : i32
        %dma_wait3A_338 = arith.constant 0 : i32
        %dma_wait3A_339 = tpu.memref_slice %arg13[%dma_wait3A_337, %dma_wait3A_338] : memref<10000x128xf32, #tpu.memory_space<vmem_shared>> -> memref<10000x128xf32, #tpu.memory_space<vmem_shared>>
        tpu.wait_indirect_dma semaphore(%arg16 : memref<!tpu.dma_semaphore, #tpu.memory_space<semaphore_mem>>) src(%dma_wait3A_333 : memref<50x128xf32, #tpu.memory_space<vmem>>) dst(%dma_wait3A_339 : memref<10000x128xf32, #tpu.memory_space<vmem_shared>>)
        %dma_start3A_340 = arith.constant 0 : i32
        %dma_start3A_341 = arith.constant 4 : i32
        %dma_start3A_342 = arith.constant 0 : i32
        %dma_start3A_343 = arith.constant 0 : i32
        %dma_start3A_344 = arith.constant 0 : i32
        %dma_start3A_345 = tpu.memref_slice %arg9[%dma_start3A_342, %dma_start3A_343, %dma_start3A_344] : memref<2x50x128xf32, #tpu.memory_space<vmem>> -> memref<1x50x128xf32, #tpu.memory_space<vmem>>
        %dma_start3A_346 = tpu.memref_squeeze %dma_start3A_345 : memref<1x50x128xf32, #tpu.memory_space<vmem>> -> memref<50x128xf32, #tpu.memory_space<vmem>>
        %dma_start3A_347 = arith.constant 0 : i32
        %dma_start3A_348 = tpu.memref_slice %arg7[%dma_start3A_340, %dma_start3A_341, %dma_start3A_347] : memref<2x8x50xi32, #tpu.memory_space<vmem>> -> memref<1x1x50xi32, #tpu.memory_space<vmem>>
        %dma_start3A_349 = tpu.memref_squeeze %dma_start3A_348 : memref<1x1x50xi32, #tpu.memory_space<vmem>> -> memref<50xi32, #tpu.memory_space<vmem>>
        %dma_start3A_350 = arith.constant 0 : i32
        %dma_start3A_351 = arith.constant 0 : i32
        %dma_start3A_352 = tpu.memref_slice %arg2[%dma_start3A_350, %dma_start3A_351] : memref<10000x128xf32, #tpu.memory_space<hbm>> -> memref<10000x128xf32, #tpu.memory_space<hbm>>
        tpu.enqueue_indirect_dma source(%dma_start3A_352 : memref<10000x128xf32, #tpu.memory_space<hbm>>) target(%dma_start3A_346 : memref<50x128xf32, #tpu.memory_space<vmem>>) offsets(%dma_start3A_349 : memref<50xi32, #tpu.memory_space<vmem>>) semaphore(%arg14 : memref<!tpu.dma_semaphore, #tpu.memory_space<semaphore_mem>>)
        %dma_start3A_353 = arith.constant 1 : i32
        %dma_start3A_354 = arith.constant 0 : i32
        %dma_start3A_355 = arith.constant 3 : i32
        %dma_start3A_356 = arith.constant 0 : i32
        %dma_start3A_357 = arith.constant 0 : i32
        %dma_start3A_358 = tpu.memref_slice %arg9[%dma_start3A_353, %dma_start3A_356, %dma_start3A_357] : memref<2x50x128xf32, #tpu.memory_space<vmem>> -> memref<1x50x128xf32, #tpu.memory_space<vmem>>
        %dma_start3A_359 = tpu.memref_squeeze %dma_start3A_358 : memref<1x50x128xf32, #tpu.memory_space<vmem>> -> memref<50x128xf32, #tpu.memory_space<vmem>>
        %dma_start3A_360 = arith.constant 0 : i32
        %dma_start3A_361 = tpu.memref_slice %arg8[%dma_start3A_354, %dma_start3A_355, %dma_start3A_360] : memref<2x8x50xi32, #tpu.memory_space<vmem>> -> memref<1x1x50xi32, #tpu.memory_space<vmem>>
        %dma_start3A_362 = tpu.memref_squeeze %dma_start3A_361 : memref<1x1x50xi32, #tpu.memory_space<vmem>> -> memref<50xi32, #tpu.memory_space<vmem>>
        %dma_start3A_363 = arith.constant 0 : i32
        %dma_start3A_364 = arith.constant 0 : i32
        %dma_start3A_365 = tpu.memref_slice %arg13[%dma_start3A_363, %dma_start3A_364] : memref<10000x128xf32, #tpu.memory_space<vmem_shared>> -> memref<10000x128xf32, #tpu.memory_space<vmem_shared>>
        tpu.enqueue_indirect_dma source(%dma_start3A_359 : memref<50x128xf32, #tpu.memory_space<vmem>>) target(%dma_start3A_365 : memref<10000x128xf32, #tpu.memory_space<vmem_shared>>) offsets(%dma_start3A_362 : memref<50xi32, #tpu.memory_space<vmem>>) semaphore(%arg16 : memref<!tpu.dma_semaphore, #tpu.memory_space<semaphore_mem>>) {add = true}
        %get3A_366 = arith.constant 0 : i32
        %get3A_367 = arith.constant 3 : i32
        %get3A_368 = arith.index_cast %get3A_366 : i32 to index
        %get3A_369 = arith.index_cast %get3A_367 : i32 to index
        %get3A_370 = arith.constant 0 : index
        %get3A_371 = tpu.vector_load %arg8[%get3A_368, %get3A_369, %get3A_370] {strides = array<i32>} : memref<2x8x50xi32, #tpu.memory_space<vmem>>, vector<16xi32>,
        tpu.vector_store_idx %arg12[%get3A_371], %broadcast_in_dim3A_5 {add = true} : memref<10000xf32, #tpu.memory_space<vmem>>[vector<16xi32>], vector<16xf32>,
        %get3A_372 = arith.constant 0 : i32
        %get3A_373 = arith.constant 3 : i32
        %get3A_374 = arith.index_cast %get3A_372 : i32 to index
        %get3A_375 = arith.index_cast %get3A_373 : i32 to index
        %get3A_376 = arith.constant 16 : index
        %get3A_377 = tpu.vector_load %arg8[%get3A_374, %get3A_375, %get3A_376] {strides = array<i32>} : memref<2x8x50xi32, #tpu.memory_space<vmem>>, vector<16xi32>,
        tpu.vector_store_idx %arg12[%get3A_377], %broadcast_in_dim3A_5 {add = true} : memref<10000xf32, #tpu.memory_space<vmem>>[vector<16xi32>], vector<16xf32>,
        %get3A_378 = arith.constant 0 : i32
        %get3A_379 = arith.constant 3 : i32
        %get3A_380 = arith.index_cast %get3A_378 : i32 to index
        %get3A_381 = arith.index_cast %get3A_379 : i32 to index
        %get3A_382 = arith.constant 32 : index
        %get3A_383 = tpu.vector_load %arg8[%get3A_380, %get3A_381, %get3A_382] {strides = array<i32>} : memref<2x8x50xi32, #tpu.memory_space<vmem>>, vector<16xi32>,
        tpu.vector_store_idx %arg12[%get3A_383], %broadcast_in_dim3A_5 {add = true} : memref<10000xf32, #tpu.memory_space<vmem>>[vector<16xi32>], vector<16xf32>,
        %get3A_384 = arith.constant 0 : i32
        %get3A_385 = arith.constant 3 : i32
        %get3A_386 = arith.index_cast %get3A_384 : i32 to index
        %get3A_387 = arith.index_cast %get3A_385 : i32 to index
        %get3A_388 = arith.constant 34 : index
        %get3A_389 = tpu.vector_load %arg8[%get3A_386, %get3A_387, %get3A_388] {strides = array<i32>} : memref<2x8x50xi32, #tpu.memory_space<vmem>>, vector<16xi32>,
        %ge3A_390 = arith.constant 14 : i32
        %ge3A_391 = vector.broadcast %ge3A_390 : i32 to vector<16xi32>
        %ge3A_392 = arith.cmpi sge, %iota3A, %ge3A_391 : vector<16xi32>
        tpu.vector_store_idx %arg12[%get3A_389], %broadcast_in_dim3A_5 masked %ge3A_392 {add = true} : memref<10000xf32, #tpu.memory_space<vmem>>[vector<16xi32>], vector<16xf32>, vector<16xi1>
        %dma_wait3A_393 = arith.constant 0 : i32
        %dma_wait3A_394 = arith.constant 4 : i32
        %dma_wait3A_395 = arith.constant 0 : i32
        %dma_wait3A_396 = arith.constant 0 : i32
        %dma_wait3A_397 = arith.constant 0 : i32
        %dma_wait3A_398 = tpu.memref_slice %arg9[%dma_wait3A_395, %dma_wait3A_396, %dma_wait3A_397] : memref<2x50x128xf32, #tpu.memory_space<vmem>> -> memref<1x50x128xf32, #tpu.memory_space<vmem>>
        %dma_wait3A_399 = tpu.memref_squeeze %dma_wait3A_398 : memref<1x50x128xf32, #tpu.memory_space<vmem>> -> memref<50x128xf32, #tpu.memory_space<vmem>>
        %dma_wait3A_400 = arith.constant 0 : i32
        %dma_wait3A_401 = tpu.memref_slice %arg7[%dma_wait3A_393, %dma_wait3A_394, %dma_wait3A_400] : memref<2x8x50xi32, #tpu.memory_space<vmem>> -> memref<1x1x50xi32, #tpu.memory_space<vmem>>
        %dma_wait3A_402 = tpu.memref_squeeze %dma_wait3A_401 : memref<1x1x50xi32, #tpu.memory_space<vmem>> -> memref<50xi32, #tpu.memory_space<vmem>>
        %dma_wait3A_403 = arith.constant 0 : i32
        %dma_wait3A_404 = arith.constant 0 : i32
        %dma_wait3A_405 = tpu.memref_slice %arg2[%dma_wait3A_403, %dma_wait3A_404] : memref<10000x128xf32, #tpu.memory_space<hbm>> -> memref<10000x128xf32, #tpu.memory_space<hbm>>
        tpu.wait_indirect_dma semaphore(%arg14 : memref<!tpu.dma_semaphore, #tpu.memory_space<semaphore_mem>>) src(%dma_wait3A_405 : memref<10000x128xf32, #tpu.memory_space<hbm>>) dst(%dma_wait3A_399 : memref<50x128xf32, #tpu.memory_space<vmem>>)
        %dma_wait3A_406 = arith.constant 1 : i32
        %dma_wait3A_407 = arith.constant 0 : i32
        %dma_wait3A_408 = arith.constant 3 : i32
        %dma_wait3A_409 = arith.constant 0 : i32
        %dma_wait3A_410 = arith.constant 0 : i32
        %dma_wait3A_411 = tpu.memref_slice %arg9[%dma_wait3A_406, %dma_wait3A_409, %dma_wait3A_410] : memref<2x50x128xf32, #tpu.memory_space<vmem>> -> memref<1x50x128xf32, #tpu.memory_space<vmem>>
        %dma_wait3A_412 = tpu.memref_squeeze %dma_wait3A_411 : memref<1x50x128xf32, #tpu.memory_space<vmem>> -> memref<50x128xf32, #tpu.memory_space<vmem>>
        %dma_wait3A_413 = arith.constant 0 : i32
        %dma_wait3A_414 = tpu.memref_slice %arg8[%dma_wait3A_407, %dma_wait3A_408, %dma_wait3A_413] : memref<2x8x50xi32, #tpu.memory_space<vmem>> -> memref<1x1x50xi32, #tpu.memory_space<vmem>>
        %dma_wait3A_415 = tpu.memref_squeeze %dma_wait3A_414 : memref<1x1x50xi32, #tpu.memory_space<vmem>> -> memref<50xi32, #tpu.memory_space<vmem>>
        %dma_wait3A_416 = arith.constant 0 : i32
        %dma_wait3A_417 = arith.constant 0 : i32
        %dma_wait3A_418 = tpu.memref_slice %arg13[%dma_wait3A_416, %dma_wait3A_417] : memref<10000x128xf32, #tpu.memory_space<vmem_shared>> -> memref<10000x128xf32, #tpu.memory_space<vmem_shared>>
        tpu.wait_indirect_dma semaphore(%arg16 : memref<!tpu.dma_semaphore, #tpu.memory_space<semaphore_mem>>) src(%dma_wait3A_412 : memref<50x128xf32, #tpu.memory_space<vmem>>) dst(%dma_wait3A_418 : memref<10000x128xf32, #tpu.memory_space<vmem_shared>>)
        %dma_start3A_419 = arith.constant 0 : i32
        %dma_start3A_420 = arith.constant 5 : i32
        %dma_start3A_421 = arith.constant 1 : i32
        %dma_start3A_422 = arith.constant 0 : i32
        %dma_start3A_423 = arith.constant 0 : i32
        %dma_start3A_424 = tpu.memref_slice %arg9[%dma_start3A_421, %dma_start3A_422, %dma_start3A_423] : memref<2x50x128xf32, #tpu.memory_space<vmem>> -> memref<1x50x128xf32, #tpu.memory_space<vmem>>
        %dma_start3A_425 = tpu.memref_squeeze %dma_start3A_424 : memref<1x50x128xf32, #tpu.memory_space<vmem>> -> memref<50x128xf32, #tpu.memory_space<vmem>>
        %dma_start3A_426 = arith.constant 0 : i32
        %dma_start3A_427 = tpu.memref_slice %arg7[%dma_start3A_419, %dma_start3A_420, %dma_start3A_426] : memref<2x8x50xi32, #tpu.memory_space<vmem>> -> memref<1x1x50xi32, #tpu.memory_space<vmem>>
        %dma_start3A_428 = tpu.memref_squeeze %dma_start3A_427 : memref<1x1x50xi32, #tpu.memory_space<vmem>> -> memref<50xi32, #tpu.memory_space<vmem>>
        %dma_start3A_429 = arith.constant 0 : i32
        %dma_start3A_430 = arith.constant 0 : i32
        %dma_start3A_431 = tpu.memref_slice %arg2[%dma_start3A_429, %dma_start3A_430] : memref<10000x128xf32, #tpu.memory_space<hbm>> -> memref<10000x128xf32, #tpu.memory_space<hbm>>
        tpu.enqueue_indirect_dma source(%dma_start3A_431 : memref<10000x128xf32, #tpu.memory_space<hbm>>) target(%dma_start3A_425 : memref<50x128xf32, #tpu.memory_space<vmem>>) offsets(%dma_start3A_428 : memref<50xi32, #tpu.memory_space<vmem>>) semaphore(%arg14 : memref<!tpu.dma_semaphore, #tpu.memory_space<semaphore_mem>>)
        %dma_start3A_432 = arith.constant 0 : i32
        %dma_start3A_433 = arith.constant 0 : i32
        %dma_start3A_434 = arith.constant 4 : i32
        %dma_start3A_435 = arith.constant 0 : i32
        %dma_start3A_436 = arith.constant 0 : i32
        %dma_start3A_437 = tpu.memref_slice %arg9[%dma_start3A_432, %dma_start3A_435, %dma_start3A_436] : memref<2x50x128xf32, #tpu.memory_space<vmem>> -> memref<1x50x128xf32, #tpu.memory_space<vmem>>
        %dma_start3A_438 = tpu.memref_squeeze %dma_start3A_437 : memref<1x50x128xf32, #tpu.memory_space<vmem>> -> memref<50x128xf32, #tpu.memory_space<vmem>>
        %dma_start3A_439 = arith.constant 0 : i32
        %dma_start3A_440 = tpu.memref_slice %arg8[%dma_start3A_433, %dma_start3A_434, %dma_start3A_439] : memref<2x8x50xi32, #tpu.memory_space<vmem>> -> memref<1x1x50xi32, #tpu.memory_space<vmem>>
        %dma_start3A_441 = tpu.memref_squeeze %dma_start3A_440 : memref<1x1x50xi32, #tpu.memory_space<vmem>> -> memref<50xi32, #tpu.memory_space<vmem>>
        %dma_start3A_442 = arith.constant 0 : i32
        %dma_start3A_443 = arith.constant 0 : i32
        %dma_start3A_444 = tpu.memref_slice %arg13[%dma_start3A_442, %dma_start3A_443] : memref<10000x128xf32, #tpu.memory_space<vmem_shared>> -> memref<10000x128xf32, #tpu.memory_space<vmem_shared>>
        tpu.enqueue_indirect_dma source(%dma_start3A_438 : memref<50x128xf32, #tpu.memory_space<vmem>>) target(%dma_start3A_444 : memref<10000x128xf32, #tpu.memory_space<vmem_shared>>) offsets(%dma_start3A_441 : memref<50xi32, #tpu.memory_space<vmem>>) semaphore(%arg16 : memref<!tpu.dma_semaphore, #tpu.memory_space<semaphore_mem>>) {add = true}
        %get3A_445 = arith.constant 0 : i32
        %get3A_446 = arith.constant 4 : i32
        %get3A_447 = arith.index_cast %get3A_445 : i32 to index
        %get3A_448 = arith.index_cast %get3A_446 : i32 to index
        %get3A_449 = arith.constant 0 : index
        %get3A_450 = tpu.vector_load %arg8[%get3A_447, %get3A_448, %get3A_449] {strides = array<i32>} : memref<2x8x50xi32, #tpu.memory_space<vmem>>, vector<16xi32>,
        tpu.vector_store_idx %arg12[%get3A_450], %broadcast_in_dim3A_5 {add = true} : memref<10000xf32, #tpu.memory_space<vmem>>[vector<16xi32>], vector<16xf32>,
        %get3A_451 = arith.constant 0 : i32
        %get3A_452 = arith.constant 4 : i32
        %get3A_453 = arith.index_cast %get3A_451 : i32 to index
        %get3A_454 = arith.index_cast %get3A_452 : i32 to index
        %get3A_455 = arith.constant 16 : index
        %get3A_456 = tpu.vector_load %arg8[%get3A_453, %get3A_454, %get3A_455] {strides = array<i32>} : memref<2x8x50xi32, #tpu.memory_space<vmem>>, vector<16xi32>,
        tpu.vector_store_idx %arg12[%get3A_456], %broadcast_in_dim3A_5 {add = true} : memref<10000xf32, #tpu.memory_space<vmem>>[vector<16xi32>], vector<16xf32>,
        %get3A_457 = arith.constant 0 : i32
        %get3A_458 = arith.constant 4 : i32
        %get3A_459 = arith.index_cast %get3A_457 : i32 to index
        %get3A_460 = arith.index_cast %get3A_458 : i32 to index
        %get3A_461 = arith.constant 32 : index
        %get3A_462 = tpu.vector_load %arg8[%get3A_459, %get3A_460, %get3A_461] {strides = array<i32>} : memref<2x8x50xi32, #tpu.memory_space<vmem>>, vector<16xi32>,
        tpu.vector_store_idx %arg12[%get3A_462], %broadcast_in_dim3A_5 {add = true} : memref<10000xf32, #tpu.memory_space<vmem>>[vector<16xi32>], vector<16xf32>,
        %get3A_463 = arith.constant 0 : i32
        %get3A_464 = arith.constant 4 : i32
        %get3A_465 = arith.index_cast %get3A_463 : i32 to index
        %get3A_466 = arith.index_cast %get3A_464 : i32 to index
        %get3A_467 = arith.constant 34 : index
        %get3A_468 = tpu.vector_load %arg8[%get3A_465, %get3A_466, %get3A_467] {strides = array<i32>} : memref<2x8x50xi32, #tpu.memory_space<vmem>>, vector<16xi32>,
        %ge3A_469 = arith.constant 14 : i32
        %ge3A_470 = vector.broadcast %ge3A_469 : i32 to vector<16xi32>
        %ge3A_471 = arith.cmpi sge, %iota3A, %ge3A_470 : vector<16xi32>
        tpu.vector_store_idx %arg12[%get3A_468], %broadcast_in_dim3A_5 masked %ge3A_471 {add = true} : memref<10000xf32, #tpu.memory_space<vmem>>[vector<16xi32>], vector<16xf32>, vector<16xi1>
        %dma_wait3A_472 = arith.constant 0 : i32
        %dma_wait3A_473 = arith.constant 5 : i32
        %dma_wait3A_474 = arith.constant 1 : i32
        %dma_wait3A_475 = arith.constant 0 : i32
        %dma_wait3A_476 = arith.constant 0 : i32
        %dma_wait3A_477 = tpu.memref_slice %arg9[%dma_wait3A_474, %dma_wait3A_475, %dma_wait3A_476] : memref<2x50x128xf32, #tpu.memory_space<vmem>> -> memref<1x50x128xf32, #tpu.memory_space<vmem>>
        %dma_wait3A_478 = tpu.memref_squeeze %dma_wait3A_477 : memref<1x50x128xf32, #tpu.memory_space<vmem>> -> memref<50x128xf32, #tpu.memory_space<vmem>>
        %dma_wait3A_479 = arith.constant 0 : i32
        %dma_wait3A_480 = tpu.memref_slice %arg7[%dma_wait3A_472, %dma_wait3A_473, %dma_wait3A_479] : memref<2x8x50xi32, #tpu.memory_space<vmem>> -> memref<1x1x50xi32, #tpu.memory_space<vmem>>
        %dma_wait3A_481 = tpu.memref_squeeze %dma_wait3A_480 : memref<1x1x50xi32, #tpu.memory_space<vmem>> -> memref<50xi32, #tpu.memory_space<vmem>>
        %dma_wait3A_482 = arith.constant 0 : i32
        %dma_wait3A_483 = arith.constant 0 : i32
        %dma_wait3A_484 = tpu.memref_slice %arg2[%dma_wait3A_482, %dma_wait3A_483] : memref<10000x128xf32, #tpu.memory_space<hbm>> -> memref<10000x128xf32, #tpu.memory_space<hbm>>
        tpu.wait_indirect_dma semaphore(%arg14 : memref<!tpu.dma_semaphore, #tpu.memory_space<semaphore_mem>>) src(%dma_wait3A_484 : memref<10000x128xf32, #tpu.memory_space<hbm>>) dst(%dma_wait3A_478 : memref<50x128xf32, #tpu.memory_space<vmem>>)
        %dma_wait3A_485 = arith.constant 0 : i32
        %dma_wait3A_486 = arith.constant 0 : i32
        %dma_wait3A_487 = arith.constant 4 : i32
        %dma_wait3A_488 = arith.constant 0 : i32
        %dma_wait3A_489 = arith.constant 0 : i32
        %dma_wait3A_490 = tpu.memref_slice %arg9[%dma_wait3A_485, %dma_wait3A_488, %dma_wait3A_489] : memref<2x50x128xf32, #tpu.memory_space<vmem>> -> memref<1x50x128xf32, #tpu.memory_space<vmem>>
        %dma_wait3A_491 = tpu.memref_squeeze %dma_wait3A_490 : memref<1x50x128xf32, #tpu.memory_space<vmem>> -> memref<50x128xf32, #tpu.memory_space<vmem>>
        %dma_wait3A_492 = arith.constant 0 : i32
        %dma_wait3A_493 = tpu.memref_slice %arg8[%dma_wait3A_486, %dma_wait3A_487, %dma_wait3A_492] : memref<2x8x50xi32, #tpu.memory_space<vmem>> -> memref<1x1x50xi32, #tpu.memory_space<vmem>>
        %dma_wait3A_494 = tpu.memref_squeeze %dma_wait3A_493 : memref<1x1x50xi32, #tpu.memory_space<vmem>> -> memref<50xi32, #tpu.memory_space<vmem>>
        %dma_wait3A_495 = arith.constant 0 : i32
        %dma_wait3A_496 = arith.constant 0 : i32
        %dma_wait3A_497 = tpu.memref_slice %arg13[%dma_wait3A_495, %dma_wait3A_496] : memref<10000x128xf32, #tpu.memory_space<vmem_shared>> -> memref<10000x128xf32, #tpu.memory_space<vmem_shared>>
        tpu.wait_indirect_dma semaphore(%arg16 : memref<!tpu.dma_semaphore, #tpu.memory_space<semaphore_mem>>) src(%dma_wait3A_491 : memref<50x128xf32, #tpu.memory_space<vmem>>) dst(%dma_wait3A_497 : memref<10000x128xf32, #tpu.memory_space<vmem_shared>>)
        %dma_start3A_498 = arith.constant 0 : i32
        %dma_start3A_499 = arith.constant 6 : i32
        %dma_start3A_500 = arith.constant 0 : i32
        %dma_start3A_501 = arith.constant 0 : i32
        %dma_start3A_502 = arith.constant 0 : i32
        %dma_start3A_503 = tpu.memref_slice %arg9[%dma_start3A_500, %dma_start3A_501, %dma_start3A_502] : memref<2x50x128xf32, #tpu.memory_space<vmem>> -> memref<1x50x128xf32, #tpu.memory_space<vmem>>
        %dma_start3A_504 = tpu.memref_squeeze %dma_start3A_503 : memref<1x50x128xf32, #tpu.memory_space<vmem>> -> memref<50x128xf32, #tpu.memory_space<vmem>>
        %dma_start3A_505 = arith.constant 0 : i32
        %dma_start3A_506 = tpu.memref_slice %arg7[%dma_start3A_498, %dma_start3A_499, %dma_start3A_505] : memref<2x8x50xi32, #tpu.memory_space<vmem>> -> memref<1x1x50xi32, #tpu.memory_space<vmem>>
        %dma_start3A_507 = tpu.memref_squeeze %dma_start3A_506 : memref<1x1x50xi32, #tpu.memory_space<vmem>> -> memref<50xi32, #tpu.memory_space<vmem>>
        %dma_start3A_508 = arith.constant 0 : i32
        %dma_start3A_509 = arith.constant 0 : i32
        %dma_start3A_510 = tpu.memref_slice %arg2[%dma_start3A_508, %dma_start3A_509] : memref<10000x128xf32, #tpu.memory_space<hbm>> -> memref<10000x128xf32, #tpu.memory_space<hbm>>
        tpu.enqueue_indirect_dma source(%dma_start3A_510 : memref<10000x128xf32, #tpu.memory_space<hbm>>) target(%dma_start3A_504 : memref<50x128xf32, #tpu.memory_space<vmem>>) offsets(%dma_start3A_507 : memref<50xi32, #tpu.memory_space<vmem>>) semaphore(%arg14 : memref<!tpu.dma_semaphore, #tpu.memory_space<semaphore_mem>>)
        %dma_start3A_511 = arith.constant 1 : i32
        %dma_start3A_512 = arith.constant 0 : i32
        %dma_start3A_513 = arith.constant 5 : i32
        %dma_start3A_514 = arith.constant 0 : i32
        %dma_start3A_515 = arith.constant 0 : i32
        %dma_start3A_516 = tpu.memref_slice %arg9[%dma_start3A_511, %dma_start3A_514, %dma_start3A_515] : memref<2x50x128xf32, #tpu.memory_space<vmem>> -> memref<1x50x128xf32, #tpu.memory_space<vmem>>
        %dma_start3A_517 = tpu.memref_squeeze %dma_start3A_516 : memref<1x50x128xf32, #tpu.memory_space<vmem>> -> memref<50x128xf32, #tpu.memory_space<vmem>>
        %dma_start3A_518 = arith.constant 0 : i32
        %dma_start3A_519 = tpu.memref_slice %arg8[%dma_start3A_512, %dma_start3A_513, %dma_start3A_518] : memref<2x8x50xi32, #tpu.memory_space<vmem>> -> memref<1x1x50xi32, #tpu.memory_space<vmem>>
        %dma_start3A_520 = tpu.memref_squeeze %dma_start3A_519 : memref<1x1x50xi32, #tpu.memory_space<vmem>> -> memref<50xi32, #tpu.memory_space<vmem>>
        %dma_start3A_521 = arith.constant 0 : i32
        %dma_start3A_522 = arith.constant 0 : i32
        %dma_start3A_523 = tpu.memref_slice %arg13[%dma_start3A_521, %dma_start3A_522] : memref<10000x128xf32, #tpu.memory_space<vmem_shared>> -> memref<10000x128xf32, #tpu.memory_space<vmem_shared>>
        tpu.enqueue_indirect_dma source(%dma_start3A_517 : memref<50x128xf32, #tpu.memory_space<vmem>>) target(%dma_start3A_523 : memref<10000x128xf32, #tpu.memory_space<vmem_shared>>) offsets(%dma_start3A_520 : memref<50xi32, #tpu.memory_space<vmem>>) semaphore(%arg16 : memref<!tpu.dma_semaphore, #tpu.memory_space<semaphore_mem>>) {add = true}
        %get3A_524 = arith.constant 0 : i32
        %get3A_525 = arith.constant 5 : i32
        %get3A_526 = arith.index_cast %get3A_524 : i32 to index
        %get3A_527 = arith.index_cast %get3A_525 : i32 to index
        %get3A_528 = arith.constant 0 : index
        %get3A_529 = tpu.vector_load %arg8[%get3A_526, %get3A_527, %get3A_528] {strides = array<i32>} : memref<2x8x50xi32, #tpu.memory_space<vmem>>, vector<16xi32>,
        tpu.vector_store_idx %arg12[%get3A_529], %broadcast_in_dim3A_5 {add = true} : memref<10000xf32, #tpu.memory_space<vmem>>[vector<16xi32>], vector<16xf32>,
        %get3A_530 = arith.constant 0 : i32
        %get3A_531 = arith.constant 5 : i32
        %get3A_532 = arith.index_cast %get3A_530 : i32 to index
        %get3A_533 = arith.index_cast %get3A_531 : i32 to index
        %get3A_534 = arith.constant 16 : index
        %get3A_535 = tpu.vector_load %arg8[%get3A_532, %get3A_533, %get3A_534] {strides = array<i32>} : memref<2x8x50xi32, #tpu.memory_space<vmem>>, vector<16xi32>,
        tpu.vector_store_idx %arg12[%get3A_535], %broadcast_in_dim3A_5 {add = true} : memref<10000xf32, #tpu.memory_space<vmem>>[vector<16xi32>], vector<16xf32>,
        %get3A_536 = arith.constant 0 : i32
        %get3A_537 = arith.constant 5 : i32
        %get3A_538 = arith.index_cast %get3A_536 : i32 to index
        %get3A_539 = arith.index_cast %get3A_537 : i32 to index
        %get3A_540 = arith.constant 32 : index
        %get3A_541 = tpu.vector_load %arg8[%get3A_538, %get3A_539, %get3A_540] {strides = array<i32>} : memref<2x8x50xi32, #tpu.memory_space<vmem>>, vector<16xi32>,
        tpu.vector_store_idx %arg12[%get3A_541], %broadcast_in_dim3A_5 {add = true} : memref<10000xf32, #tpu.memory_space<vmem>>[vector<16xi32>], vector<16xf32>,
        %get3A_542 = arith.constant 0 : i32
        %get3A_543 = arith.constant 5 : i32
        %get3A_544 = arith.index_cast %get3A_542 : i32 to index
        %get3A_545 = arith.index_cast %get3A_543 : i32 to index
        %get3A_546 = arith.constant 34 : index
        %get3A_547 = tpu.vector_load %arg8[%get3A_544, %get3A_545, %get3A_546] {strides = array<i32>} : memref<2x8x50xi32, #tpu.memory_space<vmem>>, vector<16xi32>,
        %ge3A_548 = arith.constant 14 : i32
        %ge3A_549 = vector.broadcast %ge3A_548 : i32 to vector<16xi32>
        %ge3A_550 = arith.cmpi sge, %iota3A, %ge3A_549 : vector<16xi32>
        tpu.vector_store_idx %arg12[%get3A_547], %broadcast_in_dim3A_5 masked %ge3A_550 {add = true} : memref<10000xf32, #tpu.memory_space<vmem>>[vector<16xi32>], vector<16xf32>, vector<16xi1>
        %dma_wait3A_551 = arith.constant 0 : i32
        %dma_wait3A_552 = arith.constant 6 : i32
        %dma_wait3A_553 = arith.constant 0 : i32
        %dma_wait3A_554 = arith.constant 0 : i32
        %dma_wait3A_555 = arith.constant 0 : i32
        %dma_wait3A_556 = tpu.memref_slice %arg9[%dma_wait3A_553, %dma_wait3A_554, %dma_wait3A_555] : memref<2x50x128xf32, #tpu.memory_space<vmem>> -> memref<1x50x128xf32, #tpu.memory_space<vmem>>
        %dma_wait3A_557 = tpu.memref_squeeze %dma_wait3A_556 : memref<1x50x128xf32, #tpu.memory_space<vmem>> -> memref<50x128xf32, #tpu.memory_space<vmem>>
        %dma_wait3A_558 = arith.constant 0 : i32
        %dma_wait3A_559 = tpu.memref_slice %arg7[%dma_wait3A_551, %dma_wait3A_552, %dma_wait3A_558] : memref<2x8x50xi32, #tpu.memory_space<vmem>> -> memref<1x1x50xi32, #tpu.memory_space<vmem>>
        %dma_wait3A_560 = tpu.memref_squeeze %dma_wait3A_559 : memref<1x1x50xi32, #tpu.memory_space<vmem>> -> memref<50xi32, #tpu.memory_space<vmem>>
        %dma_wait3A_561 = arith.constant 0 : i32
        %dma_wait3A_562 = arith.constant 0 : i32
        %dma_wait3A_563 = tpu.memref_slice %arg2[%dma_wait3A_561, %dma_wait3A_562] : memref<10000x128xf32, #tpu.memory_space<hbm>> -> memref<10000x128xf32, #tpu.memory_space<hbm>>
        tpu.wait_indirect_dma semaphore(%arg14 : memref<!tpu.dma_semaphore, #tpu.memory_space<semaphore_mem>>) src(%dma_wait3A_563 : memref<10000x128xf32, #tpu.memory_space<hbm>>) dst(%dma_wait3A_557 : memref<50x128xf32, #tpu.memory_space<vmem>>)
        %dma_wait3A_564 = arith.constant 1 : i32
        %dma_wait3A_565 = arith.constant 0 : i32
        %dma_wait3A_566 = arith.constant 5 : i32
        %dma_wait3A_567 = arith.constant 0 : i32
        %dma_wait3A_568 = arith.constant 0 : i32
        %dma_wait3A_569 = tpu.memref_slice %arg9[%dma_wait3A_564, %dma_wait3A_567, %dma_wait3A_568] : memref<2x50x128xf32, #tpu.memory_space<vmem>> -> memref<1x50x128xf32, #tpu.memory_space<vmem>>
        %dma_wait3A_570 = tpu.memref_squeeze %dma_wait3A_569 : memref<1x50x128xf32, #tpu.memory_space<vmem>> -> memref<50x128xf32, #tpu.memory_space<vmem>>
        %dma_wait3A_571 = arith.constant 0 : i32
        %dma_wait3A_572 = tpu.memref_slice %arg8[%dma_wait3A_565, %dma_wait3A_566, %dma_wait3A_571] : memref<2x8x50xi32, #tpu.memory_space<vmem>> -> memref<1x1x50xi32, #tpu.memory_space<vmem>>
        %dma_wait3A_573 = tpu.memref_squeeze %dma_wait3A_572 : memref<1x1x50xi32, #tpu.memory_space<vmem>> -> memref<50xi32, #tpu.memory_space<vmem>>
        %dma_wait3A_574 = arith.constant 0 : i32
        %dma_wait3A_575 = arith.constant 0 : i32
        %dma_wait3A_576 = tpu.memref_slice %arg13[%dma_wait3A_574, %dma_wait3A_575] : memref<10000x128xf32, #tpu.memory_space<vmem_shared>> -> memref<10000x128xf32, #tpu.memory_space<vmem_shared>>
        tpu.wait_indirect_dma semaphore(%arg16 : memref<!tpu.dma_semaphore, #tpu.memory_space<semaphore_mem>>) src(%dma_wait3A_570 : memref<50x128xf32, #tpu.memory_space<vmem>>) dst(%dma_wait3A_576 : memref<10000x128xf32, #tpu.memory_space<vmem_shared>>)
        %dma_start3A_577 = arith.constant 0 : i32
        %dma_start3A_578 = arith.constant 7 : i32
        %dma_start3A_579 = arith.constant 1 : i32
        %dma_start3A_580 = arith.constant 0 : i32
        %dma_start3A_581 = arith.constant 0 : i32
        %dma_start3A_582 = tpu.memref_slice %arg9[%dma_start3A_579, %dma_start3A_580, %dma_start3A_581] : memref<2x50x128xf32, #tpu.memory_space<vmem>> -> memref<1x50x128xf32, #tpu.memory_space<vmem>>
        %dma_start3A_583 = tpu.memref_squeeze %dma_start3A_582 : memref<1x50x128xf32, #tpu.memory_space<vmem>> -> memref<50x128xf32, #tpu.memory_space<vmem>>
        %dma_start3A_584 = arith.constant 0 : i32
        %dma_start3A_585 = tpu.memref_slice %arg7[%dma_start3A_577, %dma_start3A_578, %dma_start3A_584] : memref<2x8x50xi32, #tpu.memory_space<vmem>> -> memref<1x1x50xi32, #tpu.memory_space<vmem>>
        %dma_start3A_586 = tpu.memref_squeeze %dma_start3A_585 : memref<1x1x50xi32, #tpu.memory_space<vmem>> -> memref<50xi32, #tpu.memory_space<vmem>>
        %dma_start3A_587 = arith.constant 0 : i32
        %dma_start3A_588 = arith.constant 0 : i32
        %dma_start3A_589 = tpu.memref_slice %arg2[%dma_start3A_587, %dma_start3A_588] : memref<10000x128xf32, #tpu.memory_space<hbm>> -> memref<10000x128xf32, #tpu.memory_space<hbm>>
        tpu.enqueue_indirect_dma source(%dma_start3A_589 : memref<10000x128xf32, #tpu.memory_space<hbm>>) target(%dma_start3A_583 : memref<50x128xf32, #tpu.memory_space<vmem>>) offsets(%dma_start3A_586 : memref<50xi32, #tpu.memory_space<vmem>>) semaphore(%arg14 : memref<!tpu.dma_semaphore, #tpu.memory_space<semaphore_mem>>)
        %dma_start3A_590 = arith.constant 0 : i32
        %dma_start3A_591 = arith.constant 0 : i32
        %dma_start3A_592 = arith.constant 6 : i32
        %dma_start3A_593 = arith.constant 0 : i32
        %dma_start3A_594 = arith.constant 0 : i32
        %dma_start3A_595 = tpu.memref_slice %arg9[%dma_start3A_590, %dma_start3A_593, %dma_start3A_594] : memref<2x50x128xf32, #tpu.memory_space<vmem>> -> memref<1x50x128xf32, #tpu.memory_space<vmem>>
        %dma_start3A_596 = tpu.memref_squeeze %dma_start3A_595 : memref<1x50x128xf32, #tpu.memory_space<vmem>> -> memref<50x128xf32, #tpu.memory_space<vmem>>
        %dma_start3A_597 = arith.constant 0 : i32
        %dma_start3A_598 = tpu.memref_slice %arg8[%dma_start3A_591, %dma_start3A_592, %dma_start3A_597] : memref<2x8x50xi32, #tpu.memory_space<vmem>> -> memref<1x1x50xi32, #tpu.memory_space<vmem>>
        %dma_start3A_599 = tpu.memref_squeeze %dma_start3A_598 : memref<1x1x50xi32, #tpu.memory_space<vmem>> -> memref<50xi32, #tpu.memory_space<vmem>>
        %dma_start3A_600 = arith.constant 0 : i32
        %dma_start3A_601 = arith.constant 0 : i32
        %dma_start3A_602 = tpu.memref_slice %arg13[%dma_start3A_600, %dma_start3A_601] : memref<10000x128xf32, #tpu.memory_space<vmem_shared>> -> memref<10000x128xf32, #tpu.memory_space<vmem_shared>>
        tpu.enqueue_indirect_dma source(%dma_start3A_596 : memref<50x128xf32, #tpu.memory_space<vmem>>) target(%dma_start3A_602 : memref<10000x128xf32, #tpu.memory_space<vmem_shared>>) offsets(%dma_start3A_599 : memref<50xi32, #tpu.memory_space<vmem>>) semaphore(%arg16 : memref<!tpu.dma_semaphore, #tpu.memory_space<semaphore_mem>>) {add = true}
        %get3A_603 = arith.constant 0 : i32
        %get3A_604 = arith.constant 6 : i32
        %get3A_605 = arith.index_cast %get3A_603 : i32 to index
        %get3A_606 = arith.index_cast %get3A_604 : i32 to index
        %get3A_607 = arith.constant 0 : index
        %get3A_608 = tpu.vector_load %arg8[%get3A_605, %get3A_606, %get3A_607] {strides = array<i32>} : memref<2x8x50xi32, #tpu.memory_space<vmem>>, vector<16xi32>,
        tpu.vector_store_idx %arg12[%get3A_608], %broadcast_in_dim3A_5 {add = true} : memref<10000xf32, #tpu.memory_space<vmem>>[vector<16xi32>], vector<16xf32>,
        %get3A_609 = arith.constant 0 : i32
        %get3A_610 = arith.constant 6 : i32
        %get3A_611 = arith.index_cast %get3A_609 : i32 to index
        %get3A_612 = arith.index_cast %get3A_610 : i32 to index
        %get3A_613 = arith.constant 16 : index
        %get3A_614 = tpu.vector_load %arg8[%get3A_611, %get3A_612, %get3A_613] {strides = array<i32>} : memref<2x8x50xi32, #tpu.memory_space<vmem>>, vector<16xi32>,
        tpu.vector_store_idx %arg12[%get3A_614], %broadcast_in_dim3A_5 {add = true} : memref<10000xf32, #tpu.memory_space<vmem>>[vector<16xi32>], vector<16xf32>,
        %get3A_615 = arith.constant 0 : i32
        %get3A_616 = arith.constant 6 : i32
        %get3A_617 = arith.index_cast %get3A_615 : i32 to index
        %get3A_618 = arith.index_cast %get3A_616 : i32 to index
        %get3A_619 = arith.constant 32 : index
        %get3A_620 = tpu.vector_load %arg8[%get3A_617, %get3A_618, %get3A_619] {strides = array<i32>} : memref<2x8x50xi32, #tpu.memory_space<vmem>>, vector<16xi32>,
        tpu.vector_store_idx %arg12[%get3A_620], %broadcast_in_dim3A_5 {add = true} : memref<10000xf32, #tpu.memory_space<vmem>>[vector<16xi32>], vector<16xf32>,
        %get3A_621 = arith.constant 0 : i32
        %get3A_622 = arith.constant 6 : i32
        %get3A_623 = arith.index_cast %get3A_621 : i32 to index
        %get3A_624 = arith.index_cast %get3A_622 : i32 to index
        %get3A_625 = arith.constant 34 : index
        %get3A_626 = tpu.vector_load %arg8[%get3A_623, %get3A_624, %get3A_625] {strides = array<i32>} : memref<2x8x50xi32, #tpu.memory_space<vmem>>, vector<16xi32>,
        %ge3A_627 = arith.constant 14 : i32
        %ge3A_628 = vector.broadcast %ge3A_627 : i32 to vector<16xi32>
        %ge3A_629 = arith.cmpi sge, %iota3A, %ge3A_628 : vector<16xi32>
        tpu.vector_store_idx %arg12[%get3A_626], %broadcast_in_dim3A_5 masked %ge3A_629 {add = true} : memref<10000xf32, #tpu.memory_space<vmem>>[vector<16xi32>], vector<16xf32>, vector<16xi1>
        %dma_wait3A_630 = arith.constant 0 : i32
        %dma_wait3A_631 = arith.constant 7 : i32
        %dma_wait3A_632 = arith.constant 1 : i32
        %dma_wait3A_633 = arith.constant 0 : i32
        %dma_wait3A_634 = arith.constant 0 : i32
        %dma_wait3A_635 = tpu.memref_slice %arg9[%dma_wait3A_632, %dma_wait3A_633, %dma_wait3A_634] : memref<2x50x128xf32, #tpu.memory_space<vmem>> -> memref<1x50x128xf32, #tpu.memory_space<vmem>>
        %dma_wait3A_636 = tpu.memref_squeeze %dma_wait3A_635 : memref<1x50x128xf32, #tpu.memory_space<vmem>> -> memref<50x128xf32, #tpu.memory_space<vmem>>
        %dma_wait3A_637 = arith.constant 0 : i32
        %dma_wait3A_638 = tpu.memref_slice %arg7[%dma_wait3A_630, %dma_wait3A_631, %dma_wait3A_637] : memref<2x8x50xi32, #tpu.memory_space<vmem>> -> memref<1x1x50xi32, #tpu.memory_space<vmem>>
        %dma_wait3A_639 = tpu.memref_squeeze %dma_wait3A_638 : memref<1x1x50xi32, #tpu.memory_space<vmem>> -> memref<50xi32, #tpu.memory_space<vmem>>
        %dma_wait3A_640 = arith.constant 0 : i32
        %dma_wait3A_641 = arith.constant 0 : i32
        %dma_wait3A_642 = tpu.memref_slice %arg2[%dma_wait3A_640, %dma_wait3A_641] : memref<10000x128xf32, #tpu.memory_space<hbm>> -> memref<10000x128xf32, #tpu.memory_space<hbm>>
        tpu.wait_indirect_dma semaphore(%arg14 : memref<!tpu.dma_semaphore, #tpu.memory_space<semaphore_mem>>) src(%dma_wait3A_642 : memref<10000x128xf32, #tpu.memory_space<hbm>>) dst(%dma_wait3A_636 : memref<50x128xf32, #tpu.memory_space<vmem>>)
        %dma_wait3A_643 = arith.constant 0 : i32
        %dma_wait3A_644 = arith.constant 0 : i32
        %dma_wait3A_645 = arith.constant 6 : i32
        %dma_wait3A_646 = arith.constant 0 : i32
        %dma_wait3A_647 = arith.constant 0 : i32
        %dma_wait3A_648 = tpu.memref_slice %arg9[%dma_wait3A_643, %dma_wait3A_646, %dma_wait3A_647] : memref<2x50x128xf32, #tpu.memory_space<vmem>> -> memref<1x50x128xf32, #tpu.memory_space<vmem>>
        %dma_wait3A_649 = tpu.memref_squeeze %dma_wait3A_648 : memref<1x50x128xf32, #tpu.memory_space<vmem>> -> memref<50x128xf32, #tpu.memory_space<vmem>>
        %dma_wait3A_650 = arith.constant 0 : i32
        %dma_wait3A_651 = tpu.memref_slice %arg8[%dma_wait3A_644, %dma_wait3A_645, %dma_wait3A_650] : memref<2x8x50xi32, #tpu.memory_space<vmem>> -> memref<1x1x50xi32, #tpu.memory_space<vmem>>
        %dma_wait3A_652 = tpu.memref_squeeze %dma_wait3A_651 : memref<1x1x50xi32, #tpu.memory_space<vmem>> -> memref<50xi32, #tpu.memory_space<vmem>>
        %dma_wait3A_653 = arith.constant 0 : i32
        %dma_wait3A_654 = arith.constant 0 : i32
        %dma_wait3A_655 = tpu.memref_slice %arg13[%dma_wait3A_653, %dma_wait3A_654] : memref<10000x128xf32, #tpu.memory_space<vmem_shared>> -> memref<10000x128xf32, #tpu.memory_space<vmem_shared>>
        tpu.wait_indirect_dma semaphore(%arg16 : memref<!tpu.dma_semaphore, #tpu.memory_space<semaphore_mem>>) src(%dma_wait3A_649 : memref<50x128xf32, #tpu.memory_space<vmem>>) dst(%dma_wait3A_655 : memref<10000x128xf32, #tpu.memory_space<vmem_shared>>)
        %dma_start3A_656 = arith.constant 1 : i32
        %dma_start3A_657 = arith.constant 0 : i32
        %dma_start3A_658 = arith.constant 7 : i32
        %dma_start3A_659 = arith.constant 0 : i32
        %dma_start3A_660 = arith.constant 0 : i32
        %dma_start3A_661 = tpu.memref_slice %arg9[%dma_start3A_656, %dma_start3A_659, %dma_start3A_660] : memref<2x50x128xf32, #tpu.memory_space<vmem>> -> memref<1x50x128xf32, #tpu.memory_space<vmem>>
        %dma_start3A_662 = tpu.memref_squeeze %dma_start3A_661 : memref<1x50x128xf32, #tpu.memory_space<vmem>> -> memref<50x128xf32, #tpu.memory_space<vmem>>
        %dma_start3A_663 = arith.constant 0 : i32
        %dma_start3A_664 = tpu.memref_slice %arg8[%dma_start3A_657, %dma_start3A_658, %dma_start3A_663] : memref<2x8x50xi32, #tpu.memory_space<vmem>> -> memref<1x1x50xi32, #tpu.memory_space<vmem>>
        %dma_start3A_665 = tpu.memref_squeeze %dma_start3A_664 : memref<1x1x50xi32, #tpu.memory_space<vmem>> -> memref<50xi32, #tpu.memory_space<vmem>>
        %dma_start3A_666 = arith.constant 0 : i32
        %dma_start3A_667 = arith.constant 0 : i32
        %dma_start3A_668 = tpu.memref_slice %arg13[%dma_start3A_666, %dma_start3A_667] : memref<10000x128xf32, #tpu.memory_space<vmem_shared>> -> memref<10000x128xf32, #tpu.memory_space<vmem_shared>>
        tpu.enqueue_indirect_dma source(%dma_start3A_662 : memref<50x128xf32, #tpu.memory_space<vmem>>) target(%dma_start3A_668 : memref<10000x128xf32, #tpu.memory_space<vmem_shared>>) offsets(%dma_start3A_665 : memref<50xi32, #tpu.memory_space<vmem>>) semaphore(%arg16 : memref<!tpu.dma_semaphore, #tpu.memory_space<semaphore_mem>>) {add = true}
        %get3A_669 = arith.constant 0 : i32
        %get3A_670 = arith.constant 7 : i32
        %get3A_671 = arith.index_cast %get3A_669 : i32 to index
        %get3A_672 = arith.index_cast %get3A_670 : i32 to index
        %get3A_673 = arith.constant 0 : index
        %get3A_674 = tpu.vector_load %arg8[%get3A_671, %get3A_672, %get3A_673] {strides = array<i32>} : memref<2x8x50xi32, #tpu.memory_space<vmem>>, vector<16xi32>,
        tpu.vector_store_idx %arg12[%get3A_674], %broadcast_in_dim3A_5 {add = true} : memref<10000xf32, #tpu.memory_space<vmem>>[vector<16xi32>], vector<16xf32>,
        %get3A_675 = arith.constant 0 : i32
        %get3A_676 = arith.constant 7 : i32
        %get3A_677 = arith.index_cast %get3A_675 : i32 to index
        %get3A_678 = arith.index_cast %get3A_676 : i32 to index
        %get3A_679 = arith.constant 16 : index
        %get3A_680 = tpu.vector_load %arg8[%get3A_677, %get3A_678, %get3A_679] {strides = array<i32>} : memref<2x8x50xi32, #tpu.memory_space<vmem>>, vector<16xi32>,
        tpu.vector_store_idx %arg12[%get3A_680], %broadcast_in_dim3A_5 {add = true} : memref<10000xf32, #tpu.memory_space<vmem>>[vector<16xi32>], vector<16xf32>,
        %get3A_681 = arith.constant 0 : i32
        %get3A_682 = arith.constant 7 : i32
        %get3A_683 = arith.index_cast %get3A_681 : i32 to index
        %get3A_684 = arith.index_cast %get3A_682 : i32 to index
        %get3A_685 = arith.constant 32 : index
        %get3A_686 = tpu.vector_load %arg8[%get3A_683, %get3A_684, %get3A_685] {strides = array<i32>} : memref<2x8x50xi32, #tpu.memory_space<vmem>>, vector<16xi32>,
        tpu.vector_store_idx %arg12[%get3A_686], %broadcast_in_dim3A_5 {add = true} : memref<10000xf32, #tpu.memory_space<vmem>>[vector<16xi32>], vector<16xf32>,
        %get3A_687 = arith.constant 0 : i32
        %get3A_688 = arith.constant 7 : i32
        %get3A_689 = arith.index_cast %get3A_687 : i32 to index
        %get3A_690 = arith.index_cast %get3A_688 : i32 to index
        %get3A_691 = arith.constant 34 : index
        %get3A_692 = tpu.vector_load %arg8[%get3A_689, %get3A_690, %get3A_691] {strides = array<i32>} : memref<2x8x50xi32, #tpu.memory_space<vmem>>, vector<16xi32>,
        %ge3A_693 = arith.constant 14 : i32
        %ge3A_694 = vector.broadcast %ge3A_693 : i32 to vector<16xi32>
        %ge3A_695 = arith.cmpi sge, %iota3A, %ge3A_694 : vector<16xi32>
        tpu.vector_store_idx %arg12[%get3A_692], %broadcast_in_dim3A_5 masked %ge3A_695 {add = true} : memref<10000xf32, #tpu.memory_space<vmem>>[vector<16xi32>], vector<16xf32>, vector<16xi1>
      } else {
      }
      %eq3A_60 = arith.constant 1 : i32
      %eq3A_61 = arith.cmpi eq, %rem3A_57, %eq3A_60 : i32
      %convert_element_type3A_62 = arith.extui %eq3A_61 : i1 to i32
      %cond3A_63 = arith.constant 0 : i32
      %cond3A_64 = arith.cmpi ne, %convert_element_type3A_62, %cond3A_63 : i32
      scf.if %cond3A_64 {
        %gt3A = arith.constant 0 : i32
        %gt3A_65 = arith.cmpi sgt, %scan3A_56, %gt3A : i32
        %convert_element_type3A_66 = arith.extui %gt3A_65 : i1 to i32
        %cond3A_67 = arith.constant 0 : i32
        %cond3A_68 = arith.cmpi ne, %convert_element_type3A_66, %cond3A_67 : i32
        scf.if %cond3A_68 {
          %mul3A_696 = arith.constant 8 : i32
          %mul3A_697 = arith.muli %scan3A_56, %mul3A_696 : i32
          %dma_wait3A_698 = arith.constant 1 : i32
          %dma_wait3A_699 = arith.constant 0 : i32
          %dma_wait3A_700 = arith.constant 0 : i32
          %dma_wait3A_701 = tpu.memref_slice %arg7[%dma_wait3A_698, %dma_wait3A_699, %dma_wait3A_700] : memref<2x8x50xi32, #tpu.memory_space<vmem>> -> memref<1x8x50xi32, #tpu.memory_space<vmem>>
          %dma_wait3A_702 = tpu.memref_squeeze %dma_wait3A_701 : memref<1x8x50xi32, #tpu.memory_space<vmem>> -> memref<8x50xi32, #tpu.memory_space<vmem>>
          %dma_wait3A_703 = arith.constant 0 : i32
          %dma_wait3A_704 = tpu.memref_slice %arg3[%arg1, %mul3A_697, %dma_wait3A_703] : memref<16x400x50xi32, #tpu.memory_space<hbm>> -> memref<1x8x50xi32, #tpu.memory_space<hbm>>
          %dma_wait3A_705 = tpu.memref_squeeze %dma_wait3A_704 : memref<1x8x50xi32, #tpu.memory_space<hbm>> -> memref<8x50xi32, #tpu.memory_space<hbm>>
          %dma_wait3A_706 = arith.constant 0 : i32
          %dma_wait3A_707 = arith.constant 0 : i32
          %dma_wait3A_708 = tpu.memref_slice %arg7[%dma_wait3A_698, %dma_wait3A_706, %dma_wait3A_707] : memref<2x8x50xi32, #tpu.memory_space<vmem>> -> memref<1x8x50xi32, #tpu.memory_space<vmem>>
          %dma_wait3A_709 = tpu.memref_squeeze %dma_wait3A_708 : memref<1x8x50xi32, #tpu.memory_space<vmem>> -> memref<8x50xi32, #tpu.memory_space<vmem>>
          %dma_wait3A_710 = arith.constant 0 : i32
          %dma_wait3A_711 = tpu.memref_slice %arg3[%arg1, %mul3A_697, %dma_wait3A_710] : memref<16x400x50xi32, #tpu.memory_space<hbm>> -> memref<1x8x50xi32, #tpu.memory_space<hbm>>
          %dma_wait3A_712 = tpu.memref_squeeze %dma_wait3A_711 : memref<1x8x50xi32, #tpu.memory_space<hbm>> -> memref<8x50xi32, #tpu.memory_space<hbm>>
          tpu.wait_dma2 semaphore(%arg15 : memref<!tpu.dma_semaphore, #tpu.memory_space<semaphore_mem>>) src(%dma_wait3A_712 : memref<8x50xi32, #tpu.memory_space<hbm>>) dst(%dma_wait3A_709 : memref<8x50xi32, #tpu.memory_space<vmem>>)
          %mul3A_713 = arith.constant 8 : i32
          %mul3A_714 = arith.muli %scan3A_56, %mul3A_713 : i32
          %dma_wait3A_715 = arith.constant 1 : i32
          %dma_wait3A_716 = arith.constant 0 : i32
          %dma_wait3A_717 = arith.constant 0 : i32
          %dma_wait3A_718 = tpu.memref_slice %arg8[%dma_wait3A_715, %dma_wait3A_716, %dma_wait3A_717] : memref<2x8x50xi32, #tpu.memory_space<vmem>> -> memref<1x8x50xi32, #tpu.memory_space<vmem>>
          %dma_wait3A_719 = tpu.memref_squeeze %dma_wait3A_718 : memref<1x8x50xi32, #tpu.memory_space<vmem>> -> memref<8x50xi32, #tpu.memory_space<vmem>>
          %dma_wait3A_720 = arith.constant 0 : i32
          %dma_wait3A_721 = tpu.memref_slice %arg4[%arg1, %mul3A_714, %dma_wait3A_720] : memref<16x400x50xi32, #tpu.memory_space<hbm>> -> memref<1x8x50xi32, #tpu.memory_space<hbm>>
          %dma_wait3A_722 = tpu.memref_squeeze %dma_wait3A_721 : memref<1x8x50xi32, #tpu.memory_space<hbm>> -> memref<8x50xi32, #tpu.memory_space<hbm>>
          %dma_wait3A_723 = arith.constant 0 : i32
          %dma_wait3A_724 = arith.constant 0 : i32
          %dma_wait3A_725 = tpu.memref_slice %arg8[%dma_wait3A_715, %dma_wait3A_723, %dma_wait3A_724] : memref<2x8x50xi32, #tpu.memory_space<vmem>> -> memref<1x8x50xi32, #tpu.memory_space<vmem>>
          %dma_wait3A_726 = tpu.memref_squeeze %dma_wait3A_725 : memref<1x8x50xi32, #tpu.memory_space<vmem>> -> memref<8x50xi32, #tpu.memory_space<vmem>>
          %dma_wait3A_727 = arith.constant 0 : i32
          %dma_wait3A_728 = tpu.memref_slice %arg4[%arg1, %mul3A_714, %dma_wait3A_727] : memref<16x400x50xi32, #tpu.memory_space<hbm>> -> memref<1x8x50xi32, #tpu.memory_space<hbm>>
          %dma_wait3A_729 = tpu.memref_squeeze %dma_wait3A_728 : memref<1x8x50xi32, #tpu.memory_space<hbm>> -> memref<8x50xi32, #tpu.memory_space<hbm>>
          tpu.wait_dma2 semaphore(%arg15 : memref<!tpu.dma_semaphore, #tpu.memory_space<semaphore_mem>>) src(%dma_wait3A_729 : memref<8x50xi32, #tpu.memory_space<hbm>>) dst(%dma_wait3A_726 : memref<8x50xi32, #tpu.memory_space<vmem>>)
        } else {
        }
        %dma_start3A = arith.constant 1 : i32
        %dma_start3A_69 = arith.constant 0 : i32
        %dma_start3A_70 = arith.constant 0 : i32
        %dma_start3A_71 = arith.constant 0 : i32
        %dma_start3A_72 = arith.constant 0 : i32
        %dma_start3A_73 = tpu.memref_slice %arg9[%dma_start3A_70, %dma_start3A_71, %dma_start3A_72] : memref<2x50x128xf32, #tpu.memory_space<vmem>> -> memref<1x50x128xf32, #tpu.memory_space<vmem>>
        %dma_start3A_74 = tpu.memref_squeeze %dma_start3A_73 : memref<1x50x128xf32, #tpu.memory_space<vmem>> -> memref<50x128xf32, #tpu.memory_space<vmem>>
        %dma_start3A_75 = arith.constant 0 : i32
        %dma_start3A_76 = tpu.memref_slice %arg7[%dma_start3A, %dma_start3A_69, %dma_start3A_75] : memref<2x8x50xi32, #tpu.memory_space<vmem>> -> memref<1x1x50xi32, #tpu.memory_space<vmem>>
        %dma_start3A_77 = tpu.memref_squeeze %dma_start3A_76 : memref<1x1x50xi32, #tpu.memory_space<vmem>> -> memref<50xi32, #tpu.memory_space<vmem>>
        %dma_start3A_78 = arith.constant 0 : i32
        %dma_start3A_79 = arith.constant 0 : i32
        %dma_start3A_80 = tpu.memref_slice %arg2[%dma_start3A_78, %dma_start3A_79] : memref<10000x128xf32, #tpu.memory_space<hbm>> -> memref<10000x128xf32, #tpu.memory_space<hbm>>
        tpu.enqueue_indirect_dma source(%dma_start3A_80 : memref<10000x128xf32, #tpu.memory_space<hbm>>) target(%dma_start3A_74 : memref<50x128xf32, #tpu.memory_space<vmem>>) offsets(%dma_start3A_77 : memref<50xi32, #tpu.memory_space<vmem>>) semaphore(%arg14 : memref<!tpu.dma_semaphore, #tpu.memory_space<semaphore_mem>>)
        %dma_wait3A_81 = arith.constant 1 : i32
        %dma_wait3A_82 = arith.constant 0 : i32
        %dma_wait3A_83 = arith.constant 0 : i32
        %dma_wait3A_84 = arith.constant 0 : i32
        %dma_wait3A_85 = arith.constant 0 : i32
        %dma_wait3A_86 = tpu.memref_slice %arg9[%dma_wait3A_83, %dma_wait3A_84, %dma_wait3A_85] : memref<2x50x128xf32, #tpu.memory_space<vmem>> -> memref<1x50x128xf32, #tpu.memory_space<vmem>>
        %dma_wait3A_87 = tpu.memref_squeeze %dma_wait3A_86 : memref<1x50x128xf32, #tpu.memory_space<vmem>> -> memref<50x128xf32, #tpu.memory_space<vmem>>
        %dma_wait3A_88 = arith.constant 0 : i32
        %dma_wait3A_89 = tpu.memref_slice %arg7[%dma_wait3A_81, %dma_wait3A_82, %dma_wait3A_88] : memref<2x8x50xi32, #tpu.memory_space<vmem>> -> memref<1x1x50xi32, #tpu.memory_space<vmem>>
        %dma_wait3A_90 = tpu.memref_squeeze %dma_wait3A_89 : memref<1x1x50xi32, #tpu.memory_space<vmem>> -> memref<50xi32, #tpu.memory_space<vmem>>
        %dma_wait3A_91 = arith.constant 0 : i32
        %dma_wait3A_92 = arith.constant 0 : i32
        %dma_wait3A_93 = tpu.memref_slice %arg2[%dma_wait3A_91, %dma_wait3A_92] : memref<10000x128xf32, #tpu.memory_space<hbm>> -> memref<10000x128xf32, #tpu.memory_space<hbm>>
        tpu.wait_indirect_dma semaphore(%arg14 : memref<!tpu.dma_semaphore, #tpu.memory_space<semaphore_mem>>) src(%dma_wait3A_93 : memref<10000x128xf32, #tpu.memory_space<hbm>>) dst(%dma_wait3A_87 : memref<50x128xf32, #tpu.memory_space<vmem>>)
        %gt3A_94 = arith.constant 0 : i32
        %gt3A_95 = arith.cmpi sgt, %scan3A_56, %gt3A_94 : i32
        %convert_element_type3A_96 = arith.extui %gt3A_95 : i1 to i32
        %cond3A_97 = arith.constant 0 : i32
        %cond3A_98 = arith.cmpi ne, %convert_element_type3A_96, %cond3A_97 : i32
        scf.if %cond3A_98 {
          %dma_wait3A_696 = arith.constant 1 : i32
          %dma_wait3A_697 = arith.constant 0 : i32
          %dma_wait3A_698 = arith.constant 7 : i32
          %dma_wait3A_699 = arith.constant 0 : i32
          %dma_wait3A_700 = arith.constant 0 : i32
          %dma_wait3A_701 = tpu.memref_slice %arg9[%dma_wait3A_696, %dma_wait3A_699, %dma_wait3A_700] : memref<2x50x128xf32, #tpu.memory_space<vmem>> -> memref<1x50x128xf32, #tpu.memory_space<vmem>>
          %dma_wait3A_702 = tpu.memref_squeeze %dma_wait3A_701 : memref<1x50x128xf32, #tpu.memory_space<vmem>> -> memref<50x128xf32, #tpu.memory_space<vmem>>
          %dma_wait3A_703 = arith.constant 0 : i32
          %dma_wait3A_704 = tpu.memref_slice %arg8[%dma_wait3A_697, %dma_wait3A_698, %dma_wait3A_703] : memref<2x8x50xi32, #tpu.memory_space<vmem>> -> memref<1x1x50xi32, #tpu.memory_space<vmem>>
          %dma_wait3A_705 = tpu.memref_squeeze %dma_wait3A_704 : memref<1x1x50xi32, #tpu.memory_space<vmem>> -> memref<50xi32, #tpu.memory_space<vmem>>
          %dma_wait3A_706 = arith.constant 0 : i32
          %dma_wait3A_707 = arith.constant 0 : i32
          %dma_wait3A_708 = tpu.memref_slice %arg13[%dma_wait3A_706, %dma_wait3A_707] : memref<10000x128xf32, #tpu.memory_space<vmem_shared>> -> memref<10000x128xf32, #tpu.memory_space<vmem_shared>>
          tpu.wait_indirect_dma semaphore(%arg16 : memref<!tpu.dma_semaphore, #tpu.memory_space<semaphore_mem>>) src(%dma_wait3A_702 : memref<50x128xf32, #tpu.memory_space<vmem>>) dst(%dma_wait3A_708 : memref<10000x128xf32, #tpu.memory_space<vmem_shared>>)
        } else {
        }
        %add3A_99 = arith.constant 1 : i32
        %add3A_100 = arith.addi %scan3A_56, %add3A_99 : i32
        %lt3A = arith.constant 50 : i32
        %lt3A_101 = arith.cmpi slt, %add3A_100, %lt3A : i32
        %convert_element_type3A_102 = arith.extui %lt3A_101 : i1 to i32
        %cond3A_103 = arith.constant 0 : i32
        %cond3A_104 = arith.cmpi ne, %convert_element_type3A_102, %cond3A_103 : i32
        scf.if %cond3A_104 {
          %add3A_696 = arith.constant 1 : i32
          %add3A_697 = arith.addi %scan3A_56, %add3A_696 : i32
          %mul3A_698 = arith.constant 8 : i32
          %mul3A_699 = arith.muli %add3A_697, %mul3A_698 : i32
          %dma_start3A_700 = arith.constant 0 : i32
          %dma_start3A_701 = arith.constant 0 : i32
          %dma_start3A_702 = arith.constant 0 : i32
          %dma_start3A_703 = tpu.memref_slice %arg7[%dma_start3A_700, %dma_start3A_701, %dma_start3A_702] : memref<2x8x50xi32, #tpu.memory_space<vmem>> -> memref<1x8x50xi32, #tpu.memory_space<vmem>>
          %dma_start3A_704 = tpu.memref_squeeze %dma_start3A_703 : memref<1x8x50xi32, #tpu.memory_space<vmem>> -> memref<8x50xi32, #tpu.memory_space<vmem>>
          %dma_start3A_705 = arith.constant 0 : i32
          %dma_start3A_706 = tpu.memref_slice %arg3[%arg1, %mul3A_699, %dma_start3A_705] : memref<16x400x50xi32, #tpu.memory_space<hbm>> -> memref<1x8x50xi32, #tpu.memory_space<hbm>>
          %dma_start3A_707 = tpu.memref_squeeze %dma_start3A_706 : memref<1x8x50xi32, #tpu.memory_space<hbm>> -> memref<8x50xi32, #tpu.memory_space<hbm>>
          %dma_start3A_708 = arith.constant 0 : i32
          %dma_start3A_709 = arith.constant 0 : i32
          %dma_start3A_710 = tpu.memref_slice %arg7[%dma_start3A_700, %dma_start3A_708, %dma_start3A_709] : memref<2x8x50xi32, #tpu.memory_space<vmem>> -> memref<1x8x50xi32, #tpu.memory_space<vmem>>
          %dma_start3A_711 = tpu.memref_squeeze %dma_start3A_710 : memref<1x8x50xi32, #tpu.memory_space<vmem>> -> memref<8x50xi32, #tpu.memory_space<vmem>>
          %dma_start3A_712 = arith.constant 0 : i32
          %dma_start3A_713 = tpu.memref_slice %arg3[%arg1, %mul3A_699, %dma_start3A_712] : memref<16x400x50xi32, #tpu.memory_space<hbm>> -> memref<1x8x50xi32, #tpu.memory_space<hbm>>
          %dma_start3A_714 = tpu.memref_squeeze %dma_start3A_713 : memref<1x8x50xi32, #tpu.memory_space<hbm>> -> memref<8x50xi32, #tpu.memory_space<hbm>>
          tpu.enqueue_dma source(%dma_start3A_714 : memref<8x50xi32, #tpu.memory_space<hbm>>) target(%dma_start3A_711 : memref<8x50xi32, #tpu.memory_space<vmem>>) target_semaphore(%arg15 : memref<!tpu.dma_semaphore, #tpu.memory_space<semaphore_mem>>)
          %add3A_715 = arith.constant 1 : i32
          %add3A_716 = arith.addi %scan3A_56, %add3A_715 : i32
          %mul3A_717 = arith.constant 8 : i32
          %mul3A_718 = arith.muli %add3A_716, %mul3A_717 : i32
          %dma_start3A_719 = arith.constant 0 : i32
          %dma_start3A_720 = arith.constant 0 : i32
          %dma_start3A_721 = arith.constant 0 : i32
          %dma_start3A_722 = tpu.memref_slice %arg8[%dma_start3A_719, %dma_start3A_720, %dma_start3A_721] : memref<2x8x50xi32, #tpu.memory_space<vmem>> -> memref<1x8x50xi32, #tpu.memory_space<vmem>>
          %dma_start3A_723 = tpu.memref_squeeze %dma_start3A_722 : memref<1x8x50xi32, #tpu.memory_space<vmem>> -> memref<8x50xi32, #tpu.memory_space<vmem>>
          %dma_start3A_724 = arith.constant 0 : i32
          %dma_start3A_725 = tpu.memref_slice %arg4[%arg1, %mul3A_718, %dma_start3A_724] : memref<16x400x50xi32, #tpu.memory_space<hbm>> -> memref<1x8x50xi32, #tpu.memory_space<hbm>>
          %dma_start3A_726 = tpu.memref_squeeze %dma_start3A_725 : memref<1x8x50xi32, #tpu.memory_space<hbm>> -> memref<8x50xi32, #tpu.memory_space<hbm>>
          %dma_start3A_727 = arith.constant 0 : i32
          %dma_start3A_728 = arith.constant 0 : i32
          %dma_start3A_729 = tpu.memref_slice %arg8[%dma_start3A_719, %dma_start3A_727, %dma_start3A_728] : memref<2x8x50xi32, #tpu.memory_space<vmem>> -> memref<1x8x50xi32, #tpu.memory_space<vmem>>
          %dma_start3A_730 = tpu.memref_squeeze %dma_start3A_729 : memref<1x8x50xi32, #tpu.memory_space<vmem>> -> memref<8x50xi32, #tpu.memory_space<vmem>>
          %dma_start3A_731 = arith.constant 0 : i32
          %dma_start3A_732 = tpu.memref_slice %arg4[%arg1, %mul3A_718, %dma_start3A_731] : memref<16x400x50xi32, #tpu.memory_space<hbm>> -> memref<1x8x50xi32, #tpu.memory_space<hbm>>
          %dma_start3A_733 = tpu.memref_squeeze %dma_start3A_732 : memref<1x8x50xi32, #tpu.memory_space<hbm>> -> memref<8x50xi32, #tpu.memory_space<hbm>>
          tpu.enqueue_dma source(%dma_start3A_733 : memref<8x50xi32, #tpu.memory_space<hbm>>) target(%dma_start3A_730 : memref<8x50xi32, #tpu.memory_space<vmem>>) target_semaphore(%arg15 : memref<!tpu.dma_semaphore, #tpu.memory_space<semaphore_mem>>)
        } else {
        }
        %dma_start3A_105 = arith.constant 1 : i32
        %dma_start3A_106 = arith.constant 1 : i32
        %dma_start3A_107 = arith.constant 1 : i32
        %dma_start3A_108 = arith.constant 0 : i32
        %dma_start3A_109 = arith.constant 0 : i32
        %dma_start3A_110 = tpu.memref_slice %arg9[%dma_start3A_107, %dma_start3A_108, %dma_start3A_109] : memref<2x50x128xf32, #tpu.memory_space<vmem>> -> memref<1x50x128xf32, #tpu.memory_space<vmem>>
        %dma_start3A_111 = tpu.memref_squeeze %dma_start3A_110 : memref<1x50x128xf32, #tpu.memory_space<vmem>> -> memref<50x128xf32, #tpu.memory_space<vmem>>
        %dma_start3A_112 = arith.constant 0 : i32
        %dma_start3A_113 = tpu.memref_slice %arg7[%dma_start3A_105, %dma_start3A_106, %dma_start3A_112] : memref<2x8x50xi32, #tpu.memory_space<vmem>> -> memref<1x1x50xi32, #tpu.memory_space<vmem>>
        %dma_start3A_114 = tpu.memref_squeeze %dma_start3A_113 : memref<1x1x50xi32, #tpu.memory_space<vmem>> -> memref<50xi32, #tpu.memory_space<vmem>>
        %dma_start3A_115 = arith.constant 0 : i32
        %dma_start3A_116 = arith.constant 0 : i32
        %dma_start3A_117 = tpu.memref_slice %arg2[%dma_start3A_115, %dma_start3A_116] : memref<10000x128xf32, #tpu.memory_space<hbm>> -> memref<10000x128xf32, #tpu.memory_space<hbm>>
        tpu.enqueue_indirect_dma source(%dma_start3A_117 : memref<10000x128xf32, #tpu.memory_space<hbm>>) target(%dma_start3A_111 : memref<50x128xf32, #tpu.memory_space<vmem>>) offsets(%dma_start3A_114 : memref<50xi32, #tpu.memory_space<vmem>>) semaphore(%arg14 : memref<!tpu.dma_semaphore, #tpu.memory_space<semaphore_mem>>)
        %dma_start3A_118 = arith.constant 0 : i32
        %dma_start3A_119 = arith.constant 1 : i32
        %dma_start3A_120 = arith.constant 0 : i32
        %dma_start3A_121 = arith.constant 0 : i32
        %dma_start3A_122 = arith.constant 0 : i32
        %dma_start3A_123 = tpu.memref_slice %arg9[%dma_start3A_118, %dma_start3A_121, %dma_start3A_122] : memref<2x50x128xf32, #tpu.memory_space<vmem>> -> memref<1x50x128xf32, #tpu.memory_space<vmem>>
        %dma_start3A_124 = tpu.memref_squeeze %dma_start3A_123 : memref<1x50x128xf32, #tpu.memory_space<vmem>> -> memref<50x128xf32, #tpu.memory_space<vmem>>
        %dma_start3A_125 = arith.constant 0 : i32
        %dma_start3A_126 = tpu.memref_slice %arg8[%dma_start3A_119, %dma_start3A_120, %dma_start3A_125] : memref<2x8x50xi32, #tpu.memory_space<vmem>> -> memref<1x1x50xi32, #tpu.memory_space<vmem>>
        %dma_start3A_127 = tpu.memref_squeeze %dma_start3A_126 : memref<1x1x50xi32, #tpu.memory_space<vmem>> -> memref<50xi32, #tpu.memory_space<vmem>>
        %dma_start3A_128 = arith.constant 0 : i32
        %dma_start3A_129 = arith.constant 0 : i32
        %dma_start3A_130 = tpu.memref_slice %arg13[%dma_start3A_128, %dma_start3A_129] : memref<10000x128xf32, #tpu.memory_space<vmem_shared>> -> memref<10000x128xf32, #tpu.memory_space<vmem_shared>>
        tpu.enqueue_indirect_dma source(%dma_start3A_124 : memref<50x128xf32, #tpu.memory_space<vmem>>) target(%dma_start3A_130 : memref<10000x128xf32, #tpu.memory_space<vmem_shared>>) offsets(%dma_start3A_127 : memref<50xi32, #tpu.memory_space<vmem>>) semaphore(%arg16 : memref<!tpu.dma_semaphore, #tpu.memory_space<semaphore_mem>>) {add = true}
        %get3A = arith.constant 1 : i32
        %get3A_131 = arith.constant 0 : i32
        %get3A_132 = arith.index_cast %get3A : i32 to index
        %get3A_133 = arith.index_cast %get3A_131 : i32 to index
        %get3A_134 = arith.constant 0 : index
        %get3A_135 = tpu.vector_load %arg8[%get3A_132, %get3A_133, %get3A_134] {strides = array<i32>} : memref<2x8x50xi32, #tpu.memory_space<vmem>>, vector<16xi32>,
        tpu.vector_store_idx %arg12[%get3A_135], %broadcast_in_dim3A_5 {add = true} : memref<10000xf32, #tpu.memory_space<vmem>>[vector<16xi32>], vector<16xf32>,
        %get3A_136 = arith.constant 1 : i32
        %get3A_137 = arith.constant 0 : i32
        %get3A_138 = arith.index_cast %get3A_136 : i32 to index
        %get3A_139 = arith.index_cast %get3A_137 : i32 to index
        %get3A_140 = arith.constant 16 : index
        %get3A_141 = tpu.vector_load %arg8[%get3A_138, %get3A_139, %get3A_140] {strides = array<i32>} : memref<2x8x50xi32, #tpu.memory_space<vmem>>, vector<16xi32>,
        tpu.vector_store_idx %arg12[%get3A_141], %broadcast_in_dim3A_5 {add = true} : memref<10000xf32, #tpu.memory_space<vmem>>[vector<16xi32>], vector<16xf32>,
        %get3A_142 = arith.constant 1 : i32
        %get3A_143 = arith.constant 0 : i32
        %get3A_144 = arith.index_cast %get3A_142 : i32 to index
        %get3A_145 = arith.index_cast %get3A_143 : i32 to index
        %get3A_146 = arith.constant 32 : index
        %get3A_147 = tpu.vector_load %arg8[%get3A_144, %get3A_145, %get3A_146] {strides = array<i32>} : memref<2x8x50xi32, #tpu.memory_space<vmem>>, vector<16xi32>,
        tpu.vector_store_idx %arg12[%get3A_147], %broadcast_in_dim3A_5 {add = true} : memref<10000xf32, #tpu.memory_space<vmem>>[vector<16xi32>], vector<16xf32>,
        %get3A_148 = arith.constant 1 : i32
        %get3A_149 = arith.constant 0 : i32
        %get3A_150 = arith.index_cast %get3A_148 : i32 to index
        %get3A_151 = arith.index_cast %get3A_149 : i32 to index
        %get3A_152 = arith.constant 34 : index
        %get3A_153 = tpu.vector_load %arg8[%get3A_150, %get3A_151, %get3A_152] {strides = array<i32>} : memref<2x8x50xi32, #tpu.memory_space<vmem>>, vector<16xi32>,
        %ge3A = arith.constant 14 : i32
        %ge3A_154 = vector.broadcast %ge3A : i32 to vector<16xi32>
        %ge3A_155 = arith.cmpi sge, %iota3A, %ge3A_154 : vector<16xi32>
        tpu.vector_store_idx %arg12[%get3A_153], %broadcast_in_dim3A_5 masked %ge3A_155 {add = true} : memref<10000xf32, #tpu.memory_space<vmem>>[vector<16xi32>], vector<16xf32>, vector<16xi1>
        %dma_wait3A_156 = arith.constant 1 : i32
        %dma_wait3A_157 = arith.constant 1 : i32
        %dma_wait3A_158 = arith.constant 1 : i32
        %dma_wait3A_159 = arith.constant 0 : i32
        %dma_wait3A_160 = arith.constant 0 : i32
        %dma_wait3A_161 = tpu.memref_slice %arg9[%dma_wait3A_158, %dma_wait3A_159, %dma_wait3A_160] : memref<2x50x128xf32, #tpu.memory_space<vmem>> -> memref<1x50x128xf32, #tpu.memory_space<vmem>>
        %dma_wait3A_162 = tpu.memref_squeeze %dma_wait3A_161 : memref<1x50x128xf32, #tpu.memory_space<vmem>> -> memref<50x128xf32, #tpu.memory_space<vmem>>
        %dma_wait3A_163 = arith.constant 0 : i32
        %dma_wait3A_164 = tpu.memref_slice %arg7[%dma_wait3A_156, %dma_wait3A_157, %dma_wait3A_163] : memref<2x8x50xi32, #tpu.memory_space<vmem>> -> memref<1x1x50xi32, #tpu.memory_space<vmem>>
        %dma_wait3A_165 = tpu.memref_squeeze %dma_wait3A_164 : memref<1x1x50xi32, #tpu.memory_space<vmem>> -> memref<50xi32, #tpu.memory_space<vmem>>
        %dma_wait3A_166 = arith.constant 0 : i32
        %dma_wait3A_167 = arith.constant 0 : i32
        %dma_wait3A_168 = tpu.memref_slice %arg2[%dma_wait3A_166, %dma_wait3A_167] : memref<10000x128xf32, #tpu.memory_space<hbm>> -> memref<10000x128xf32, #tpu.memory_space<hbm>>
        tpu.wait_indirect_dma semaphore(%arg14 : memref<!tpu.dma_semaphore, #tpu.memory_space<semaphore_mem>>) src(%dma_wait3A_168 : memref<10000x128xf32, #tpu.memory_space<hbm>>) dst(%dma_wait3A_162 : memref<50x128xf32, #tpu.memory_space<vmem>>)
        %dma_wait3A_169 = arith.constant 0 : i32
        %dma_wait3A_170 = arith.constant 1 : i32
        %dma_wait3A_171 = arith.constant 0 : i32
        %dma_wait3A_172 = arith.constant 0 : i32
        %dma_wait3A_173 = arith.constant 0 : i32
        %dma_wait3A_174 = tpu.memref_slice %arg9[%dma_wait3A_169, %dma_wait3A_172, %dma_wait3A_173] : memref<2x50x128xf32, #tpu.memory_space<vmem>> -> memref<1x50x128xf32, #tpu.memory_space<vmem>>
        %dma_wait3A_175 = tpu.memref_squeeze %dma_wait3A_174 : memref<1x50x128xf32, #tpu.memory_space<vmem>> -> memref<50x128xf32, #tpu.memory_space<vmem>>
        %dma_wait3A_176 = arith.constant 0 : i32
        %dma_wait3A_177 = tpu.memref_slice %arg8[%dma_wait3A_170, %dma_wait3A_171, %dma_wait3A_176] : memref<2x8x50xi32, #tpu.memory_space<vmem>> -> memref<1x1x50xi32, #tpu.memory_space<vmem>>
        %dma_wait3A_178 = tpu.memref_squeeze %dma_wait3A_177 : memref<1x1x50xi32, #tpu.memory_space<vmem>> -> memref<50xi32, #tpu.memory_space<vmem>>
        %dma_wait3A_179 = arith.constant 0 : i32
        %dma_wait3A_180 = arith.constant 0 : i32
        %dma_wait3A_181 = tpu.memref_slice %arg13[%dma_wait3A_179, %dma_wait3A_180] : memref<10000x128xf32, #tpu.memory_space<vmem_shared>> -> memref<10000x128xf32, #tpu.memory_space<vmem_shared>>
        tpu.wait_indirect_dma semaphore(%arg16 : memref<!tpu.dma_semaphore, #tpu.memory_space<semaphore_mem>>) src(%dma_wait3A_175 : memref<50x128xf32, #tpu.memory_space<vmem>>) dst(%dma_wait3A_181 : memref<10000x128xf32, #tpu.memory_space<vmem_shared>>)
        %dma_start3A_182 = arith.constant 1 : i32
        %dma_start3A_183 = arith.constant 2 : i32
        %dma_start3A_184 = arith.constant 0 : i32
        %dma_start3A_185 = arith.constant 0 : i32
        %dma_start3A_186 = arith.constant 0 : i32
        %dma_start3A_187 = tpu.memref_slice %arg9[%dma_start3A_184, %dma_start3A_185, %dma_start3A_186] : memref<2x50x128xf32, #tpu.memory_space<vmem>> -> memref<1x50x128xf32, #tpu.memory_space<vmem>>
        %dma_start3A_188 = tpu.memref_squeeze %dma_start3A_187 : memref<1x50x128xf32, #tpu.memory_space<vmem>> -> memref<50x128xf32, #tpu.memory_space<vmem>>
        %dma_start3A_189 = arith.constant 0 : i32
        %dma_start3A_190 = tpu.memref_slice %arg7[%dma_start3A_182, %dma_start3A_183, %dma_start3A_189] : memref<2x8x50xi32, #tpu.memory_space<vmem>> -> memref<1x1x50xi32, #tpu.memory_space<vmem>>
        %dma_start3A_191 = tpu.memref_squeeze %dma_start3A_190 : memref<1x1x50xi32, #tpu.memory_space<vmem>> -> memref<50xi32, #tpu.memory_space<vmem>>
        %dma_start3A_192 = arith.constant 0 : i32
        %dma_start3A_193 = arith.constant 0 : i32
        %dma_start3A_194 = tpu.memref_slice %arg2[%dma_start3A_192, %dma_start3A_193] : memref<10000x128xf32, #tpu.memory_space<hbm>> -> memref<10000x128xf32, #tpu.memory_space<hbm>>
        tpu.enqueue_indirect_dma source(%dma_start3A_194 : memref<10000x128xf32, #tpu.memory_space<hbm>>) target(%dma_start3A_188 : memref<50x128xf32, #tpu.memory_space<vmem>>) offsets(%dma_start3A_191 : memref<50xi32, #tpu.memory_space<vmem>>) semaphore(%arg14 : memref<!tpu.dma_semaphore, #tpu.memory_space<semaphore_mem>>)
        %dma_start3A_195 = arith.constant 1 : i32
        %dma_start3A_196 = arith.constant 1 : i32
        %dma_start3A_197 = arith.constant 1 : i32
        %dma_start3A_198 = arith.constant 0 : i32
        %dma_start3A_199 = arith.constant 0 : i32
        %dma_start3A_200 = tpu.memref_slice %arg9[%dma_start3A_195, %dma_start3A_198, %dma_start3A_199] : memref<2x50x128xf32, #tpu.memory_space<vmem>> -> memref<1x50x128xf32, #tpu.memory_space<vmem>>
        %dma_start3A_201 = tpu.memref_squeeze %dma_start3A_200 : memref<1x50x128xf32, #tpu.memory_space<vmem>> -> memref<50x128xf32, #tpu.memory_space<vmem>>
        %dma_start3A_202 = arith.constant 0 : i32
        %dma_start3A_203 = tpu.memref_slice %arg8[%dma_start3A_196, %dma_start3A_197, %dma_start3A_202] : memref<2x8x50xi32, #tpu.memory_space<vmem>> -> memref<1x1x50xi32, #tpu.memory_space<vmem>>
        %dma_start3A_204 = tpu.memref_squeeze %dma_start3A_203 : memref<1x1x50xi32, #tpu.memory_space<vmem>> -> memref<50xi32, #tpu.memory_space<vmem>>
        %dma_start3A_205 = arith.constant 0 : i32
        %dma_start3A_206 = arith.constant 0 : i32
        %dma_start3A_207 = tpu.memref_slice %arg13[%dma_start3A_205, %dma_start3A_206] : memref<10000x128xf32, #tpu.memory_space<vmem_shared>> -> memref<10000x128xf32, #tpu.memory_space<vmem_shared>>
        tpu.enqueue_indirect_dma source(%dma_start3A_201 : memref<50x128xf32, #tpu.memory_space<vmem>>) target(%dma_start3A_207 : memref<10000x128xf32, #tpu.memory_space<vmem_shared>>) offsets(%dma_start3A_204 : memref<50xi32, #tpu.memory_space<vmem>>) semaphore(%arg16 : memref<!tpu.dma_semaphore, #tpu.memory_space<semaphore_mem>>) {add = true}
        %get3A_208 = arith.constant 1 : i32
        %get3A_209 = arith.constant 1 : i32
        %get3A_210 = arith.index_cast %get3A_208 : i32 to index
        %get3A_211 = arith.index_cast %get3A_209 : i32 to index
        %get3A_212 = arith.constant 0 : index
        %get3A_213 = tpu.vector_load %arg8[%get3A_210, %get3A_211, %get3A_212] {strides = array<i32>} : memref<2x8x50xi32, #tpu.memory_space<vmem>>, vector<16xi32>,
        tpu.vector_store_idx %arg12[%get3A_213], %broadcast_in_dim3A_5 {add = true} : memref<10000xf32, #tpu.memory_space<vmem>>[vector<16xi32>], vector<16xf32>,
        %get3A_214 = arith.constant 1 : i32
        %get3A_215 = arith.constant 1 : i32
        %get3A_216 = arith.index_cast %get3A_214 : i32 to index
        %get3A_217 = arith.index_cast %get3A_215 : i32 to index
        %get3A_218 = arith.constant 16 : index
        %get3A_219 = tpu.vector_load %arg8[%get3A_216, %get3A_217, %get3A_218] {strides = array<i32>} : memref<2x8x50xi32, #tpu.memory_space<vmem>>, vector<16xi32>,
        tpu.vector_store_idx %arg12[%get3A_219], %broadcast_in_dim3A_5 {add = true} : memref<10000xf32, #tpu.memory_space<vmem>>[vector<16xi32>], vector<16xf32>,
        %get3A_220 = arith.constant 1 : i32
        %get3A_221 = arith.constant 1 : i32
        %get3A_222 = arith.index_cast %get3A_220 : i32 to index
        %get3A_223 = arith.index_cast %get3A_221 : i32 to index
        %get3A_224 = arith.constant 32 : index
        %get3A_225 = tpu.vector_load %arg8[%get3A_222, %get3A_223, %get3A_224] {strides = array<i32>} : memref<2x8x50xi32, #tpu.memory_space<vmem>>, vector<16xi32>,
        tpu.vector_store_idx %arg12[%get3A_225], %broadcast_in_dim3A_5 {add = true} : memref<10000xf32, #tpu.memory_space<vmem>>[vector<16xi32>], vector<16xf32>,
        %get3A_226 = arith.constant 1 : i32
        %get3A_227 = arith.constant 1 : i32
        %get3A_228 = arith.index_cast %get3A_226 : i32 to index
        %get3A_229 = arith.index_cast %get3A_227 : i32 to index
        %get3A_230 = arith.constant 34 : index
        %get3A_231 = tpu.vector_load %arg8[%get3A_228, %get3A_229, %get3A_230] {strides = array<i32>} : memref<2x8x50xi32, #tpu.memory_space<vmem>>, vector<16xi32>,
        %ge3A_232 = arith.constant 14 : i32
        %ge3A_233 = vector.broadcast %ge3A_232 : i32 to vector<16xi32>
        %ge3A_234 = arith.cmpi sge, %iota3A, %ge3A_233 : vector<16xi32>
        tpu.vector_store_idx %arg12[%get3A_231], %broadcast_in_dim3A_5 masked %ge3A_234 {add = true} : memref<10000xf32, #tpu.memory_space<vmem>>[vector<16xi32>], vector<16xf32>, vector<16xi1>
        %dma_wait3A_235 = arith.constant 1 : i32
        %dma_wait3A_236 = arith.constant 2 : i32
        %dma_wait3A_237 = arith.constant 0 : i32
        %dma_wait3A_238 = arith.constant 0 : i32
        %dma_wait3A_239 = arith.constant 0 : i32
        %dma_wait3A_240 = tpu.memref_slice %arg9[%dma_wait3A_237, %dma_wait3A_238, %dma_wait3A_239] : memref<2x50x128xf32, #tpu.memory_space<vmem>> -> memref<1x50x128xf32, #tpu.memory_space<vmem>>
        %dma_wait3A_241 = tpu.memref_squeeze %dma_wait3A_240 : memref<1x50x128xf32, #tpu.memory_space<vmem>> -> memref<50x128xf32, #tpu.memory_space<vmem>>
        %dma_wait3A_242 = arith.constant 0 : i32
        %dma_wait3A_243 = tpu.memref_slice %arg7[%dma_wait3A_235, %dma_wait3A_236, %dma_wait3A_242] : memref<2x8x50xi32, #tpu.memory_space<vmem>> -> memref<1x1x50xi32, #tpu.memory_space<vmem>>
        %dma_wait3A_244 = tpu.memref_squeeze %dma_wait3A_243 : memref<1x1x50xi32, #tpu.memory_space<vmem>> -> memref<50xi32, #tpu.memory_space<vmem>>
        %dma_wait3A_245 = arith.constant 0 : i32
        %dma_wait3A_246 = arith.constant 0 : i32
        %dma_wait3A_247 = tpu.memref_slice %arg2[%dma_wait3A_245, %dma_wait3A_246] : memref<10000x128xf32, #tpu.memory_space<hbm>> -> memref<10000x128xf32, #tpu.memory_space<hbm>>
        tpu.wait_indirect_dma semaphore(%arg14 : memref<!tpu.dma_semaphore, #tpu.memory_space<semaphore_mem>>) src(%dma_wait3A_247 : memref<10000x128xf32, #tpu.memory_space<hbm>>) dst(%dma_wait3A_241 : memref<50x128xf32, #tpu.memory_space<vmem>>)
        %dma_wait3A_248 = arith.constant 1 : i32
        %dma_wait3A_249 = arith.constant 1 : i32
        %dma_wait3A_250 = arith.constant 1 : i32
        %dma_wait3A_251 = arith.constant 0 : i32
        %dma_wait3A_252 = arith.constant 0 : i32
        %dma_wait3A_253 = tpu.memref_slice %arg9[%dma_wait3A_248, %dma_wait3A_251, %dma_wait3A_252] : memref<2x50x128xf32, #tpu.memory_space<vmem>> -> memref<1x50x128xf32, #tpu.memory_space<vmem>>
        %dma_wait3A_254 = tpu.memref_squeeze %dma_wait3A_253 : memref<1x50x128xf32, #tpu.memory_space<vmem>> -> memref<50x128xf32, #tpu.memory_space<vmem>>
        %dma_wait3A_255 = arith.constant 0 : i32
        %dma_wait3A_256 = tpu.memref_slice %arg8[%dma_wait3A_249, %dma_wait3A_250, %dma_wait3A_255] : memref<2x8x50xi32, #tpu.memory_space<vmem>> -> memref<1x1x50xi32, #tpu.memory_space<vmem>>
        %dma_wait3A_257 = tpu.memref_squeeze %dma_wait3A_256 : memref<1x1x50xi32, #tpu.memory_space<vmem>> -> memref<50xi32, #tpu.memory_space<vmem>>
        %dma_wait3A_258 = arith.constant 0 : i32
        %dma_wait3A_259 = arith.constant 0 : i32
        %dma_wait3A_260 = tpu.memref_slice %arg13[%dma_wait3A_258, %dma_wait3A_259] : memref<10000x128xf32, #tpu.memory_space<vmem_shared>> -> memref<10000x128xf32, #tpu.memory_space<vmem_shared>>
        tpu.wait_indirect_dma semaphore(%arg16 : memref<!tpu.dma_semaphore, #tpu.memory_space<semaphore_mem>>) src(%dma_wait3A_254 : memref<50x128xf32, #tpu.memory_space<vmem>>) dst(%dma_wait3A_260 : memref<10000x128xf32, #tpu.memory_space<vmem_shared>>)
        %dma_start3A_261 = arith.constant 1 : i32
        %dma_start3A_262 = arith.constant 3 : i32
        %dma_start3A_263 = arith.constant 1 : i32
        %dma_start3A_264 = arith.constant 0 : i32
        %dma_start3A_265 = arith.constant 0 : i32
        %dma_start3A_266 = tpu.memref_slice %arg9[%dma_start3A_263, %dma_start3A_264, %dma_start3A_265] : memref<2x50x128xf32, #tpu.memory_space<vmem>> -> memref<1x50x128xf32, #tpu.memory_space<vmem>>
        %dma_start3A_267 = tpu.memref_squeeze %dma_start3A_266 : memref<1x50x128xf32, #tpu.memory_space<vmem>> -> memref<50x128xf32, #tpu.memory_space<vmem>>
        %dma_start3A_268 = arith.constant 0 : i32
        %dma_start3A_269 = tpu.memref_slice %arg7[%dma_start3A_261, %dma_start3A_262, %dma_start3A_268] : memref<2x8x50xi32, #tpu.memory_space<vmem>> -> memref<1x1x50xi32, #tpu.memory_space<vmem>>
        %dma_start3A_270 = tpu.memref_squeeze %dma_start3A_269 : memref<1x1x50xi32, #tpu.memory_space<vmem>> -> memref<50xi32, #tpu.memory_space<vmem>>
        %dma_start3A_271 = arith.constant 0 : i32
        %dma_start3A_272 = arith.constant 0 : i32
        %dma_start3A_273 = tpu.memref_slice %arg2[%dma_start3A_271, %dma_start3A_272] : memref<10000x128xf32, #tpu.memory_space<hbm>> -> memref<10000x128xf32, #tpu.memory_space<hbm>>
        tpu.enqueue_indirect_dma source(%dma_start3A_273 : memref<10000x128xf32, #tpu.memory_space<hbm>>) target(%dma_start3A_267 : memref<50x128xf32, #tpu.memory_space<vmem>>) offsets(%dma_start3A_270 : memref<50xi32, #tpu.memory_space<vmem>>) semaphore(%arg14 : memref<!tpu.dma_semaphore, #tpu.memory_space<semaphore_mem>>)
        %dma_start3A_274 = arith.constant 0 : i32
        %dma_start3A_275 = arith.constant 1 : i32
        %dma_start3A_276 = arith.constant 2 : i32
        %dma_start3A_277 = arith.constant 0 : i32
        %dma_start3A_278 = arith.constant 0 : i32
        %dma_start3A_279 = tpu.memref_slice %arg9[%dma_start3A_274, %dma_start3A_277, %dma_start3A_278] : memref<2x50x128xf32, #tpu.memory_space<vmem>> -> memref<1x50x128xf32, #tpu.memory_space<vmem>>
        %dma_start3A_280 = tpu.memref_squeeze %dma_start3A_279 : memref<1x50x128xf32, #tpu.memory_space<vmem>> -> memref<50x128xf32, #tpu.memory_space<vmem>>
        %dma_start3A_281 = arith.constant 0 : i32
        %dma_start3A_282 = tpu.memref_slice %arg8[%dma_start3A_275, %dma_start3A_276, %dma_start3A_281] : memref<2x8x50xi32, #tpu.memory_space<vmem>> -> memref<1x1x50xi32, #tpu.memory_space<vmem>>
        %dma_start3A_283 = tpu.memref_squeeze %dma_start3A_282 : memref<1x1x50xi32, #tpu.memory_space<vmem>> -> memref<50xi32, #tpu.memory_space<vmem>>
        %dma_start3A_284 = arith.constant 0 : i32
        %dma_start3A_285 = arith.constant 0 : i32
        %dma_start3A_286 = tpu.memref_slice %arg13[%dma_start3A_284, %dma_start3A_285] : memref<10000x128xf32, #tpu.memory_space<vmem_shared>> -> memref<10000x128xf32, #tpu.memory_space<vmem_shared>>
        tpu.enqueue_indirect_dma source(%dma_start3A_280 : memref<50x128xf32, #tpu.memory_space<vmem>>) target(%dma_start3A_286 : memref<10000x128xf32, #tpu.memory_space<vmem_shared>>) offsets(%dma_start3A_283 : memref<50xi32, #tpu.memory_space<vmem>>) semaphore(%arg16 : memref<!tpu.dma_semaphore, #tpu.memory_space<semaphore_mem>>) {add = true}
        %get3A_287 = arith.constant 1 : i32
        %get3A_288 = arith.constant 2 : i32
        %get3A_289 = arith.index_cast %get3A_287 : i32 to index
        %get3A_290 = arith.index_cast %get3A_288 : i32 to index
        %get3A_291 = arith.constant 0 : index
        %get3A_292 = tpu.vector_load %arg8[%get3A_289, %get3A_290, %get3A_291] {strides = array<i32>} : memref<2x8x50xi32, #tpu.memory_space<vmem>>, vector<16xi32>,
        tpu.vector_store_idx %arg12[%get3A_292], %broadcast_in_dim3A_5 {add = true} : memref<10000xf32, #tpu.memory_space<vmem>>[vector<16xi32>], vector<16xf32>,
        %get3A_293 = arith.constant 1 : i32
        %get3A_294 = arith.constant 2 : i32
        %get3A_295 = arith.index_cast %get3A_293 : i32 to index
        %get3A_296 = arith.index_cast %get3A_294 : i32 to index
        %get3A_297 = arith.constant 16 : index
        %get3A_298 = tpu.vector_load %arg8[%get3A_295, %get3A_296, %get3A_297] {strides = array<i32>} : memref<2x8x50xi32, #tpu.memory_space<vmem>>, vector<16xi32>,
        tpu.vector_store_idx %arg12[%get3A_298], %broadcast_in_dim3A_5 {add = true} : memref<10000xf32, #tpu.memory_space<vmem>>[vector<16xi32>], vector<16xf32>,
        %get3A_299 = arith.constant 1 : i32
        %get3A_300 = arith.constant 2 : i32
        %get3A_301 = arith.index_cast %get3A_299 : i32 to index
        %get3A_302 = arith.index_cast %get3A_300 : i32 to index
        %get3A_303 = arith.constant 32 : index
        %get3A_304 = tpu.vector_load %arg8[%get3A_301, %get3A_302, %get3A_303] {strides = array<i32>} : memref<2x8x50xi32, #tpu.memory_space<vmem>>, vector<16xi32>,
        tpu.vector_store_idx %arg12[%get3A_304], %broadcast_in_dim3A_5 {add = true} : memref<10000xf32, #tpu.memory_space<vmem>>[vector<16xi32>], vector<16xf32>,
        %get3A_305 = arith.constant 1 : i32
        %get3A_306 = arith.constant 2 : i32
        %get3A_307 = arith.index_cast %get3A_305 : i32 to index
        %get3A_308 = arith.index_cast %get3A_306 : i32 to index
        %get3A_309 = arith.constant 34 : index
        %get3A_310 = tpu.vector_load %arg8[%get3A_307, %get3A_308, %get3A_309] {strides = array<i32>} : memref<2x8x50xi32, #tpu.memory_space<vmem>>, vector<16xi32>,
        %ge3A_311 = arith.constant 14 : i32
        %ge3A_312 = vector.broadcast %ge3A_311 : i32 to vector<16xi32>
        %ge3A_313 = arith.cmpi sge, %iota3A, %ge3A_312 : vector<16xi32>
        tpu.vector_store_idx %arg12[%get3A_310], %broadcast_in_dim3A_5 masked %ge3A_313 {add = true} : memref<10000xf32, #tpu.memory_space<vmem>>[vector<16xi32>], vector<16xf32>, vector<16xi1>
        %dma_wait3A_314 = arith.constant 1 : i32
        %dma_wait3A_315 = arith.constant 3 : i32
        %dma_wait3A_316 = arith.constant 1 : i32
        %dma_wait3A_317 = arith.constant 0 : i32
        %dma_wait3A_318 = arith.constant 0 : i32
        %dma_wait3A_319 = tpu.memref_slice %arg9[%dma_wait3A_316, %dma_wait3A_317, %dma_wait3A_318] : memref<2x50x128xf32, #tpu.memory_space<vmem>> -> memref<1x50x128xf32, #tpu.memory_space<vmem>>
        %dma_wait3A_320 = tpu.memref_squeeze %dma_wait3A_319 : memref<1x50x128xf32, #tpu.memory_space<vmem>> -> memref<50x128xf32, #tpu.memory_space<vmem>>
        %dma_wait3A_321 = arith.constant 0 : i32
        %dma_wait3A_322 = tpu.memref_slice %arg7[%dma_wait3A_314, %dma_wait3A_315, %dma_wait3A_321] : memref<2x8x50xi32, #tpu.memory_space<vmem>> -> memref<1x1x50xi32, #tpu.memory_space<vmem>>
        %dma_wait3A_323 = tpu.memref_squeeze %dma_wait3A_322 : memref<1x1x50xi32, #tpu.memory_space<vmem>> -> memref<50xi32, #tpu.memory_space<vmem>>
        %dma_wait3A_324 = arith.constant 0 : i32
        %dma_wait3A_325 = arith.constant 0 : i32
        %dma_wait3A_326 = tpu.memref_slice %arg2[%dma_wait3A_324, %dma_wait3A_325] : memref<10000x128xf32, #tpu.memory_space<hbm>> -> memref<10000x128xf32, #tpu.memory_space<hbm>>
        tpu.wait_indirect_dma semaphore(%arg14 : memref<!tpu.dma_semaphore, #tpu.memory_space<semaphore_mem>>) src(%dma_wait3A_326 : memref<10000x128xf32, #tpu.memory_space<hbm>>) dst(%dma_wait3A_320 : memref<50x128xf32, #tpu.memory_space<vmem>>)
        %dma_wait3A_327 = arith.constant 0 : i32
        %dma_wait3A_328 = arith.constant 1 : i32
        %dma_wait3A_329 = arith.constant 2 : i32
        %dma_wait3A_330 = arith.constant 0 : i32
        %dma_wait3A_331 = arith.constant 0 : i32
        %dma_wait3A_332 = tpu.memref_slice %arg9[%dma_wait3A_327, %dma_wait3A_330, %dma_wait3A_331] : memref<2x50x128xf32, #tpu.memory_space<vmem>> -> memref<1x50x128xf32, #tpu.memory_space<vmem>>
        %dma_wait3A_333 = tpu.memref_squeeze %dma_wait3A_332 : memref<1x50x128xf32, #tpu.memory_space<vmem>> -> memref<50x128xf32, #tpu.memory_space<vmem>>
        %dma_wait3A_334 = arith.constant 0 : i32
        %dma_wait3A_335 = tpu.memref_slice %arg8[%dma_wait3A_328, %dma_wait3A_329, %dma_wait3A_334] : memref<2x8x50xi32, #tpu.memory_space<vmem>> -> memref<1x1x50xi32, #tpu.memory_space<vmem>>
        %dma_wait3A_336 = tpu.memref_squeeze %dma_wait3A_335 : memref<1x1x50xi32, #tpu.memory_space<vmem>> -> memref<50xi32, #tpu.memory_space<vmem>>
        %dma_wait3A_337 = arith.constant 0 : i32
        %dma_wait3A_338 = arith.constant 0 : i32
        %dma_wait3A_339 = tpu.memref_slice %arg13[%dma_wait3A_337, %dma_wait3A_338] : memref<10000x128xf32, #tpu.memory_space<vmem_shared>> -> memref<10000x128xf32, #tpu.memory_space<vmem_shared>>
        tpu.wait_indirect_dma semaphore(%arg16 : memref<!tpu.dma_semaphore, #tpu.memory_space<semaphore_mem>>) src(%dma_wait3A_333 : memref<50x128xf32, #tpu.memory_space<vmem>>) dst(%dma_wait3A_339 : memref<10000x128xf32, #tpu.memory_space<vmem_shared>>)
        %dma_start3A_340 = arith.constant 1 : i32
        %dma_start3A_341 = arith.constant 4 : i32
        %dma_start3A_342 = arith.constant 0 : i32
        %dma_start3A_343 = arith.constant 0 : i32
        %dma_start3A_344 = arith.constant 0 : i32
        %dma_start3A_345 = tpu.memref_slice %arg9[%dma_start3A_342, %dma_start3A_343, %dma_start3A_344] : memref<2x50x128xf32, #tpu.memory_space<vmem>> -> memref<1x50x128xf32, #tpu.memory_space<vmem>>
        %dma_start3A_346 = tpu.memref_squeeze %dma_start3A_345 : memref<1x50x128xf32, #tpu.memory_space<vmem>> -> memref<50x128xf32, #tpu.memory_space<vmem>>
        %dma_start3A_347 = arith.constant 0 : i32
        %dma_start3A_348 = tpu.memref_slice %arg7[%dma_start3A_340, %dma_start3A_341, %dma_start3A_347] : memref<2x8x50xi32, #tpu.memory_space<vmem>> -> memref<1x1x50xi32, #tpu.memory_space<vmem>>
        %dma_start3A_349 = tpu.memref_squeeze %dma_start3A_348 : memref<1x1x50xi32, #tpu.memory_space<vmem>> -> memref<50xi32, #tpu.memory_space<vmem>>
        %dma_start3A_350 = arith.constant 0 : i32
        %dma_start3A_351 = arith.constant 0 : i32
        %dma_start3A_352 = tpu.memref_slice %arg2[%dma_start3A_350, %dma_start3A_351] : memref<10000x128xf32, #tpu.memory_space<hbm>> -> memref<10000x128xf32, #tpu.memory_space<hbm>>
        tpu.enqueue_indirect_dma source(%dma_start3A_352 : memref<10000x128xf32, #tpu.memory_space<hbm>>) target(%dma_start3A_346 : memref<50x128xf32, #tpu.memory_space<vmem>>) offsets(%dma_start3A_349 : memref<50xi32, #tpu.memory_space<vmem>>) semaphore(%arg14 : memref<!tpu.dma_semaphore, #tpu.memory_space<semaphore_mem>>)
        %dma_start3A_353 = arith.constant 1 : i32
        %dma_start3A_354 = arith.constant 1 : i32
        %dma_start3A_355 = arith.constant 3 : i32
        %dma_start3A_356 = arith.constant 0 : i32
        %dma_start3A_357 = arith.constant 0 : i32
        %dma_start3A_358 = tpu.memref_slice %arg9[%dma_start3A_353, %dma_start3A_356, %dma_start3A_357] : memref<2x50x128xf32, #tpu.memory_space<vmem>> -> memref<1x50x128xf32, #tpu.memory_space<vmem>>
        %dma_start3A_359 = tpu.memref_squeeze %dma_start3A_358 : memref<1x50x128xf32, #tpu.memory_space<vmem>> -> memref<50x128xf32, #tpu.memory_space<vmem>>
        %dma_start3A_360 = arith.constant 0 : i32
        %dma_start3A_361 = tpu.memref_slice %arg8[%dma_start3A_354, %dma_start3A_355, %dma_start3A_360] : memref<2x8x50xi32, #tpu.memory_space<vmem>> -> memref<1x1x50xi32, #tpu.memory_space<vmem>>
        %dma_start3A_362 = tpu.memref_squeeze %dma_start3A_361 : memref<1x1x50xi32, #tpu.memory_space<vmem>> -> memref<50xi32, #tpu.memory_space<vmem>>
        %dma_start3A_363 = arith.constant 0 : i32
        %dma_start3A_364 = arith.constant 0 : i32
        %dma_start3A_365 = tpu.memref_slice %arg13[%dma_start3A_363, %dma_start3A_364] : memref<10000x128xf32, #tpu.memory_space<vmem_shared>> -> memref<10000x128xf32, #tpu.memory_space<vmem_shared>>
        tpu.enqueue_indirect_dma source(%dma_start3A_359 : memref<50x128xf32, #tpu.memory_space<vmem>>) target(%dma_start3A_365 : memref<10000x128xf32, #tpu.memory_space<vmem_shared>>) offsets(%dma_start3A_362 : memref<50xi32, #tpu.memory_space<vmem>>) semaphore(%arg16 : memref<!tpu.dma_semaphore, #tpu.memory_space<semaphore_mem>>) {add = true}
        %get3A_366 = arith.constant 1 : i32
        %get3A_367 = arith.constant 3 : i32
        %get3A_368 = arith.index_cast %get3A_366 : i32 to index
        %get3A_369 = arith.index_cast %get3A_367 : i32 to index
        %get3A_370 = arith.constant 0 : index
        %get3A_371 = tpu.vector_load %arg8[%get3A_368, %get3A_369, %get3A_370] {strides = array<i32>} : memref<2x8x50xi32, #tpu.memory_space<vmem>>, vector<16xi32>,
        tpu.vector_store_idx %arg12[%get3A_371], %broadcast_in_dim3A_5 {add = true} : memref<10000xf32, #tpu.memory_space<vmem>>[vector<16xi32>], vector<16xf32>,
        %get3A_372 = arith.constant 1 : i32
        %get3A_373 = arith.constant 3 : i32
        %get3A_374 = arith.index_cast %get3A_372 : i32 to index
        %get3A_375 = arith.index_cast %get3A_373 : i32 to index
        %get3A_376 = arith.constant 16 : index
        %get3A_377 = tpu.vector_load %arg8[%get3A_374, %get3A_375, %get3A_376] {strides = array<i32>} : memref<2x8x50xi32, #tpu.memory_space<vmem>>, vector<16xi32>,
        tpu.vector_store_idx %arg12[%get3A_377], %broadcast_in_dim3A_5 {add = true} : memref<10000xf32, #tpu.memory_space<vmem>>[vector<16xi32>], vector<16xf32>,
        %get3A_378 = arith.constant 1 : i32
        %get3A_379 = arith.constant 3 : i32
        %get3A_380 = arith.index_cast %get3A_378 : i32 to index
        %get3A_381 = arith.index_cast %get3A_379 : i32 to index
        %get3A_382 = arith.constant 32 : index
        %get3A_383 = tpu.vector_load %arg8[%get3A_380, %get3A_381, %get3A_382] {strides = array<i32>} : memref<2x8x50xi32, #tpu.memory_space<vmem>>, vector<16xi32>,
        tpu.vector_store_idx %arg12[%get3A_383], %broadcast_in_dim3A_5 {add = true} : memref<10000xf32, #tpu.memory_space<vmem>>[vector<16xi32>], vector<16xf32>,
        %get3A_384 = arith.constant 1 : i32
        %get3A_385 = arith.constant 3 : i32
        %get3A_386 = arith.index_cast %get3A_384 : i32 to index
        %get3A_387 = arith.index_cast %get3A_385 : i32 to index
        %get3A_388 = arith.constant 34 : index
        %get3A_389 = tpu.vector_load %arg8[%get3A_386, %get3A_387, %get3A_388] {strides = array<i32>} : memref<2x8x50xi32, #tpu.memory_space<vmem>>, vector<16xi32>,
        %ge3A_390 = arith.constant 14 : i32
        %ge3A_391 = vector.broadcast %ge3A_390 : i32 to vector<16xi32>
        %ge3A_392 = arith.cmpi sge, %iota3A, %ge3A_391 : vector<16xi32>
        tpu.vector_store_idx %arg12[%get3A_389], %broadcast_in_dim3A_5 masked %ge3A_392 {add = true} : memref<10000xf32, #tpu.memory_space<vmem>>[vector<16xi32>], vector<16xf32>, vector<16xi1>
        %dma_wait3A_393 = arith.constant 1 : i32
        %dma_wait3A_394 = arith.constant 4 : i32
        %dma_wait3A_395 = arith.constant 0 : i32
        %dma_wait3A_396 = arith.constant 0 : i32
        %dma_wait3A_397 = arith.constant 0 : i32
        %dma_wait3A_398 = tpu.memref_slice %arg9[%dma_wait3A_395, %dma_wait3A_396, %dma_wait3A_397] : memref<2x50x128xf32, #tpu.memory_space<vmem>> -> memref<1x50x128xf32, #tpu.memory_space<vmem>>
        %dma_wait3A_399 = tpu.memref_squeeze %dma_wait3A_398 : memref<1x50x128xf32, #tpu.memory_space<vmem>> -> memref<50x128xf32, #tpu.memory_space<vmem>>
        %dma_wait3A_400 = arith.constant 0 : i32
        %dma_wait3A_401 = tpu.memref_slice %arg7[%dma_wait3A_393, %dma_wait3A_394, %dma_wait3A_400] : memref<2x8x50xi32, #tpu.memory_space<vmem>> -> memref<1x1x50xi32, #tpu.memory_space<vmem>>
        %dma_wait3A_402 = tpu.memref_squeeze %dma_wait3A_401 : memref<1x1x50xi32, #tpu.memory_space<vmem>> -> memref<50xi32, #tpu.memory_space<vmem>>
        %dma_wait3A_403 = arith.constant 0 : i32
        %dma_wait3A_404 = arith.constant 0 : i32
        %dma_wait3A_405 = tpu.memref_slice %arg2[%dma_wait3A_403, %dma_wait3A_404] : memref<10000x128xf32, #tpu.memory_space<hbm>> -> memref<10000x128xf32, #tpu.memory_space<hbm>>
        tpu.wait_indirect_dma semaphore(%arg14 : memref<!tpu.dma_semaphore, #tpu.memory_space<semaphore_mem>>) src(%dma_wait3A_405 : memref<10000x128xf32, #tpu.memory_space<hbm>>) dst(%dma_wait3A_399 : memref<50x128xf32, #tpu.memory_space<vmem>>)
        %dma_wait3A_406 = arith.constant 1 : i32
        %dma_wait3A_407 = arith.constant 1 : i32
        %dma_wait3A_408 = arith.constant 3 : i32
        %dma_wait3A_409 = arith.constant 0 : i32
        %dma_wait3A_410 = arith.constant 0 : i32
        %dma_wait3A_411 = tpu.memref_slice %arg9[%dma_wait3A_406, %dma_wait3A_409, %dma_wait3A_410] : memref<2x50x128xf32, #tpu.memory_space<vmem>> -> memref<1x50x128xf32, #tpu.memory_space<vmem>>
        %dma_wait3A_412 = tpu.memref_squeeze %dma_wait3A_411 : memref<1x50x128xf32, #tpu.memory_space<vmem>> -> memref<50x128xf32, #tpu.memory_space<vmem>>
        %dma_wait3A_413 = arith.constant 0 : i32
        %dma_wait3A_414 = tpu.memref_slice %arg8[%dma_wait3A_407, %dma_wait3A_408, %dma_wait3A_413] : memref<2x8x50xi32, #tpu.memory_space<vmem>> -> memref<1x1x50xi32, #tpu.memory_space<vmem>>
        %dma_wait3A_415 = tpu.memref_squeeze %dma_wait3A_414 : memref<1x1x50xi32, #tpu.memory_space<vmem>> -> memref<50xi32, #tpu.memory_space<vmem>>
        %dma_wait3A_416 = arith.constant 0 : i32
        %dma_wait3A_417 = arith.constant 0 : i32
        %dma_wait3A_418 = tpu.memref_slice %arg13[%dma_wait3A_416, %dma_wait3A_417] : memref<10000x128xf32, #tpu.memory_space<vmem_shared>> -> memref<10000x128xf32, #tpu.memory_space<vmem_shared>>
        tpu.wait_indirect_dma semaphore(%arg16 : memref<!tpu.dma_semaphore, #tpu.memory_space<semaphore_mem>>) src(%dma_wait3A_412 : memref<50x128xf32, #tpu.memory_space<vmem>>) dst(%dma_wait3A_418 : memref<10000x128xf32, #tpu.memory_space<vmem_shared>>)
        %dma_start3A_419 = arith.constant 1 : i32
        %dma_start3A_420 = arith.constant 5 : i32
        %dma_start3A_421 = arith.constant 1 : i32
        %dma_start3A_422 = arith.constant 0 : i32
        %dma_start3A_423 = arith.constant 0 : i32
        %dma_start3A_424 = tpu.memref_slice %arg9[%dma_start3A_421, %dma_start3A_422, %dma_start3A_423] : memref<2x50x128xf32, #tpu.memory_space<vmem>> -> memref<1x50x128xf32, #tpu.memory_space<vmem>>
        %dma_start3A_425 = tpu.memref_squeeze %dma_start3A_424 : memref<1x50x128xf32, #tpu.memory_space<vmem>> -> memref<50x128xf32, #tpu.memory_space<vmem>>
        %dma_start3A_426 = arith.constant 0 : i32
        %dma_start3A_427 = tpu.memref_slice %arg7[%dma_start3A_419, %dma_start3A_420, %dma_start3A_426] : memref<2x8x50xi32, #tpu.memory_space<vmem>> -> memref<1x1x50xi32, #tpu.memory_space<vmem>>
        %dma_start3A_428 = tpu.memref_squeeze %dma_start3A_427 : memref<1x1x50xi32, #tpu.memory_space<vmem>> -> memref<50xi32, #tpu.memory_space<vmem>>
        %dma_start3A_429 = arith.constant 0 : i32
        %dma_start3A_430 = arith.constant 0 : i32
        %dma_start3A_431 = tpu.memref_slice %arg2[%dma_start3A_429, %dma_start3A_430] : memref<10000x128xf32, #tpu.memory_space<hbm>> -> memref<10000x128xf32, #tpu.memory_space<hbm>>
        tpu.enqueue_indirect_dma source(%dma_start3A_431 : memref<10000x128xf32, #tpu.memory_space<hbm>>) target(%dma_start3A_425 : memref<50x128xf32, #tpu.memory_space<vmem>>) offsets(%dma_start3A_428 : memref<50xi32, #tpu.memory_space<vmem>>) semaphore(%arg14 : memref<!tpu.dma_semaphore, #tpu.memory_space<semaphore_mem>>)
        %dma_start3A_432 = arith.constant 0 : i32
        %dma_start3A_433 = arith.constant 1 : i32
        %dma_start3A_434 = arith.constant 4 : i32
        %dma_start3A_435 = arith.constant 0 : i32
        %dma_start3A_436 = arith.constant 0 : i32
        %dma_start3A_437 = tpu.memref_slice %arg9[%dma_start3A_432, %dma_start3A_435, %dma_start3A_436] : memref<2x50x128xf32, #tpu.memory_space<vmem>> -> memref<1x50x128xf32, #tpu.memory_space<vmem>>
        %dma_start3A_438 = tpu.memref_squeeze %dma_start3A_437 : memref<1x50x128xf32, #tpu.memory_space<vmem>> -> memref<50x128xf32, #tpu.memory_space<vmem>>
        %dma_start3A_439 = arith.constant 0 : i32
        %dma_start3A_440 = tpu.memref_slice %arg8[%dma_start3A_433, %dma_start3A_434, %dma_start3A_439] : memref<2x8x50xi32, #tpu.memory_space<vmem>> -> memref<1x1x50xi32, #tpu.memory_space<vmem>>
        %dma_start3A_441 = tpu.memref_squeeze %dma_start3A_440 : memref<1x1x50xi32, #tpu.memory_space<vmem>> -> memref<50xi32, #tpu.memory_space<vmem>>
        %dma_start3A_442 = arith.constant 0 : i32
        %dma_start3A_443 = arith.constant 0 : i32
        %dma_start3A_444 = tpu.memref_slice %arg13[%dma_start3A_442, %dma_start3A_443] : memref<10000x128xf32, #tpu.memory_space<vmem_shared>> -> memref<10000x128xf32, #tpu.memory_space<vmem_shared>>
        tpu.enqueue_indirect_dma source(%dma_start3A_438 : memref<50x128xf32, #tpu.memory_space<vmem>>) target(%dma_start3A_444 : memref<10000x128xf32, #tpu.memory_space<vmem_shared>>) offsets(%dma_start3A_441 : memref<50xi32, #tpu.memory_space<vmem>>) semaphore(%arg16 : memref<!tpu.dma_semaphore, #tpu.memory_space<semaphore_mem>>) {add = true}
        %get3A_445 = arith.constant 1 : i32
        %get3A_446 = arith.constant 4 : i32
        %get3A_447 = arith.index_cast %get3A_445 : i32 to index
        %get3A_448 = arith.index_cast %get3A_446 : i32 to index
        %get3A_449 = arith.constant 0 : index
        %get3A_450 = tpu.vector_load %arg8[%get3A_447, %get3A_448, %get3A_449] {strides = array<i32>} : memref<2x8x50xi32, #tpu.memory_space<vmem>>, vector<16xi32>,
        tpu.vector_store_idx %arg12[%get3A_450], %broadcast_in_dim3A_5 {add = true} : memref<10000xf32, #tpu.memory_space<vmem>>[vector<16xi32>], vector<16xf32>,
        %get3A_451 = arith.constant 1 : i32
        %get3A_452 = arith.constant 4 : i32
        %get3A_453 = arith.index_cast %get3A_451 : i32 to index
        %get3A_454 = arith.index_cast %get3A_452 : i32 to index
        %get3A_455 = arith.constant 16 : index
        %get3A_456 = tpu.vector_load %arg8[%get3A_453, %get3A_454, %get3A_455] {strides = array<i32>} : memref<2x8x50xi32, #tpu.memory_space<vmem>>, vector<16xi32>,
        tpu.vector_store_idx %arg12[%get3A_456], %broadcast_in_dim3A_5 {add = true} : memref<10000xf32, #tpu.memory_space<vmem>>[vector<16xi32>], vector<16xf32>,
        %get3A_457 = arith.constant 1 : i32
        %get3A_458 = arith.constant 4 : i32
        %get3A_459 = arith.index_cast %get3A_457 : i32 to index
        %get3A_460 = arith.index_cast %get3A_458 : i32 to index
        %get3A_461 = arith.constant 32 : index
        %get3A_462 = tpu.vector_load %arg8[%get3A_459, %get3A_460, %get3A_461] {strides = array<i32>} : memref<2x8x50xi32, #tpu.memory_space<vmem>>, vector<16xi32>,
        tpu.vector_store_idx %arg12[%get3A_462], %broadcast_in_dim3A_5 {add = true} : memref<10000xf32, #tpu.memory_space<vmem>>[vector<16xi32>], vector<16xf32>,
        %get3A_463 = arith.constant 1 : i32
        %get3A_464 = arith.constant 4 : i32
        %get3A_465 = arith.index_cast %get3A_463 : i32 to index
        %get3A_466 = arith.index_cast %get3A_464 : i32 to index
        %get3A_467 = arith.constant 34 : index
        %get3A_468 = tpu.vector_load %arg8[%get3A_465, %get3A_466, %get3A_467] {strides = array<i32>} : memref<2x8x50xi32, #tpu.memory_space<vmem>>, vector<16xi32>,
        %ge3A_469 = arith.constant 14 : i32
        %ge3A_470 = vector.broadcast %ge3A_469 : i32 to vector<16xi32>
        %ge3A_471 = arith.cmpi sge, %iota3A, %ge3A_470 : vector<16xi32>
        tpu.vector_store_idx %arg12[%get3A_468], %broadcast_in_dim3A_5 masked %ge3A_471 {add = true} : memref<10000xf32, #tpu.memory_space<vmem>>[vector<16xi32>], vector<16xf32>, vector<16xi1>
        %dma_wait3A_472 = arith.constant 1 : i32
        %dma_wait3A_473 = arith.constant 5 : i32
        %dma_wait3A_474 = arith.constant 1 : i32
        %dma_wait3A_475 = arith.constant 0 : i32
        %dma_wait3A_476 = arith.constant 0 : i32
        %dma_wait3A_477 = tpu.memref_slice %arg9[%dma_wait3A_474, %dma_wait3A_475, %dma_wait3A_476] : memref<2x50x128xf32, #tpu.memory_space<vmem>> -> memref<1x50x128xf32, #tpu.memory_space<vmem>>
        %dma_wait3A_478 = tpu.memref_squeeze %dma_wait3A_477 : memref<1x50x128xf32, #tpu.memory_space<vmem>> -> memref<50x128xf32, #tpu.memory_space<vmem>>
        %dma_wait3A_479 = arith.constant 0 : i32
        %dma_wait3A_480 = tpu.memref_slice %arg7[%dma_wait3A_472, %dma_wait3A_473, %dma_wait3A_479] : memref<2x8x50xi32, #tpu.memory_space<vmem>> -> memref<1x1x50xi32, #tpu.memory_space<vmem>>
        %dma_wait3A_481 = tpu.memref_squeeze %dma_wait3A_480 : memref<1x1x50xi32, #tpu.memory_space<vmem>> -> memref<50xi32, #tpu.memory_space<vmem>>
        %dma_wait3A_482 = arith.constant 0 : i32
        %dma_wait3A_483 = arith.constant 0 : i32
        %dma_wait3A_484 = tpu.memref_slice %arg2[%dma_wait3A_482, %dma_wait3A_483] : memref<10000x128xf32, #tpu.memory_space<hbm>> -> memref<10000x128xf32, #tpu.memory_space<hbm>>
        tpu.wait_indirect_dma semaphore(%arg14 : memref<!tpu.dma_semaphore, #tpu.memory_space<semaphore_mem>>) src(%dma_wait3A_484 : memref<10000x128xf32, #tpu.memory_space<hbm>>) dst(%dma_wait3A_478 : memref<50x128xf32, #tpu.memory_space<vmem>>)
        %dma_wait3A_485 = arith.constant 0 : i32
        %dma_wait3A_486 = arith.constant 1 : i32
        %dma_wait3A_487 = arith.constant 4 : i32
        %dma_wait3A_488 = arith.constant 0 : i32
        %dma_wait3A_489 = arith.constant 0 : i32
        %dma_wait3A_490 = tpu.memref_slice %arg9[%dma_wait3A_485, %dma_wait3A_488, %dma_wait3A_489] : memref<2x50x128xf32, #tpu.memory_space<vmem>> -> memref<1x50x128xf32, #tpu.memory_space<vmem>>
        %dma_wait3A_491 = tpu.memref_squeeze %dma_wait3A_490 : memref<1x50x128xf32, #tpu.memory_space<vmem>> -> memref<50x128xf32, #tpu.memory_space<vmem>>
        %dma_wait3A_492 = arith.constant 0 : i32
        %dma_wait3A_493 = tpu.memref_slice %arg8[%dma_wait3A_486, %dma_wait3A_487, %dma_wait3A_492] : memref<2x8x50xi32, #tpu.memory_space<vmem>> -> memref<1x1x50xi32, #tpu.memory_space<vmem>>
        %dma_wait3A_494 = tpu.memref_squeeze %dma_wait3A_493 : memref<1x1x50xi32, #tpu.memory_space<vmem>> -> memref<50xi32, #tpu.memory_space<vmem>>
        %dma_wait3A_495 = arith.constant 0 : i32
        %dma_wait3A_496 = arith.constant 0 : i32
        %dma_wait3A_497 = tpu.memref_slice %arg13[%dma_wait3A_495, %dma_wait3A_496] : memref<10000x128xf32, #tpu.memory_space<vmem_shared>> -> memref<10000x128xf32, #tpu.memory_space<vmem_shared>>
        tpu.wait_indirect_dma semaphore(%arg16 : memref<!tpu.dma_semaphore, #tpu.memory_space<semaphore_mem>>) src(%dma_wait3A_491 : memref<50x128xf32, #tpu.memory_space<vmem>>) dst(%dma_wait3A_497 : memref<10000x128xf32, #tpu.memory_space<vmem_shared>>)
        %dma_start3A_498 = arith.constant 1 : i32
        %dma_start3A_499 = arith.constant 6 : i32
        %dma_start3A_500 = arith.constant 0 : i32
        %dma_start3A_501 = arith.constant 0 : i32
        %dma_start3A_502 = arith.constant 0 : i32
        %dma_start3A_503 = tpu.memref_slice %arg9[%dma_start3A_500, %dma_start3A_501, %dma_start3A_502] : memref<2x50x128xf32, #tpu.memory_space<vmem>> -> memref<1x50x128xf32, #tpu.memory_space<vmem>>
        %dma_start3A_504 = tpu.memref_squeeze %dma_start3A_503 : memref<1x50x128xf32, #tpu.memory_space<vmem>> -> memref<50x128xf32, #tpu.memory_space<vmem>>
        %dma_start3A_505 = arith.constant 0 : i32
        %dma_start3A_506 = tpu.memref_slice %arg7[%dma_start3A_498, %dma_start3A_499, %dma_start3A_505] : memref<2x8x50xi32, #tpu.memory_space<vmem>> -> memref<1x1x50xi32, #tpu.memory_space<vmem>>
        %dma_start3A_507 = tpu.memref_squeeze %dma_start3A_506 : memref<1x1x50xi32, #tpu.memory_space<vmem>> -> memref<50xi32, #tpu.memory_space<vmem>>
        %dma_start3A_508 = arith.constant 0 : i32
        %dma_start3A_509 = arith.constant 0 : i32
        %dma_start3A_510 = tpu.memref_slice %arg2[%dma_start3A_508, %dma_start3A_509] : memref<10000x128xf32, #tpu.memory_space<hbm>> -> memref<10000x128xf32, #tpu.memory_space<hbm>>
        tpu.enqueue_indirect_dma source(%dma_start3A_510 : memref<10000x128xf32, #tpu.memory_space<hbm>>) target(%dma_start3A_504 : memref<50x128xf32, #tpu.memory_space<vmem>>) offsets(%dma_start3A_507 : memref<50xi32, #tpu.memory_space<vmem>>) semaphore(%arg14 : memref<!tpu.dma_semaphore, #tpu.memory_space<semaphore_mem>>)
        %dma_start3A_511 = arith.constant 1 : i32
        %dma_start3A_512 = arith.constant 1 : i32
        %dma_start3A_513 = arith.constant 5 : i32
        %dma_start3A_514 = arith.constant 0 : i32
        %dma_start3A_515 = arith.constant 0 : i32
        %dma_start3A_516 = tpu.memref_slice %arg9[%dma_start3A_511, %dma_start3A_514, %dma_start3A_515] : memref<2x50x128xf32, #tpu.memory_space<vmem>> -> memref<1x50x128xf32, #tpu.memory_space<vmem>>
        %dma_start3A_517 = tpu.memref_squeeze %dma_start3A_516 : memref<1x50x128xf32, #tpu.memory_space<vmem>> -> memref<50x128xf32, #tpu.memory_space<vmem>>
        %dma_start3A_518 = arith.constant 0 : i32
        %dma_start3A_519 = tpu.memref_slice %arg8[%dma_start3A_512, %dma_start3A_513, %dma_start3A_518] : memref<2x8x50xi32, #tpu.memory_space<vmem>> -> memref<1x1x50xi32, #tpu.memory_space<vmem>>
        %dma_start3A_520 = tpu.memref_squeeze %dma_start3A_519 : memref<1x1x50xi32, #tpu.memory_space<vmem>> -> memref<50xi32, #tpu.memory_space<vmem>>
        %dma_start3A_521 = arith.constant 0 : i32
        %dma_start3A_522 = arith.constant 0 : i32
        %dma_start3A_523 = tpu.memref_slice %arg13[%dma_start3A_521, %dma_start3A_522] : memref<10000x128xf32, #tpu.memory_space<vmem_shared>> -> memref<10000x128xf32, #tpu.memory_space<vmem_shared>>
        tpu.enqueue_indirect_dma source(%dma_start3A_517 : memref<50x128xf32, #tpu.memory_space<vmem>>) target(%dma_start3A_523 : memref<10000x128xf32, #tpu.memory_space<vmem_shared>>) offsets(%dma_start3A_520 : memref<50xi32, #tpu.memory_space<vmem>>) semaphore(%arg16 : memref<!tpu.dma_semaphore, #tpu.memory_space<semaphore_mem>>) {add = true}
        %get3A_524 = arith.constant 1 : i32
        %get3A_525 = arith.constant 5 : i32
        %get3A_526 = arith.index_cast %get3A_524 : i32 to index
        %get3A_527 = arith.index_cast %get3A_525 : i32 to index
        %get3A_528 = arith.constant 0 : index
        %get3A_529 = tpu.vector_load %arg8[%get3A_526, %get3A_527, %get3A_528] {strides = array<i32>} : memref<2x8x50xi32, #tpu.memory_space<vmem>>, vector<16xi32>,
        tpu.vector_store_idx %arg12[%get3A_529], %broadcast_in_dim3A_5 {add = true} : memref<10000xf32, #tpu.memory_space<vmem>>[vector<16xi32>], vector<16xf32>,
        %get3A_530 = arith.constant 1 : i32
        %get3A_531 = arith.constant 5 : i32
        %get3A_532 = arith.index_cast %get3A_530 : i32 to index
        %get3A_533 = arith.index_cast %get3A_531 : i32 to index
        %get3A_534 = arith.constant 16 : index
        %get3A_535 = tpu.vector_load %arg8[%get3A_532, %get3A_533, %get3A_534] {strides = array<i32>} : memref<2x8x50xi32, #tpu.memory_space<vmem>>, vector<16xi32>,
        tpu.vector_store_idx %arg12[%get3A_535], %broadcast_in_dim3A_5 {add = true} : memref<10000xf32, #tpu.memory_space<vmem>>[vector<16xi32>], vector<16xf32>,
        %get3A_536 = arith.constant 1 : i32
        %get3A_537 = arith.constant 5 : i32
        %get3A_538 = arith.index_cast %get3A_536 : i32 to index
        %get3A_539 = arith.index_cast %get3A_537 : i32 to index
        %get3A_540 = arith.constant 32 : index
        %get3A_541 = tpu.vector_load %arg8[%get3A_538, %get3A_539, %get3A_540] {strides = array<i32>} : memref<2x8x50xi32, #tpu.memory_space<vmem>>, vector<16xi32>,
        tpu.vector_store_idx %arg12[%get3A_541], %broadcast_in_dim3A_5 {add = true} : memref<10000xf32, #tpu.memory_space<vmem>>[vector<16xi32>], vector<16xf32>,
        %get3A_542 = arith.constant 1 : i32
        %get3A_543 = arith.constant 5 : i32
        %get3A_544 = arith.index_cast %get3A_542 : i32 to index
        %get3A_545 = arith.index_cast %get3A_543 : i32 to index
        %get3A_546 = arith.constant 34 : index
        %get3A_547 = tpu.vector_load %arg8[%get3A_544, %get3A_545, %get3A_546] {strides = array<i32>} : memref<2x8x50xi32, #tpu.memory_space<vmem>>, vector<16xi32>,
        %ge3A_548 = arith.constant 14 : i32
        %ge3A_549 = vector.broadcast %ge3A_548 : i32 to vector<16xi32>
        %ge3A_550 = arith.cmpi sge, %iota3A, %ge3A_549 : vector<16xi32>
        tpu.vector_store_idx %arg12[%get3A_547], %broadcast_in_dim3A_5 masked %ge3A_550 {add = true} : memref<10000xf32, #tpu.memory_space<vmem>>[vector<16xi32>], vector<16xf32>, vector<16xi1>
        %dma_wait3A_551 = arith.constant 1 : i32
        %dma_wait3A_552 = arith.constant 6 : i32
        %dma_wait3A_553 = arith.constant 0 : i32
        %dma_wait3A_554 = arith.constant 0 : i32
        %dma_wait3A_555 = arith.constant 0 : i32
        %dma_wait3A_556 = tpu.memref_slice %arg9[%dma_wait3A_553, %dma_wait3A_554, %dma_wait3A_555] : memref<2x50x128xf32, #tpu.memory_space<vmem>> -> memref<1x50x128xf32, #tpu.memory_space<vmem>>
        %dma_wait3A_557 = tpu.memref_squeeze %dma_wait3A_556 : memref<1x50x128xf32, #tpu.memory_space<vmem>> -> memref<50x128xf32, #tpu.memory_space<vmem>>
        %dma_wait3A_558 = arith.constant 0 : i32
        %dma_wait3A_559 = tpu.memref_slice %arg7[%dma_wait3A_551, %dma_wait3A_552, %dma_wait3A_558] : memref<2x8x50xi32, #tpu.memory_space<vmem>> -> memref<1x1x50xi32, #tpu.memory_space<vmem>>
        %dma_wait3A_560 = tpu.memref_squeeze %dma_wait3A_559 : memref<1x1x50xi32, #tpu.memory_space<vmem>> -> memref<50xi32, #tpu.memory_space<vmem>>
        %dma_wait3A_561 = arith.constant 0 : i32
        %dma_wait3A_562 = arith.constant 0 : i32
        %dma_wait3A_563 = tpu.memref_slice %arg2[%dma_wait3A_561, %dma_wait3A_562] : memref<10000x128xf32, #tpu.memory_space<hbm>> -> memref<10000x128xf32, #tpu.memory_space<hbm>>
        tpu.wait_indirect_dma semaphore(%arg14 : memref<!tpu.dma_semaphore, #tpu.memory_space<semaphore_mem>>) src(%dma_wait3A_563 : memref<10000x128xf32, #tpu.memory_space<hbm>>) dst(%dma_wait3A_557 : memref<50x128xf32, #tpu.memory_space<vmem>>)
        %dma_wait3A_564 = arith.constant 1 : i32
        %dma_wait3A_565 = arith.constant 1 : i32
        %dma_wait3A_566 = arith.constant 5 : i32
        %dma_wait3A_567 = arith.constant 0 : i32
        %dma_wait3A_568 = arith.constant 0 : i32
        %dma_wait3A_569 = tpu.memref_slice %arg9[%dma_wait3A_564, %dma_wait3A_567, %dma_wait3A_568] : memref<2x50x128xf32, #tpu.memory_space<vmem>> -> memref<1x50x128xf32, #tpu.memory_space<vmem>>
        %dma_wait3A_570 = tpu.memref_squeeze %dma_wait3A_569 : memref<1x50x128xf32, #tpu.memory_space<vmem>> -> memref<50x128xf32, #tpu.memory_space<vmem>>
        %dma_wait3A_571 = arith.constant 0 : i32
        %dma_wait3A_572 = tpu.memref_slice %arg8[%dma_wait3A_565, %dma_wait3A_566, %dma_wait3A_571] : memref<2x8x50xi32, #tpu.memory_space<vmem>> -> memref<1x1x50xi32, #tpu.memory_space<vmem>>
        %dma_wait3A_573 = tpu.memref_squeeze %dma_wait3A_572 : memref<1x1x50xi32, #tpu.memory_space<vmem>> -> memref<50xi32, #tpu.memory_space<vmem>>
        %dma_wait3A_574 = arith.constant 0 : i32
        %dma_wait3A_575 = arith.constant 0 : i32
        %dma_wait3A_576 = tpu.memref_slice %arg13[%dma_wait3A_574, %dma_wait3A_575] : memref<10000x128xf32, #tpu.memory_space<vmem_shared>> -> memref<10000x128xf32, #tpu.memory_space<vmem_shared>>
        tpu.wait_indirect_dma semaphore(%arg16 : memref<!tpu.dma_semaphore, #tpu.memory_space<semaphore_mem>>) src(%dma_wait3A_570 : memref<50x128xf32, #tpu.memory_space<vmem>>) dst(%dma_wait3A_576 : memref<10000x128xf32, #tpu.memory_space<vmem_shared>>)
        %dma_start3A_577 = arith.constant 1 : i32
        %dma_start3A_578 = arith.constant 7 : i32
        %dma_start3A_579 = arith.constant 1 : i32
        %dma_start3A_580 = arith.constant 0 : i32
        %dma_start3A_581 = arith.constant 0 : i32
        %dma_start3A_582 = tpu.memref_slice %arg9[%dma_start3A_579, %dma_start3A_580, %dma_start3A_581] : memref<2x50x128xf32, #tpu.memory_space<vmem>> -> memref<1x50x128xf32, #tpu.memory_space<vmem>>
        %dma_start3A_583 = tpu.memref_squeeze %dma_start3A_582 : memref<1x50x128xf32, #tpu.memory_space<vmem>> -> memref<50x128xf32, #tpu.memory_space<vmem>>
        %dma_start3A_584 = arith.constant 0 : i32
        %dma_start3A_585 = tpu.memref_slice %arg7[%dma_start3A_577, %dma_start3A_578, %dma_start3A_584] : memref<2x8x50xi32, #tpu.memory_space<vmem>> -> memref<1x1x50xi32, #tpu.memory_space<vmem>>
        %dma_start3A_586 = tpu.memref_squeeze %dma_start3A_585 : memref<1x1x50xi32, #tpu.memory_space<vmem>> -> memref<50xi32, #tpu.memory_space<vmem>>
        %dma_start3A_587 = arith.constant 0 : i32
        %dma_start3A_588 = arith.constant 0 : i32
        %dma_start3A_589 = tpu.memref_slice %arg2[%dma_start3A_587, %dma_start3A_588] : memref<10000x128xf32, #tpu.memory_space<hbm>> -> memref<10000x128xf32, #tpu.memory_space<hbm>>
        tpu.enqueue_indirect_dma source(%dma_start3A_589 : memref<10000x128xf32, #tpu.memory_space<hbm>>) target(%dma_start3A_583 : memref<50x128xf32, #tpu.memory_space<vmem>>) offsets(%dma_start3A_586 : memref<50xi32, #tpu.memory_space<vmem>>) semaphore(%arg14 : memref<!tpu.dma_semaphore, #tpu.memory_space<semaphore_mem>>)
        %dma_start3A_590 = arith.constant 0 : i32
        %dma_start3A_591 = arith.constant 1 : i32
        %dma_start3A_592 = arith.constant 6 : i32
        %dma_start3A_593 = arith.constant 0 : i32
        %dma_start3A_594 = arith.constant 0 : i32
        %dma_start3A_595 = tpu.memref_slice %arg9[%dma_start3A_590, %dma_start3A_593, %dma_start3A_594] : memref<2x50x128xf32, #tpu.memory_space<vmem>> -> memref<1x50x128xf32, #tpu.memory_space<vmem>>
        %dma_start3A_596 = tpu.memref_squeeze %dma_start3A_595 : memref<1x50x128xf32, #tpu.memory_space<vmem>> -> memref<50x128xf32, #tpu.memory_space<vmem>>
        %dma_start3A_597 = arith.constant 0 : i32
        %dma_start3A_598 = tpu.memref_slice %arg8[%dma_start3A_591, %dma_start3A_592, %dma_start3A_597] : memref<2x8x50xi32, #tpu.memory_space<vmem>> -> memref<1x1x50xi32, #tpu.memory_space<vmem>>
        %dma_start3A_599 = tpu.memref_squeeze %dma_start3A_598 : memref<1x1x50xi32, #tpu.memory_space<vmem>> -> memref<50xi32, #tpu.memory_space<vmem>>
        %dma_start3A_600 = arith.constant 0 : i32
        %dma_start3A_601 = arith.constant 0 : i32
        %dma_start3A_602 = tpu.memref_slice %arg13[%dma_start3A_600, %dma_start3A_601] : memref<10000x128xf32, #tpu.memory_space<vmem_shared>> -> memref<10000x128xf32, #tpu.memory_space<vmem_shared>>
        tpu.enqueue_indirect_dma source(%dma_start3A_596 : memref<50x128xf32, #tpu.memory_space<vmem>>) target(%dma_start3A_602 : memref<10000x128xf32, #tpu.memory_space<vmem_shared>>) offsets(%dma_start3A_599 : memref<50xi32, #tpu.memory_space<vmem>>) semaphore(%arg16 : memref<!tpu.dma_semaphore, #tpu.memory_space<semaphore_mem>>) {add = true}
        %get3A_603 = arith.constant 1 : i32
        %get3A_604 = arith.constant 6 : i32
        %get3A_605 = arith.index_cast %get3A_603 : i32 to index
        %get3A_606 = arith.index_cast %get3A_604 : i32 to index
        %get3A_607 = arith.constant 0 : index
        %get3A_608 = tpu.vector_load %arg8[%get3A_605, %get3A_606, %get3A_607] {strides = array<i32>} : memref<2x8x50xi32, #tpu.memory_space<vmem>>, vector<16xi32>,
        tpu.vector_store_idx %arg12[%get3A_608], %broadcast_in_dim3A_5 {add = true} : memref<10000xf32, #tpu.memory_space<vmem>>[vector<16xi32>], vector<16xf32>,
        %get3A_609 = arith.constant 1 : i32
        %get3A_610 = arith.constant 6 : i32
        %get3A_611 = arith.index_cast %get3A_609 : i32 to index
        %get3A_612 = arith.index_cast %get3A_610 : i32 to index
        %get3A_613 = arith.constant 16 : index
        %get3A_614 = tpu.vector_load %arg8[%get3A_611, %get3A_612, %get3A_613] {strides = array<i32>} : memref<2x8x50xi32, #tpu.memory_space<vmem>>, vector<16xi32>,
        tpu.vector_store_idx %arg12[%get3A_614], %broadcast_in_dim3A_5 {add = true} : memref<10000xf32, #tpu.memory_space<vmem>>[vector<16xi32>], vector<16xf32>,
        %get3A_615 = arith.constant 1 : i32
        %get3A_616 = arith.constant 6 : i32
        %get3A_617 = arith.index_cast %get3A_615 : i32 to index
        %get3A_618 = arith.index_cast %get3A_616 : i32 to index
        %get3A_619 = arith.constant 32 : index
        %get3A_620 = tpu.vector_load %arg8[%get3A_617, %get3A_618, %get3A_619] {strides = array<i32>} : memref<2x8x50xi32, #tpu.memory_space<vmem>>, vector<16xi32>,
        tpu.vector_store_idx %arg12[%get3A_620], %broadcast_in_dim3A_5 {add = true} : memref<10000xf32, #tpu.memory_space<vmem>>[vector<16xi32>], vector<16xf32>,
        %get3A_621 = arith.constant 1 : i32
        %get3A_622 = arith.constant 6 : i32
        %get3A_623 = arith.index_cast %get3A_621 : i32 to index
        %get3A_624 = arith.index_cast %get3A_622 : i32 to index
        %get3A_625 = arith.constant 34 : index
        %get3A_626 = tpu.vector_load %arg8[%get3A_623, %get3A_624, %get3A_625] {strides = array<i32>} : memref<2x8x50xi32, #tpu.memory_space<vmem>>, vector<16xi32>,
        %ge3A_627 = arith.constant 14 : i32
        %ge3A_628 = vector.broadcast %ge3A_627 : i32 to vector<16xi32>
        %ge3A_629 = arith.cmpi sge, %iota3A, %ge3A_628 : vector<16xi32>
        tpu.vector_store_idx %arg12[%get3A_626], %broadcast_in_dim3A_5 masked %ge3A_629 {add = true} : memref<10000xf32, #tpu.memory_space<vmem>>[vector<16xi32>], vector<16xf32>, vector<16xi1>
        %dma_wait3A_630 = arith.constant 1 : i32
        %dma_wait3A_631 = arith.constant 7 : i32
        %dma_wait3A_632 = arith.constant 1 : i32
        %dma_wait3A_633 = arith.constant 0 : i32
        %dma_wait3A_634 = arith.constant 0 : i32
        %dma_wait3A_635 = tpu.memref_slice %arg9[%dma_wait3A_632, %dma_wait3A_633, %dma_wait3A_634] : memref<2x50x128xf32, #tpu.memory_space<vmem>> -> memref<1x50x128xf32, #tpu.memory_space<vmem>>
        %dma_wait3A_636 = tpu.memref_squeeze %dma_wait3A_635 : memref<1x50x128xf32, #tpu.memory_space<vmem>> -> memref<50x128xf32, #tpu.memory_space<vmem>>
        %dma_wait3A_637 = arith.constant 0 : i32
        %dma_wait3A_638 = tpu.memref_slice %arg7[%dma_wait3A_630, %dma_wait3A_631, %dma_wait3A_637] : memref<2x8x50xi32, #tpu.memory_space<vmem>> -> memref<1x1x50xi32, #tpu.memory_space<vmem>>
        %dma_wait3A_639 = tpu.memref_squeeze %dma_wait3A_638 : memref<1x1x50xi32, #tpu.memory_space<vmem>> -> memref<50xi32, #tpu.memory_space<vmem>>
        %dma_wait3A_640 = arith.constant 0 : i32
        %dma_wait3A_641 = arith.constant 0 : i32
        %dma_wait3A_642 = tpu.memref_slice %arg2[%dma_wait3A_640, %dma_wait3A_641] : memref<10000x128xf32, #tpu.memory_space<hbm>> -> memref<10000x128xf32, #tpu.memory_space<hbm>>
        tpu.wait_indirect_dma semaphore(%arg14 : memref<!tpu.dma_semaphore, #tpu.memory_space<semaphore_mem>>) src(%dma_wait3A_642 : memref<10000x128xf32, #tpu.memory_space<hbm>>) dst(%dma_wait3A_636 : memref<50x128xf32, #tpu.memory_space<vmem>>)
        %dma_wait3A_643 = arith.constant 0 : i32
        %dma_wait3A_644 = arith.constant 1 : i32
        %dma_wait3A_645 = arith.constant 6 : i32
        %dma_wait3A_646 = arith.constant 0 : i32
        %dma_wait3A_647 = arith.constant 0 : i32
        %dma_wait3A_648 = tpu.memref_slice %arg9[%dma_wait3A_643, %dma_wait3A_646, %dma_wait3A_647] : memref<2x50x128xf32, #tpu.memory_space<vmem>> -> memref<1x50x128xf32, #tpu.memory_space<vmem>>
        %dma_wait3A_649 = tpu.memref_squeeze %dma_wait3A_648 : memref<1x50x128xf32, #tpu.memory_space<vmem>> -> memref<50x128xf32, #tpu.memory_space<vmem>>
        %dma_wait3A_650 = arith.constant 0 : i32
        %dma_wait3A_651 = tpu.memref_slice %arg8[%dma_wait3A_644, %dma_wait3A_645, %dma_wait3A_650] : memref<2x8x50xi32, #tpu.memory_space<vmem>> -> memref<1x1x50xi32, #tpu.memory_space<vmem>>
        %dma_wait3A_652 = tpu.memref_squeeze %dma_wait3A_651 : memref<1x1x50xi32, #tpu.memory_space<vmem>> -> memref<50xi32, #tpu.memory_space<vmem>>
        %dma_wait3A_653 = arith.constant 0 : i32
        %dma_wait3A_654 = arith.constant 0 : i32
        %dma_wait3A_655 = tpu.memref_slice %arg13[%dma_wait3A_653, %dma_wait3A_654] : memref<10000x128xf32, #tpu.memory_space<vmem_shared>> -> memref<10000x128xf32, #tpu.memory_space<vmem_shared>>
        tpu.wait_indirect_dma semaphore(%arg16 : memref<!tpu.dma_semaphore, #tpu.memory_space<semaphore_mem>>) src(%dma_wait3A_649 : memref<50x128xf32, #tpu.memory_space<vmem>>) dst(%dma_wait3A_655 : memref<10000x128xf32, #tpu.memory_space<vmem_shared>>)
        %dma_start3A_656 = arith.constant 1 : i32
        %dma_start3A_657 = arith.constant 1 : i32
        %dma_start3A_658 = arith.constant 7 : i32
        %dma_start3A_659 = arith.constant 0 : i32
        %dma_start3A_660 = arith.constant 0 : i32
        %dma_start3A_661 = tpu.memref_slice %arg9[%dma_start3A_656, %dma_start3A_659, %dma_start3A_660] : memref<2x50x128xf32, #tpu.memory_space<vmem>> -> memref<1x50x128xf32, #tpu.memory_space<vmem>>
        %dma_start3A_662 = tpu.memref_squeeze %dma_start3A_661 : memref<1x50x128xf32, #tpu.memory_space<vmem>> -> memref<50x128xf32, #tpu.memory_space<vmem>>
        %dma_start3A_663 = arith.constant 0 : i32
        %dma_start3A_664 = tpu.memref_slice %arg8[%dma_start3A_657, %dma_start3A_658, %dma_start3A_663] : memref<2x8x50xi32, #tpu.memory_space<vmem>> -> memref<1x1x50xi32, #tpu.memory_space<vmem>>
        %dma_start3A_665 = tpu.memref_squeeze %dma_start3A_664 : memref<1x1x50xi32, #tpu.memory_space<vmem>> -> memref<50xi32, #tpu.memory_space<vmem>>
        %dma_start3A_666 = arith.constant 0 : i32
        %dma_start3A_667 = arith.constant 0 : i32
        %dma_start3A_668 = tpu.memref_slice %arg13[%dma_start3A_666, %dma_start3A_667] : memref<10000x128xf32, #tpu.memory_space<vmem_shared>> -> memref<10000x128xf32, #tpu.memory_space<vmem_shared>>
        tpu.enqueue_indirect_dma source(%dma_start3A_662 : memref<50x128xf32, #tpu.memory_space<vmem>>) target(%dma_start3A_668 : memref<10000x128xf32, #tpu.memory_space<vmem_shared>>) offsets(%dma_start3A_665 : memref<50xi32, #tpu.memory_space<vmem>>) semaphore(%arg16 : memref<!tpu.dma_semaphore, #tpu.memory_space<semaphore_mem>>) {add = true}
        %get3A_669 = arith.constant 1 : i32
        %get3A_670 = arith.constant 7 : i32
        %get3A_671 = arith.index_cast %get3A_669 : i32 to index
        %get3A_672 = arith.index_cast %get3A_670 : i32 to index
        %get3A_673 = arith.constant 0 : index
        %get3A_674 = tpu.vector_load %arg8[%get3A_671, %get3A_672, %get3A_673] {strides = array<i32>} : memref<2x8x50xi32, #tpu.memory_space<vmem>>, vector<16xi32>,
        tpu.vector_store_idx %arg12[%get3A_674], %broadcast_in_dim3A_5 {add = true} : memref<10000xf32, #tpu.memory_space<vmem>>[vector<16xi32>], vector<16xf32>,
        %get3A_675 = arith.constant 1 : i32
        %get3A_676 = arith.constant 7 : i32
        %get3A_677 = arith.index_cast %get3A_675 : i32 to index
        %get3A_678 = arith.index_cast %get3A_676 : i32 to index
        %get3A_679 = arith.constant 16 : index
        %get3A_680 = tpu.vector_load %arg8[%get3A_677, %get3A_678, %get3A_679] {strides = array<i32>} : memref<2x8x50xi32, #tpu.memory_space<vmem>>, vector<16xi32>,
        tpu.vector_store_idx %arg12[%get3A_680], %broadcast_in_dim3A_5 {add = true} : memref<10000xf32, #tpu.memory_space<vmem>>[vector<16xi32>], vector<16xf32>,
        %get3A_681 = arith.constant 1 : i32
        %get3A_682 = arith.constant 7 : i32
        %get3A_683 = arith.index_cast %get3A_681 : i32 to index
        %get3A_684 = arith.index_cast %get3A_682 : i32 to index
        %get3A_685 = arith.constant 32 : index
        %get3A_686 = tpu.vector_load %arg8[%get3A_683, %get3A_684, %get3A_685] {strides = array<i32>} : memref<2x8x50xi32, #tpu.memory_space<vmem>>, vector<16xi32>,
        tpu.vector_store_idx %arg12[%get3A_686], %broadcast_in_dim3A_5 {add = true} : memref<10000xf32, #tpu.memory_space<vmem>>[vector<16xi32>], vector<16xf32>,
        %get3A_687 = arith.constant 1 : i32
        %get3A_688 = arith.constant 7 : i32
        %get3A_689 = arith.index_cast %get3A_687 : i32 to index
        %get3A_690 = arith.index_cast %get3A_688 : i32 to index
        %get3A_691 = arith.constant 34 : index
        %get3A_692 = tpu.vector_load %arg8[%get3A_689, %get3A_690, %get3A_691] {strides = array<i32>} : memref<2x8x50xi32, #tpu.memory_space<vmem>>, vector<16xi32>,
        %ge3A_693 = arith.constant 14 : i32
        %ge3A_694 = vector.broadcast %ge3A_693 : i32 to vector<16xi32>
        %ge3A_695 = arith.cmpi sge, %iota3A, %ge3A_694 : vector<16xi32>
        tpu.vector_store_idx %arg12[%get3A_692], %broadcast_in_dim3A_5 masked %ge3A_695 {add = true} : memref<10000xf32, #tpu.memory_space<vmem>>[vector<16xi32>], vector<16xf32>, vector<16xi1>
      } else {
      }
    }
    %scan3A_33 = arith.constant 50 : i32
    %dma_wait3A = arith.constant 1 : i32
    %dma_wait3A_34 = arith.constant 1 : i32
    %dma_wait3A_35 = arith.constant 7 : i32
    %dma_wait3A_36 = arith.constant 0 : i32
    %dma_wait3A_37 = arith.constant 0 : i32
    %dma_wait3A_38 = tpu.memref_slice %arg9[%dma_wait3A, %dma_wait3A_36, %dma_wait3A_37] : memref<2x50x128xf32, #tpu.memory_space<vmem>> -> memref<1x50x128xf32, #tpu.memory_space<vmem>>
    %dma_wait3A_39 = tpu.memref_squeeze %dma_wait3A_38 : memref<1x50x128xf32, #tpu.memory_space<vmem>> -> memref<50x128xf32, #tpu.memory_space<vmem>>
    %dma_wait3A_40 = arith.constant 0 : i32
    %dma_wait3A_41 = tpu.memref_slice %arg8[%dma_wait3A_34, %dma_wait3A_35, %dma_wait3A_40] : memref<2x8x50xi32, #tpu.memory_space<vmem>> -> memref<1x1x50xi32, #tpu.memory_space<vmem>>
    %dma_wait3A_42 = tpu.memref_squeeze %dma_wait3A_41 : memref<1x1x50xi32, #tpu.memory_space<vmem>> -> memref<50xi32, #tpu.memory_space<vmem>>
    %dma_wait3A_43 = arith.constant 0 : i32
    %dma_wait3A_44 = arith.constant 0 : i32
    %dma_wait3A_45 = tpu.memref_slice %arg13[%dma_wait3A_43, %dma_wait3A_44] : memref<10000x128xf32, #tpu.memory_space<vmem_shared>> -> memref<10000x128xf32, #tpu.memory_space<vmem_shared>>
    tpu.wait_indirect_dma semaphore(%arg16 : memref<!tpu.dma_semaphore, #tpu.memory_space<semaphore_mem>>) src(%dma_wait3A_39 : memref<50x128xf32, #tpu.memory_space<vmem>>) dst(%dma_wait3A_45 : memref<10000x128xf32, #tpu.memory_space<vmem_shared>>)
    %barrier3A_46 = arith.constant 0 : index
    tpu.barrier barrier_id(%barrier3A_46)
    %while3A_47 = arith.constant 0 : i32
    %while3A_48 = arith.subi %min3A_4, %mul3A_0 : i32
    %while3A_49 = arith.addi %mul3A_0, %while3A_48 : i32
    %while3A_50 = arith.constant 1 : i32
    %while3A_51 = arith.divsi %while3A_48, %while3A_50 : i32
    %while3A_52 = arith.muli %while3A_51, %while3A_50 : i32
    %while3A_53 = arith.addi %mul3A_0, %while3A_52 : i32
    %while3A_54 = arith.constant 1 : i32
    scf.for %while3A_56 = %mul3A_0 to %while3A_53 step %while3A_54  : i32 {
      %mul3A_57 = arith.constant 40 : i32
      %mul3A_58 = arith.muli %while3A_56, %mul3A_57 : i32
      %add3A_59 = vector.broadcast %mul3A_58 : i32 to vector<16xi32>
      %add3A_60 = arith.addi %add3A_59, %iota3A : vector<16xi32>
      %swap3A = arith.constant 0 : index
      %swap3A_61 = tpu.vector_load %arg11[%swap3A] {strides = array<i32>} : memref<40xi32, #tpu.memory_space<vmem>>, vector<16xi32>,
      tpu.vector_store %arg11[%swap3A], %add3A_60 {strides = array<i32>} : memref<40xi32, #tpu.memory_space<vmem>>, vector<16xi32>,
      %add3A_62 = arith.constant 16 : i32
      %add3A_63 = arith.addi %mul3A_58, %add3A_62 : i32
      %add3A_64 = vector.broadcast %add3A_63 : i32 to vector<16xi32>
      %add3A_65 = arith.addi %add3A_64, %iota3A : vector<16xi32>
      %swap3A_66 = arith.constant 16 : index
      %swap3A_67 = tpu.vector_load %arg11[%swap3A_66] {strides = array<i32>} : memref<40xi32, #tpu.memory_space<vmem>>, vector<16xi32>,
      tpu.vector_store %arg11[%swap3A_66], %add3A_65 {strides = array<i32>} : memref<40xi32, #tpu.memory_space<vmem>>, vector<16xi32>,
      %add3A_68 = arith.constant 24 : i32
      %add3A_69 = arith.addi %mul3A_58, %add3A_68 : i32
      %add3A_70 = vector.broadcast %add3A_69 : i32 to vector<16xi32>
      %add3A_71 = arith.addi %add3A_70, %iota3A : vector<16xi32>
      %swap3A_72 = arith.constant 24 : index
      %swap3A_73 = tpu.vector_load %arg11[%swap3A_72] {strides = array<i32>} : memref<40xi32, #tpu.memory_space<vmem>>, vector<16xi32>,
      tpu.vector_store %arg11[%swap3A_72], %add3A_71 {strides = array<i32>} : memref<40xi32, #tpu.memory_space<vmem>>, vector<16xi32>,
      "tpu.region"() ({
        %run_scoped3A_76 = tpu.sem_alloc : memref<!tpu.dma_semaphore, #tpu.memory_space<semaphore_mem>>
        %dma_start3A = arith.constant 0 : i32
        %dma_start3A_77 = arith.constant 0 : i32
        %dma_start3A_78 = tpu.memref_slice %arg13[%dma_start3A, %dma_start3A_77] : memref<10000x128xf32, #tpu.memory_space<vmem_shared>> -> memref<10000x128xf32, #tpu.memory_space<vmem_shared>>
        tpu.enqueue_indirect_dma source(%dma_start3A_78 : memref<10000x128xf32, #tpu.memory_space<vmem_shared>>) target(%arg10 : memref<40x128xf32, #tpu.memory_space<vmem>>) offsets(%arg11 : memref<40xi32, #tpu.memory_space<vmem>>) semaphore(%run_scoped3A_76 : memref<!tpu.dma_semaphore, #tpu.memory_space<semaphore_mem>>)
        %dma_wait3A_79 = arith.constant 0 : i32
        %dma_wait3A_80 = arith.constant 0 : i32
        %dma_wait3A_81 = tpu.memref_slice %arg13[%dma_wait3A_79, %dma_wait3A_80] : memref<10000x128xf32, #tpu.memory_space<vmem_shared>> -> memref<10000x128xf32, #tpu.memory_space<vmem_shared>>
        tpu.wait_indirect_dma semaphore(%run_scoped3A_76 : memref<!tpu.dma_semaphore, #tpu.memory_space<semaphore_mem>>) src(%dma_wait3A_81 : memref<10000x128xf32, #tpu.memory_space<vmem_shared>>) dst(%arg10 : memref<40x128xf32, #tpu.memory_space<vmem>>)
        tpu.yield
      }) : () -> ()
      %mul3A_74 = arith.constant 40 : i32
      %mul3A_75 = arith.muli %while3A_56, %mul3A_74 : i32
      "tpu.region"() ({
        %run_scoped3A_76 = tpu.sem_alloc : memref<!tpu.dma_semaphore, #tpu.memory_space<semaphore_mem>>
        %dma_start3A = arith.constant 0 : i32
        %dma_start3A_77 = tpu.memref_slice %arg5[%mul3A_75, %dma_start3A] : memref<10000x128xf32, #tpu.memory_space<hbm>> -> memref<40x128xf32, #tpu.memory_space<hbm>>
        %dma_start3A_78 = arith.constant 0 : i32
        %dma_start3A_79 = tpu.memref_slice %arg5[%mul3A_75, %dma_start3A_78] : memref<10000x128xf32, #tpu.memory_space<hbm>> -> memref<40x128xf32, #tpu.memory_space<hbm>>
        tpu.enqueue_dma source(%arg10 : memref<40x128xf32, #tpu.memory_space<vmem>>) target(%dma_start3A_79 : memref<40x128xf32, #tpu.memory_space<hbm>>) target_semaphore(%run_scoped3A_76 : memref<!tpu.dma_semaphore, #tpu.memory_space<semaphore_mem>>)
        %dma_wait3A_80 = arith.constant 0 : i32
        %dma_wait3A_81 = tpu.memref_slice %arg5[%mul3A_75, %dma_wait3A_80] : memref<10000x128xf32, #tpu.memory_space<hbm>> -> memref<40x128xf32, #tpu.memory_space<hbm>>
        %dma_wait3A_82 = arith.constant 0 : i32
        %dma_wait3A_83 = tpu.memref_slice %arg5[%mul3A_75, %dma_wait3A_82] : memref<10000x128xf32, #tpu.memory_space<hbm>> -> memref<40x128xf32, #tpu.memory_space<hbm>>
        tpu.wait_dma2 semaphore(%run_scoped3A_76 : memref<!tpu.dma_semaphore, #tpu.memory_space<semaphore_mem>>) src(%arg10 : memref<40x128xf32, #tpu.memory_space<vmem>>) dst(%dma_wait3A_83 : memref<40x128xf32, #tpu.memory_space<hbm>>)
        tpu.yield
      }) : () -> ()
    }
    %while3A_55 = arith.constant 1 : i32
    scf.for %while3A_56 = %while3A_53 to %while3A_49 step %while3A_55  : i32 {
      %mul3A_57 = arith.constant 40 : i32
      %mul3A_58 = arith.muli %while3A_56, %mul3A_57 : i32
      %add3A_59 = vector.broadcast %mul3A_58 : i32 to vector<16xi32>
      %add3A_60 = arith.addi %add3A_59, %iota3A : vector<16xi32>
      %swap3A = arith.constant 0 : index
      %swap3A_61 = tpu.vector_load %arg11[%swap3A] {strides = array<i32>} : memref<40xi32, #tpu.memory_space<vmem>>, vector<16xi32>,
      tpu.vector_store %arg11[%swap3A], %add3A_60 {strides = array<i32>} : memref<40xi32, #tpu.memory_space<vmem>>, vector<16xi32>,
      %add3A_62 = arith.constant 16 : i32
      %add3A_63 = arith.addi %mul3A_58, %add3A_62 : i32
      %add3A_64 = vector.broadcast %add3A_63 : i32 to vector<16xi32>
      %add3A_65 = arith.addi %add3A_64, %iota3A : vector<16xi32>
      %swap3A_66 = arith.constant 16 : index
      %swap3A_67 = tpu.vector_load %arg11[%swap3A_66] {strides = array<i32>} : memref<40xi32, #tpu.memory_space<vmem>>, vector<16xi32>,
      tpu.vector_store %arg11[%swap3A_66], %add3A_65 {strides = array<i32>} : memref<40xi32, #tpu.memory_space<vmem>>, vector<16xi32>,
      %add3A_68 = arith.constant 24 : i32
      %add3A_69 = arith.addi %mul3A_58, %add3A_68 : i32
      %add3A_70 = vector.broadcast %add3A_69 : i32 to vector<16xi32>
      %add3A_71 = arith.addi %add3A_70, %iota3A : vector<16xi32>
      %swap3A_72 = arith.constant 24 : index
      %swap3A_73 = tpu.vector_load %arg11[%swap3A_72] {strides = array<i32>} : memref<40xi32, #tpu.memory_space<vmem>>, vector<16xi32>,
      tpu.vector_store %arg11[%swap3A_72], %add3A_71 {strides = array<i32>} : memref<40xi32, #tpu.memory_space<vmem>>, vector<16xi32>,
      "tpu.region"() ({
        %run_scoped3A_76 = tpu.sem_alloc : memref<!tpu.dma_semaphore, #tpu.memory_space<semaphore_mem>>
        %dma_start3A = arith.constant 0 : i32
        %dma_start3A_77 = arith.constant 0 : i32
        %dma_start3A_78 = tpu.memref_slice %arg13[%dma_start3A, %dma_start3A_77] : memref<10000x128xf32, #tpu.memory_space<vmem_shared>> -> memref<10000x128xf32, #tpu.memory_space<vmem_shared>>
        tpu.enqueue_indirect_dma source(%dma_start3A_78 : memref<10000x128xf32, #tpu.memory_space<vmem_shared>>) target(%arg10 : memref<40x128xf32, #tpu.memory_space<vmem>>) offsets(%arg11 : memref<40xi32, #tpu.memory_space<vmem>>) semaphore(%run_scoped3A_76 : memref<!tpu.dma_semaphore, #tpu.memory_space<semaphore_mem>>)
        %dma_wait3A_79 = arith.constant 0 : i32
        %dma_wait3A_80 = arith.constant 0 : i32
        %dma_wait3A_81 = tpu.memref_slice %arg13[%dma_wait3A_79, %dma_wait3A_80] : memref<10000x128xf32, #tpu.memory_space<vmem_shared>> -> memref<10000x128xf32, #tpu.memory_space<vmem_shared>>
        tpu.wait_indirect_dma semaphore(%run_scoped3A_76 : memref<!tpu.dma_semaphore, #tpu.memory_space<semaphore_mem>>) src(%dma_wait3A_81 : memref<10000x128xf32, #tpu.memory_space<vmem_shared>>) dst(%arg10 : memref<40x128xf32, #tpu.memory_space<vmem>>)
        tpu.yield
      }) : () -> ()
      %mul3A_74 = arith.constant 40 : i32
      %mul3A_75 = arith.muli %while3A_56, %mul3A_74 : i32
      "tpu.region"() ({
        %run_scoped3A_76 = tpu.sem_alloc : memref<!tpu.dma_semaphore, #tpu.memory_space<semaphore_mem>>
        %dma_start3A = arith.constant 0 : i32
        %dma_start3A_77 = tpu.memref_slice %arg5[%mul3A_75, %dma_start3A] : memref<10000x128xf32, #tpu.memory_space<hbm>> -> memref<40x128xf32, #tpu.memory_space<hbm>>
        %dma_start3A_78 = arith.constant 0 : i32
        %dma_start3A_79 = tpu.memref_slice %arg5[%mul3A_75, %dma_start3A_78] : memref<10000x128xf32, #tpu.memory_space<hbm>> -> memref<40x128xf32, #tpu.memory_space<hbm>>
        tpu.enqueue_dma source(%arg10 : memref<40x128xf32, #tpu.memory_space<vmem>>) target(%dma_start3A_79 : memref<40x128xf32, #tpu.memory_space<hbm>>) target_semaphore(%run_scoped3A_76 : memref<!tpu.dma_semaphore, #tpu.memory_space<semaphore_mem>>)
        %dma_wait3A_80 = arith.constant 0 : i32
        %dma_wait3A_81 = tpu.memref_slice %arg5[%mul3A_75, %dma_wait3A_80] : memref<10000x128xf32, #tpu.memory_space<hbm>> -> memref<40x128xf32, #tpu.memory_space<hbm>>
        %dma_wait3A_82 = arith.constant 0 : i32
        %dma_wait3A_83 = tpu.memref_slice %arg5[%mul3A_75, %dma_wait3A_82] : memref<10000x128xf32, #tpu.memory_space<hbm>> -> memref<40x128xf32, #tpu.memory_space<hbm>>
        tpu.wait_dma2 semaphore(%run_scoped3A_76 : memref<!tpu.dma_semaphore, #tpu.memory_space<semaphore_mem>>) src(%arg10 : memref<40x128xf32, #tpu.memory_space<vmem>>) dst(%dma_wait3A_83 : memref<40x128xf32, #tpu.memory_space<hbm>>)
        tpu.yield
      }) : () -> ()
    }
    "tpu.region"() ({
      %run_scoped3A_56 = tpu.sem_alloc : memref<!tpu.dma_semaphore, #tpu.memory_space<semaphore_mem>>
      %dma_start3A = arith.constant 0 : i32
      %dma_start3A_57 = tpu.memref_slice %arg6[%arg1, %dma_start3A] : memref<16x10000xf32, #tpu.memory_space<hbm>> -> memref<1x10000xf32, #tpu.memory_space<hbm>>
      %dma_start3A_58 = tpu.memref_squeeze %dma_start3A_57 : memref<1x10000xf32, #tpu.memory_space<hbm>> -> memref<10000xf32, #tpu.memory_space<hbm>>
      %dma_start3A_59 = arith.constant 0 : i32
      %dma_start3A_60 = tpu.memref_slice %arg6[%arg1, %dma_start3A_59] : memref<16x10000xf32, #tpu.memory_space<hbm>> -> memref<1x10000xf32, #tpu.memory_space<hbm>>
      %dma_start3A_61 = tpu.memref_squeeze %dma_start3A_60 : memref<1x10000xf32, #tpu.memory_space<hbm>> -> memref<10000xf32, #tpu.memory_space<hbm>>
      tpu.enqueue_dma source(%arg12 : memref<10000xf32, #tpu.memory_space<vmem>>) target(%dma_start3A_61 : memref<10000xf32, #tpu.memory_space<hbm>>) target_semaphore(%run_scoped3A_56 : memref<!tpu.dma_semaphore, #tpu.memory_space<semaphore_mem>>)
      %dma_wait3A_62 = arith.constant 0 : i32
      %dma_wait3A_63 = tpu.memref_slice %arg6[%arg1, %dma_wait3A_62] : memref<16x10000xf32, #tpu.memory_space<hbm>> -> memref<1x10000xf32, #tpu.memory_space<hbm>>
      %dma_wait3A_64 = tpu.memref_squeeze %dma_wait3A_63 : memref<1x10000xf32, #tpu.memory_space<hbm>> -> memref<10000xf32, #tpu.memory_space<hbm>>
      %dma_wait3A_65 = arith.constant 0 : i32
      %dma_wait3A_66 = tpu.memref_slice %arg6[%arg1, %dma_wait3A_65] : memref<16x10000xf32, #tpu.memory_space<hbm>> -> memref<1x10000xf32, #tpu.memory_space<hbm>>
      %dma_wait3A_67 = tpu.memref_squeeze %dma_wait3A_66 : memref<1x10000xf32, #tpu.memory_space<hbm>> -> memref<10000xf32, #tpu.memory_space<hbm>>
      tpu.wait_dma2 semaphore(%run_scoped3A_56 : memref<!tpu.dma_semaphore, #tpu.memory_space<semaphore_mem>>) src(%arg12 : memref<10000xf32, #tpu.memory_space<vmem>>) dst(%dma_wait3A_67 : memref<10000xf32, #tpu.memory_space<hbm>>)
      tpu.yield
    }) : () -> ()
    return
  }
}

module attributes {stable_mosaic.version = 14 : i64} {
  func.func @_tc_body(%arg0: i32, %arg1: memref<1000x128xf32, #tpu.memory_space<vmem>>, %arg2: memref<1000x16xf32, #tpu.memory_space<vmem>>, %arg3: memref<1000x128xf32, #tpu.memory_space<vmem>>, %arg4: memref<128x128xf32, #tpu.memory_space<vmem>>, %arg5: memref<128x128xf32, #tpu.memory_space<vmem>>, %arg6: memref<128xf32, #tpu.memory_space<vmem>>, %arg7: memref<1000x128xf32, #tpu.memory_space<vmem>>) attributes {dimension_semantics = [#tpu.dimension_semantics<arbitrary>], iteration_bounds = array<i64: 10>, scalar_prefetch = 0 : i64, scratch_operands = 0 : i64, tpu.core_type = #tpu.core_type<tc>, window_params = [{transform_indices = @transform_0, window_bounds = array<i64: 1000, 128>}, {transform_indices = @transform_1, window_bounds = array<i64: 1000, 16>}, {transform_indices = @transform_2, window_bounds = array<i64: 1000, 128>}, {pipeline_mode = #tpu.pipeline_mode<synchronous>, transform_indices = @transform_3, window_bounds = array<i64: 128, 128>}, {pipeline_mode = #tpu.pipeline_mode<synchronous>, transform_indices = @transform_4, window_bounds = array<i64: 128, 128>}, {pipeline_mode = #tpu.pipeline_mode<synchronous>, transform_indices = @transform_5, window_bounds = array<i64: 128>}, {transform_indices = @transform_6, window_bounds = array<i64: 1000, 128>}]} {
    %get3A = arith.constant 0 : index
    %get3A_0 = arith.constant 0 : index
    %get3A_1 = vector.load %arg2[%get3A, %get3A_0] : memref<1000x16xf32, #tpu.memory_space<vmem>>, vector<1000x16xf32>
    %reduce_sum3A = arith.constant dense<0.000000e+00> : vector<1000xf32>
    %reduce_sum3A_2 = vector.multi_reduction <add>, %get3A_1, %reduce_sum3A [1] : vector<1000x16xf32> to vector<1000xf32>
    %jit3A = arith.constant 1.000000e+00 : f32
    %max3A = vector.broadcast %jit3A : f32 to vector<1000xf32>
    %max3A_3 = arith.maximumf %max3A, %reduce_sum3A_2 : vector<1000xf32>
    %get3A_4 = arith.constant 0 : index
    %get3A_5 = arith.constant 0 : index
    %get3A_6 = vector.load %arg1[%get3A_4, %get3A_5] : memref<1000x128xf32, #tpu.memory_space<vmem>>, vector<1000x128xf32>
    %broadcast_in_dim3A = vector.shape_cast %max3A_3 : vector<1000xf32> to vector<1000x1xf32>
    %div3A = vector.broadcast %broadcast_in_dim3A : vector<1000x1xf32> to vector<1000x128xf32>
    %div3A_7 = arith.divf %get3A_6, %div3A : vector<1000x128xf32>
    %get3A_8 = arith.constant 0 : index
    %get3A_9 = arith.constant 0 : index
    %get3A_10 = vector.load %arg4[%get3A_8, %get3A_9] : memref<128x128xf32, #tpu.memory_space<vmem>>, vector<128x128xf32>
    %dot_general3A = arith.constant dense<0.000000e+00> : vector<1000x128xf32>
    %dot_general3A_11 = tpu.matmul %div3A_7, %get3A_10, %dot_general3A {dimension_numbers = #tpu.dot_dimension_numbers<[1], [0], [0], [1], [0, 0, 1, 1], [], []>, transpose_lhs_hint = false} : vector<1000x128xf32>, vector<128x128xf32>, vector<1000x128xf32> -> vector<1000x128xf32>
    %get3A_12 = arith.constant 0 : index
    %get3A_13 = vector.load %arg6[%get3A_12] : memref<128xf32, #tpu.memory_space<vmem>>, vector<128xf32>
    %broadcast_in_dim3A_14 = vector.shape_cast %get3A_13 : vector<128xf32> to vector<1x128xf32>
    %add3A = vector.broadcast %broadcast_in_dim3A_14 : vector<1x128xf32> to vector<1000x128xf32>
    %add3A_15 = arith.addf %dot_general3A_11, %add3A : vector<1000x128xf32>
    %get3A_16 = arith.constant 0 : index
    %get3A_17 = arith.constant 0 : index
    %get3A_18 = vector.load %arg3[%get3A_16, %get3A_17] : memref<1000x128xf32, #tpu.memory_space<vmem>>, vector<1000x128xf32>
    %get3A_19 = arith.constant 0 : index
    %get3A_20 = arith.constant 0 : index
    %get3A_21 = vector.load %arg5[%get3A_19, %get3A_20] : memref<128x128xf32, #tpu.memory_space<vmem>>, vector<128x128xf32>
    %dot_general3A_22 = arith.constant dense<0.000000e+00> : vector<1000x128xf32>
    %dot_general3A_23 = tpu.matmul %get3A_18, %get3A_21, %dot_general3A_22 {dimension_numbers = #tpu.dot_dimension_numbers<[1], [0], [0], [1], [0, 0, 1, 1], [], []>, transpose_lhs_hint = false} : vector<1000x128xf32>, vector<128x128xf32>, vector<1000x128xf32> -> vector<1000x128xf32>
    %add3A_24 = arith.addf %add3A_15, %dot_general3A_23 : vector<1000x128xf32>
    %max3A_25 = arith.constant 0.000000e+00 : f32
    %max3A_26 = vector.broadcast %max3A_25 : f32 to vector<1000x128xf32>
    %max3A_27 = arith.maximumf %add3A_24, %max3A_26 : vector<1000x128xf32>
    %swap3A = arith.constant 0 : index
    %swap3A_28 = arith.constant 0 : index
    %swap3A_29 = vector.load %arg7[%swap3A, %swap3A_28] : memref<1000x128xf32, #tpu.memory_space<vmem>>, vector<1000x128xf32>
    tpu.vector_store %arg7[%swap3A, %swap3A_28], %max3A_27 {strides = array<i32>} : memref<1000x128xf32, #tpu.memory_space<vmem>>, vector<1000x128xf32>,
    return
  }
  func.func @transform_0(%arg0: i32) -> (i32, i32) {
    %c0_i32 = arith.constant 0 : i32
    %c0_i32_0 = arith.constant 0 : i32
    return %arg0, %c0_i32 : i32, i32
  }
  func.func @transform_1(%arg0: i32) -> (i32, i32) {
    %c0_i32 = arith.constant 0 : i32
    %c0_i32_0 = arith.constant 0 : i32
    return %arg0, %c0_i32 : i32, i32
  }
  func.func @transform_2(%arg0: i32) -> (i32, i32) {
    %c0_i32 = arith.constant 0 : i32
    %c0_i32_0 = arith.constant 0 : i32
    return %arg0, %c0_i32 : i32, i32
  }
  func.func @transform_3(%arg0: i32) -> (i32, i32) {
    %c0_i32 = arith.constant 0 : i32
    %c0_i32_0 = arith.constant 0 : i32
    %c0_i32_1 = arith.constant 0 : i32
    return %c0_i32, %c0_i32_0 : i32, i32
  }
  func.func @transform_4(%arg0: i32) -> (i32, i32) {
    %c0_i32 = arith.constant 0 : i32
    %c0_i32_0 = arith.constant 0 : i32
    %c0_i32_1 = arith.constant 0 : i32
    return %c0_i32, %c0_i32_0 : i32, i32
  }
  func.func @transform_5(%arg0: i32) -> i32 {
    %c0_i32 = arith.constant 0 : i32
    %c0_i32_0 = arith.constant 0 : i32
    return %c0_i32 : i32
  }
  func.func @transform_6(%arg0: i32) -> (i32, i32) {
    %c0_i32 = arith.constant 0 : i32
    %c0_i32_0 = arith.constant 0 : i32
    return %arg0, %c0_i32 : i32, i32
  }
}

</mosaic_0001>

<sc_bundles>
// kernel: kernel.4.cloned.1.call-start
scs
__scs_entry_jumppad:
0x0: {  	(pc) =	sbr.rel $0x88, $3  }
0x1: {  	(tag) =	ssettag $0x0;
	lr =	simm.s32 $0x1  }
0x2: {  	[smem:$0x3F9C] =	sst lr;
	_ =	strace $0xD0000000  }
0x3: {  	_ = 	snop  }
0x4: {  	_ = 	snop  }
0x5: {  	_ = 	snop  }
0x6: {  	_ = 	snop  }
0x7: {  	_ = 	snop  }
__scs_overlays_trampoline_lowered:
0x8: {  	[smem:$0x3FAB] =	sst s0  }
0x9: {  	[smem:$0x3FAC] =	sst s1  }
0xa: {  	[smem:$0x3FAD] =	sst s2  }
0xb: {  	[smem:$0x3FAE] =	sst s3  }
0xc: {  	[smem:$0x3FAF] =	sst s4  }
0xd: {  	[smem:$0x3FB0] =	sst s5  }
0xe: {  	[smem:$0x3FB1] =	sst s6  }
0xf: {  	[smem:$0x3FB2] =	sst s7  }
0x10: {  	[smem:$0x3FB3] =	sst s8  }
0x11: {  	[smem:$0x3FB4] =	sst s9;
	s0 =	simm.s32 @!p0 $0x0  }
0x12: {  	s1 =	sld [smem:$0x3F9A];
	s0 =	simm.s32 @p0 $0x1  }
0x13: {  	[smem:$0x3FB5] =	sst s0;
	s0 =	simm.s32 @!p1 $0x0  }
0x14: {  	s2 =	sld [smem:$0x3F99];
	s0 =	simm.s32 @p1 $0x1  }
0x15: {  	[smem:$0x3FB6] =	sst s0;
	s0 =	simm.s32 @!p2 $0x0  }
0x16: {  	s3 =	sld [smem:$0x3FDB];
	s0 =	simm.s32 @p2 $0x1  }
0x17: {  	s4 =	simm.s32 $0x1BF5;
	[smem:$0x3FB8] =	sst s0  }
0x18: {  	s0 =	sld [smem:$0x3F9B];
	_ =	swait.ge [sflag:s4], $0x0  }
0x19: {  	s7 =	sld [smem:$0x3F9C]  }
0x1a: {  	s8 =	sadd.s32 $0xFFFFE003, lr  }
0x1b: {  	s9 =	sadd.s32 $0xFFFFFEF7, lr;
	s5 =	simm.s32 $0xFFFFFFFF;
	p2 =	slt.u32 s8, $0xFFFFF086  }
0x1c: {  	p1 =	slt.u32 s9, $0xF7A;
	s5 =	simm.s32 @!p2 $0x0  }
0x1d: {  	s5 =	simm.s32 @p1 $0x1;
	p0 =	seq.s32 s7, s2  }
0x1e: {  	s7 =	smul.u32 @!p0 $0xF7A, s2;
	p2 =	seq.s32 @!p0 s5, $0x0  }
0x1f: {  	s9 =	smul.u32 $0xF7A, s1;
	s8 =	simm.s32 @!p0 $0x1BF5;
	p2 =	por !p2, p0  }
0x20: {  	[sflag:s8] =	ssyncset.s32 @!p0 $0xFFFFF086;
	s6 =	sadd.s32 @!p0 s3, s7;
	s7 =	simm.s32 @!p0 $0x108  }
0x21: {  	s3 =	sadd.s32 s3, s9;
	s6 =	sadd.s32 @!p0 $0x88, s6;
	s7 =	simm.s32 @p2 $0x1082  }
0x22: {  	[simem:s7], [sflag:s8] =	dma.local @!p0 [hbm:s6], $0xF7A  }
0x23: {  	s9 =	sor.u32 $0xD0000000, s2;
	s6 =	simm.s32 $0x108;
	_ =	swait.ge @!p0 [sflag:s8], $0x0  }
0x24: {  	s3 =	sadd.s32 $0x88, s3;
	s6 =	simm.s32 @!p1 $0x1082;
	[sflag:s4] =	ssyncset.s32 $0xFFFFF086  }
0x25: {  	[simem:s6], [sflag:s4] =	dma.local [hbm:s3], $0xF7A  }
0x26: {  	[smem:$0x3F9C] =	sst s1;
	(tag) =	ssettag s2;
	_ =	strace s9  }
0x27: {  	s1 =	sld [smem:$0x3FAC]  }
0x28: {  	s2 =	sld [smem:$0x3FAD]  }
0x29: {  	s4 =	sld [smem:$0x3FAF]  }
0x2a: {  	p0 =	seq.s32 s5, $0x0;
	s5 =	sld [smem:$0x3FB0]  }
0x2b: {  	s6 =	sld [smem:$0x3FB1]  }
0x2c: {  	s7 =	sld [smem:$0x3FB2]  }
0x2d: {  	s3 =	simm.s32 $0x108;
	s8 =	sld [smem:$0x3FB3]  }
0x2e: {  	s3 =	simm.s32 @!p0 $0x1082;
	s9 =	sld [smem:$0x3FB4]  }
0x2f: {  	lr =	sadd.s32 s0, s3;
	s0 =	sld [smem:$0x3FAB]  }
0x30: {  	s3 =	sld [smem:$0x3FAE]  }
0x31: {  	[smem:$0x3FB7] =	sst s10  }
0x32: {  	s10 =	sld [smem:$0x3FB5];
	_ =	sdelay $0x3  }
0x33: {  	p0 =	seq.s32 s10, $0x1;
	s10 =	sld [smem:$0x3FB7];
	_ =	sdelay $0x3  }
0x34: {  	[smem:$0x3FB7] =	sst s10  }
0x35: {  	s10 =	sld [smem:$0x3FB6];
	_ =	sdelay $0x3  }
0x36: {  	p1 =	seq.s32 s10, $0x1;
	s10 =	sld [smem:$0x3FB7];
	_ =	sdelay $0x3  }
0x37: {  	[smem:$0x3FB7] =	sst s10  }
0x38: {  	s10 =	sld [smem:$0x3FB8]  }
0x39: {  	_ = 	snop;
	(pc) =	sbr.ind lr, $3  }
0x3a: {  	_ = 	snop  }
0x3b: {  	_ = 	snop  }
0x3c: {  	p2 =	seq.s32 s10, $0x1;
	s10 =	sld [smem:$0x3FB7]  }
0x3d: {  	_ =	shalt  }
0x3e: {  	_ =	shalt  }
0x3f: {  	_ =	shalt  }
0x40: {  	_ =	shalt  }
0x41: {  	_ =	shalt  }
0x42: {  	_ =	shalt  }
0x43: {  	_ =	shalt  }
0x44: {  	_ =	shalt  }
0x45: {  	_ =	shalt  }
0x46: {  	_ =	shalt  }
0x47: {  	_ =	shalt  }
0x48: {  	_ =	shalt  }
0x49: {  	_ =	shalt  }
0x4a: {  	_ =	shalt  }
0x4b: {  	_ =	shalt  }
0x4c: {  	_ =	shalt  }
0x4d: {  	_ =	shalt  }
0x4e: {  	_ =	shalt  }
0x4f: {  	_ =	shalt  }
0x50: {  	_ =	shalt  }
0x51: {  	_ =	shalt  }
0x52: {  	_ =	shalt  }
0x53: {  	_ =	shalt  }
0x54: {  	_ =	shalt  }
0x55: {  	_ =	shalt  }
0x56: {  	_ =	shalt  }
0x57: {  	_ =	shalt  }
0x58: {  	_ =	shalt  }
0x59: {  	_ =	shalt  }
0x5a: {  	_ =	shalt  }
0x5b: {  	_ =	shalt  }
0x5c: {  	_ =	shalt  }
0x5d: {  	_ =	shalt  }
0x5e: {  	_ =	shalt  }
0x5f: {  	_ =	shalt  }
0x60: {  	_ =	shalt  }
0x61: {  	_ =	shalt  }
0x62: {  	_ =	shalt  }
0x63: {  	_ =	shalt  }
0x64: {  	_ =	shalt  }
0x65: {  	_ =	shalt  }
0x66: {  	_ =	shalt  }
0x67: {  	_ =	shalt  }
0x68: {  	_ =	shalt  }
0x69: {  	_ =	shalt  }
0x6a: {  	_ =	shalt  }
0x6b: {  	_ =	shalt  }
0x6c: {  	_ =	shalt  }
0x6d: {  	_ =	shalt  }
0x6e: {  	_ =	shalt  }
0x6f: {  	_ =	shalt  }
0x70: {  	_ =	shalt  }
0x71: {  	_ =	shalt  }
0x72: {  	_ =	shalt  }
0x73: {  	_ =	shalt  }
0x74: {  	_ =	shalt  }
0x75: {  	_ =	shalt  }
0x76: {  	_ =	shalt  }
0x77: {  	_ =	shalt  }
0x78: {  	_ =	shalt  }
0x79: {  	_ =	shalt  }
0x7a: {  	_ =	shalt  }
0x7b: {  	_ =	shalt  }
0x7c: {  	_ =	shalt  }
0x7d: {  	_ =	shalt  }
0x7e: {  	_ =	shalt  }
0x7f: {  	_ =	shalt  }
0x80: {  	_ =	shalt  }
0x81: {  	_ =	shalt  }
0x82: {  	_ =	shalt  }
0x83: {  	_ =	shalt  }
0x84: {  	_ =	shalt  }
0x85: {  	_ =	shalt  }
0x86: {  	_ =	shalt  }
0x87: {  	_ =	shalt  }
.Lfunc_end0:
.L_simem_size_0:
called_computation_lowered:
.L_overlay_start_0:
0x88: {  	s0 =	sld [smem:$0x3FD9]  }
0x89: {  	s1 =	sld [smem:$0x3FFE];
	_ =	sdelay $0x3  }
0x8a: {  	s0 =	sadd.s32 s1, s0  }
0x8b: {  	[smem:$0x3FC3] =	sst s0  }
0x8c: {  	_ = 	snop  }
0x8d: {  	s0 =	sld [smem:$0x3FC9]  }
0x8e: {  	s16 =	sld [smem:$0x3FD0];
	(tm) =	ssettm $0x1  }
0x8f: {  	s2 =	sld [smem:$0x3FFB];
	_ =	sdelay $0x3  }
0x90: {  	_ =	strace s2  }
0x91: {  	s2 =	sld [smem:$0x3FFC];
	_ =	sdelay $0x3  }
0x92: {  	_ =	strace s2  }
0x93: {  	s2 =	sld [smem:$0x3FFD];
	_ =	sdelay $0x3  }
0x94: {  	_ =	strace s2  }
0x95: {  	_ =	strace $0x8FFFFFFF  }
0x96: {  	s17 =	sld [smem:$0x3FDB];
	_ =	sdelay $0x1  }
0x97: {  	s3 =	simm.s32 $_scs_section_size  }
0x98: {  	s4 =	simm.s32 $_size__tile_overlayer_lowered;
	s5 =	simm.s32 $_tile_overlayer_lowered  }
0x99: {  	s20 =	simm.s32 $0x1BFF;
	s19 =	sshll.u32 s5, $0x1;
	s2 =	sadd.s32 s3, s17  }
0x9a: {  	s6 =	simm.s32 $0x0;
	s18 =	sshll.u32 s4, $0x1;
	s4 =	sadd.s32 s19, s2  }
0x9b: {  	[timem:s6], [sflag:s20] =	dma.local [hbm:s4], s18  }
0x9c: {  	_ =	swait.ge [sflag:s20], s18  }
0x9d: {  	s3 =	ssub.s32 $0x0, s18;
	[sflag:s20] =	ssyncset.done $0x0  }
0x9e: {  	[sflag:s20] =	ssyncadd.s32 s3;
	_ =	sdelay $0x1  }
0x9f: {  	s21 =	simm.s32 $0x1B8B  }
0xa0: {  	_ =	swait.ge [sflag:s21], $0x1  }
0xa1: {  	[sflag:s21] =	ssyncset.done $0x0  }
0xa2: {  	s23 =	simm.s32 $0x1B8E;
	s22 =	sld [smem:$0x3FFE];
	[sflag:s21] =	ssyncadd.s32 $0xFFFFFFFF  }
0xa3: {  	s24 =	simm.s32 $execute0_lowered;
	[smem:$0x3FD2] =	sst s23  }
0xa4: {  	s4 =	sshll.u32 s24, $0x1;
	_ =	strace $0x80000046;
	[dreg:$0x1] =	wrdreg $0xFFFFFFFF  }
0xa5: {  	s25 =	simm.s32 $_size_execute0_lowered;
	s2 =	sadd.s32 s2, s4;
	[dreg:$0x0] =	wrdreg $0x0  }
0xa6: {  	s4 =	sshll.u32 s25, $0x1;
	[dreg:$0x2] =	wrdreg s2  }
0xa7: {  	[dreg:$0x3] =	wrdreg s4  }
0xa8: {  	[dreg:$0x4] =	wrdreg $0xC0  }
0xa9: {  	_ =	task [dreg:s6], $0x5FFFF  }
0xaa: {  	[dreg:$0x1] =	wrdreg $0xFFFFFFFF  }
0xab: {  	[dreg:$0x0] =	wrdreg $0x60  }
0xac: {  	[dreg:$0x2] =	wrdreg s0  }
0xad: {  	[dreg:$0x3] =	wrdreg s22  }
0xae: {  	[dreg:$0x4] =	wrdreg s16  }
0xaf: {  	[dreg:$0x5] =	wrdreg $0x84000  }
0xb0: {  	[dreg:$0x6] =	wrdreg $0x9  }
0xb1: {  	_ =	task.clear_ibuf [dreg:s6], $0x7FFFF;
	_ =	strace $0x90000046  }
0xb2: {  	s26 =	simm.s32 $0x9;
	_ =	strace $0x80000048  }
0xb3: {  	_ =	swait.ge [sflag:s26], $0x1  }
0xb4: {  	[sflag:s26] =	ssyncadd.s32 $0xFFFFFFFF  }
0xb5: {  	_ =	strace $0x90000048  }
0xb6: {  	_ =	sfence  }
0xb7: {  	s28 =	sld [smem:$0x0];
	_ =	sdelay $0x1  }
0xb8: {  	s29 =	srdreg.scid  }
0xb9: {  	s30 =	sshll.u32 s29, $0xD;
	s31 =	sshrl.u32 s29, $0x2  }
0xba: {  	s1 =	sand.u32 $0x1, s29;
	s2 =	sand.u32 $0x4000, s30;
	s0 =	sadd.s32 s31, s28  }
0xbb: {  	s1 =	sor.u32 s2, s1;
	s0 =	sshll.u32 s0, $0x11  }
0xbc: {  	s0 =	sor.u32 s0, s1  }
0xbd: {  	s0 =	sadd.s32 $0x8F2B, s0  }
0xbe: {  	[sflag:s0] =	ssyncadd.remote.s32 $0x1  }
0xbf: {  	_ =	sfence.sel $0xFFFF  }
0xc0: {  	[dreg:$0x0] =	wrdreg $0xFFFFFFFF;
	(pc) =	sbr.abs _section_cstart, $3  }
0xc1: {  	[dreg:$0x1] =	wrdreg $0xFFFFFFFF  }
0xc2: {  	_ =	task.clear_ibuf [dreg:s6], $0x2FFFF;
	_ =	strace $0x9FFFFFFF  }
0xc3: {  	(tm) =	ssettm $0x7FFFFFFF  }
tec
execute0_lowered:
.L_overlay_start_1:
0x0: {  	(tag) =	ssettag $0x1  }
0x1: {  	s5 =	rddreg [dreg:$0x0];
	p0 =	por $0x0, $0x0  }
.Ltmp0:
0x2: {  	s3 =	rddreg [dreg:$0x1];
	(pc) =	sbr.rel @p0 .LBB2_2-.Ltmp0, $4  }
0x3: {  	s2 =	rddreg [dreg:$0x3]  }
0x4: {  	s0 =	simm.s32 $0x0;
	s17 =	stileid.u32;
	s4 =	simm.s32 $0x0  }
0x5: {  	s6 =	simm.s32 $0x200;
	[smem:$0x7FF] =	sst s0;
	s0 =	sadd.s32 $0x1A000, s3  }
0x6: {  	v0 =	vimm.f32 $0.0e+00;
	s1 =	sadd.s32 $0x1000, s3;
	s3 =	sadd.s32 $0x33000, s3;
	_ =	strace $0x80000047  }
.LBB2_1:
0x7: {  	p0 =	seq.s32 s6, $0x4E00;
	[tilespmem:s4+$0x4870] =	vst v0  }
0x8: {  	[tilespmem:s4+$0x4800] =	vst v0  }
0x9: {  	[tilespmem:s4+$0x4810] =	vst v0  }
.Ltmp1:
0xa: {  	[tilespmem:s4+$0x4820] =	vst v0;
	(pc) =	sbr.rel @!p0 .LBB2_1-.Ltmp1, $4  }
0xb: {  	[tilespmem:s4+$0x4830] =	vst v0  }
0xc: {  	[tilespmem:s4+$0x4840] =	vst v0  }
0xd: {  	[tilespmem:s4+$0x4850] =	vst v0  }
0xe: {  	[tilespmem:s4+$0x4860] =	vst v0;
	s4 =	sshra.s32 s6, $0x2;
	s6 =	sadd.s32 $0x200, s6  }
.LBB2_2:
0xf: {  	[tilespmem:s4+$0x4870] =	vst v0  }
0x10: {  	[tilespmem:s4+$0x4800] =	vst v0  }
0x11: {  	[tilespmem:s4+$0x4810] =	vst v0  }
0x12: {  	[tilespmem:s4+$0x4820] =	vst v0  }
0x13: {  	[tilespmem:s4+$0x4830] =	vst v0  }
0x14: {  	[tilespmem:s4+$0x4840] =	vst v0  }
0x15: {  	[tilespmem:s4+$0x4850] =	vst v0  }
0x16: {  	[tilespmem:s4+$0x4860] =	vst v0;
	s4 =	simm.s32 $0x40;
	s6 =	simm.s32 $0x0  }
.LBB2_3:
0x17: {  	p0 =	seq.s32 s4, $0x9C00;
	[tilespmem:s6+$0x5C80] =	vst v0;
	s6 =	smov.u32 s4;
	s4 =	sadd.s32 $0x40, s4  }
.Ltmp2:
0x18: {  	(pc) =	sbr.rel @!p0 .LBB2_3-.Ltmp2, $2  }
0x19: {  	_ =	sdelay $0x2  }
0x1a: {  	s6 =	sshra.s32 s6, $0x2  }
0x1b: {  	s4 =	sshll.u32 s17, $0x4  }
0x1c: {  	s30 =	smin.u32 s4, $0xEA  }
0x1d: {  	s7 =	smul.u32 $0xC800, s17;
	s8 =	sshrl.u32 s17, $0x3;
	s9 =	sadd.s32 $0x10, s30  }
0x1e: {  	s8 =	smul.u32 $0x13C00, s8;
	p0 =	sge.u32 s4, s9  }
.Ltmp3:
0x1f: {  	s10 =	sshll.u32 s17, $0x7;
	(pc) =	sbr.rel @p0 .LBB2_8-.Ltmp3, $4  }
0x20: {  	s31 =	sand.u32 $0x380, s10  }
0x21: {  	s7 =	sshrl.u32 s7, $0x3;
	s10 =	sor.u32 s31, s8;
	s8 =	smul.u32 $0x280, s17  }
0x22: {  	s9 =	sadd.s32 s0, s7;
	s7 =	sadd.s32 s1, s7;
	s4 =	ssub.s32 s30, s4  }
0x23: {  	[tilespmem:s6+$0x5C80] =	vst v0;
	s6 =	sshrl.u32 s10, $0x3;
	s18 =	sadd.s32 $0x10, s4;
	s4 =	sor.u32 $0x18, s8  }
0x24: {  	s14 =	sor.u32 $0x18, s8  }
0x25: {  	v0 =	vlaneseq.u32;
	s13 =	sadd.s32 $0xFFFFFFF8, s14  }
0x26: {  	p1 =	sne.s32 s18, $0x1;
	s15 =	sadd.s32 $0xFFFFFFE8, s14;
	v1 =	vadd.s32 s13, v0  }
.Ltmp4:
0x27: {  	v2 =	vadd.s32 s15, v0;
	[tilespmem:$0x5C10] =	vst v1;
	(pc) =	sbr.rel @!p1 .LBB2_7-.Ltmp4, $4  }
0x28: {  	s8 =	simm.s32 $0x28;
	[tilespmem:$0x5C00] =	vst v2;
	v1 =	vadd.s32 s14, v0  }
0x29: {  	s11 =	simm.s32 $0x5C00;
	s12 =	simm.s32 $0x4800;
	s10 =	simm.s32 $0x4;
	[tilespmem:$0x5C18] =	vst v1  }
0x2a: {  	[spmem:s2] =	stream.indirect.scatter [tilespmem:s12], [sflag:$0x4], $0x80, s11, s8, $0xb8;
	[tilespmem:$0x1BC80] =	vst v63  }
0x2b: {  	s13 =	sadd.s32 $0xFFFFFFFF, s18;
	s14 =	sadd.s32 $0x28, s14;
	_ =	swait.ge [sflag:s10], $0x1400  }
.LBB2_6:
0x2c: {  	s15 =	sadd.s32 $0xFFFFFFF8, s14;
	[sflag:s10] =	ssyncset.done $0x0;
	p1 =	sne.s32 s13, $0x1  }
.Ltmp5:
0x2d: {  	s16 =	sadd.s32 $0xFFFFFFE8, s14;
	v1 =	vadd.s32 s15, v0;
	[sflag:s10] =	ssyncadd.s32 $0xFFFFEC00;
	(pc) =	sbr.rel @p1 .LBB2_6-.Ltmp5, $4  }
0x2e: {  	v2 =	vadd.s32 s16, v0;
	[tilespmem:$0x5C10] =	vst v1  }
0x2f: {  	s13 =	sadd.s32 $0xFFFFFFFF, s13;
	v1 =	vadd.s32 s14, v0;
	[tilespmem:$0x5C00] =	vst v2  }
0x30: {  	[tilespmem:$0x5C18] =	vst v1;
	[spmem:s2] =	stream.indirect.scatter [tilespmem:s12], [sflag:$0x4], $0x80, s11, s8, $0xb8  }
0x31: {  	s14 =	sadd.s32 $0x28, s14;
	_ =	swait.ge [sflag:s10], $0x1400  }
.LBB2_7:
0x32: {  	[sflag:s10] =	ssyncset.done $0x0  }
0x33: {  	[sflag:s10] =	ssyncadd.s32 $0xFFFFEC00  }
.LBB2_8:
0x34: {  	[dreg:$0x6] =	wrdreg s18;
	s8 =	simm.s32 $0x0  }
0x35: {  	s25 =	simm.s32 $0x4;
	s10 =	simm.s32 $0x800;
	s26 =	smul.u32 $0x1900, s17  }
0x36: {  	s3 =	sadd.s32 s3, s6;
	s12 =	simm.s32 $0x2;
	s13 =	simm.s32 $0x32  }
0x37: {  	s14 =	simm.s32 $0x400;
	s15 =	simm.s32 $0x1000;
	s16 =	simm.s32 $0x1  }
0x38: {  	s17 =	simm.s32 $0x3;
	s19 =	simm.s32 $0x2C00;
	s20 =	simm.s32 $0xC00  }
0x39: {  	s21 =	simm.s32 $0x5C80;
	s22 =	simm.s32 $0x180;
	s23 =	simm.s32 $0x900  }
0x3a: {  	[tilespmem:s8], [sflag:$0x4] =	stream.linear.gather [hbm4b:s9+s8], $0x400, $0x38;
	[tilespmem:$0x1BC80] =	vst v63  }
0x3b: {  	s24 =	simm.s32 $0x200;
	s28 =	simm.s32 $0xA00;
	_ =	swait.ge [sflag:s25], $0x400  }
0x3c: {  	s29 =	simm.s32 $0x300;
	s30 =	simm.s32 $0xA80;
	[sflag:s25] =	ssyncset.done $0x0  }
0x3d: {  	s31 =	simm.s32 $0x380;
	s6 =	simm.s32 $0x0;
	[sflag:s25] =	ssyncadd.s32 $0xFFFFFC00  }
0x3e: {  	[tilespmem:s10], [sflag:$0x4] =	stream.linear.gather [hbm4b:s7+s8], $0x400, $0x38;
	[tilespmem:$0x1BC80] =	vst v63  }
.Ltmp6:
0x3f: {  	s1 =	sadd.s32 s26, s1;
	_ =	swait.ge [sflag:s25], $0x400;
	(pc) =	sbr.rel .LBB2_9-.Ltmp6, $4  }
0x40: {  	s0 =	sadd.s32 s26, s0;
	s26 =	simm.s32 $0x280;
	[sflag:s25] =	ssyncset.done $0x0  }
0x41: {  	s11 =	sadd.s32 $0x80, s0;
	[dreg:$0x5] =	wrdreg s3;
	[sflag:s25] =	ssyncadd.s32 $0xFFFFFC00  }
0x42: {  	s0 =	simm.s32 $0xB80;
	s10 =	sadd.s32 $0x80, s1;
	[bflag:$0x0] =	sbarrier.arrive $0xFFFF  }
0x43: {  	v0 =	vimm.f32 $1.000000000e+00;
	vm0 =	vcmask $0x3F38;
	s7 =	simm.s32 $0x0;
	s3 =	simm.s32 $0xB00;
	s25 =	simm.s32 $0x980  }
.LBB2_11:
0x44: {  	_ =	swait.ge [sflag:s12], $0x400  }
0x45: {  	[sflag:s12] =	ssyncset.done $0x0  }
0x46: {  	[sflag:s12] =	ssyncadd.s32 $0xFFFFFC00  }
0x47: {  	_ =	swait.ge [sflag:s12], $0x400  }
0x48: {  	[sflag:s12] =	ssyncset.done $0x0  }
0x49: {  	[sflag:s12] =	ssyncadd.s32 $0xFFFFFC00  }
0x4a: {  	[tilespmem:s15], [sflag:$0x1] =	stream.indirect.gather [hbm4b:s5+s13], $0x80, s14, s13, $0xb8;
	[tilespmem:$0x1BC80] =	vst v63  }
0x4b: {  	_ =	swait.ge [sflag:s16], $0x1900  }
0x4c: {  	[sflag:s16] =	ssyncset.done $0x0  }
0x4d: {  	[sflag:s16] =	ssyncadd.s32 $0xFFFFE700  }
0x4e: {  	_ =	swait.ge [sflag:s17], $0x1900  }
0x4f: {  	p1 =	seq.s32 s6, $0x1880;
	[sflag:s17] =	ssyncset.done $0x0  }
0x50: {  	s1 =	sadd.s32 @!p1 s6, s11;
	s9 =	simm.s32 @!p1 $0x0;
	[sflag:s17] =	ssyncadd.s32 $0xFFFFE700  }
0x51: {  	[tilespmem:s9], [sflag:$0x2] =	stream.linear.gather @!p1 [hbm4b:s1+s9], $0x400, $0x38;
	[tilespmem:$0x1BC80] =	vst v63  }
0x52: {  	s18 =	simm.s32 @!p1 $0x800;
	s1 =	sadd.s32 @!p1 s6, s10  }
0x53: {  	[tilespmem:s18], [sflag:$0x2] =	stream.linear.gather @!p1 [hbm4b:s1+s9], $0x400, $0x38;
	[tilespmem:$0x1BC80] =	vst v63  }
0x54: {  	s9 =	simm.s32 $0x480  }
0x55: {  	[tilespmem:s19], [sflag:$0x1] =	stream.indirect.gather [hbm4b:s5+s13], $0x80, s9, s13, $0xb8;
	[tilespmem:$0x1BC80] =	vst v63  }
0x56: {  	_ = 	snop  }
0x57: {  	[spmem:s2] =	stream.indirect.scatter.add.f32 [tilespmem:s15], [sflag:$0x3], $0x80, s20, s13, $0xb8;
	[tilespmem:$0x1BC80] =	vst v63  }
0x58: {  	v1 =	vld [tilespmem:$0xC00];
	_ =	sdelay $0x7  }
0x59: {  	[tilespmem:v1+s21+$0x0] =	vst.idx.add.f32.msk $0xffff, v0  }
0x5a: {  	v1 =	vld [tilespmem:$0xC10];
	_ =	sdelay $0x7  }
0x5b: {  	[tilespmem:v1+s21+$0x0] =	vst.idx.add.f32.msk $0xffff, v0  }
0x5c: {  	v1 =	vld [tilespmem:$0xC20];
	_ =	sdelay $0x7  }
0x5d: {  	[tilespmem:v1+s21+$0x0] =	vst.idx.add.f32.msk $0xffff, v0  }
0x5e: {  	v1 =	vld [tilespmem:$0xC22];
	_ =	sdelay $0x7  }
0x5f: {  	[tilespmem:v1+s21+$0x0] =	vst.idx.add.f32.msk vm0, v0  }
0x60: {  	_ =	swait.ge [sflag:s16], $0x1900  }
0x61: {  	[sflag:s16] =	ssyncset.done $0x0  }
0x62: {  	[sflag:s16] =	ssyncadd.s32 $0xFFFFE700  }
0x63: {  	_ =	swait.ge [sflag:s17], $0x1900  }
0x64: {  	[sflag:s17] =	ssyncset.done $0x0  }
0x65: {  	s18 =	simm.s32 $0x500;
	[sflag:s17] =	ssyncadd.s32 $0xFFFFE700  }
0x66: {  	[tilespmem:s15], [sflag:$0x1] =	stream.indirect.gather [hbm4b:s5+s13], $0x80, s18, s13, $0xb8;
	[tilespmem:$0x1BC80] =	vst v63  }
0x67: {  	s9 =	simm.s32 $0xC80  }
0x68: {  	[spmem:s2] =	stream.indirect.scatter.add.f32 [tilespmem:s19], [sflag:$0x3], $0x80, s9, s13, $0xb8;
	[tilespmem:$0x1BC80] =	vst v63  }
0x69: {  	v1 =	vld [tilespmem:$0xC80];
	_ =	sdelay $0x7  }
0x6a: {  	[tilespmem:v1+s21+$0x0] =	vst.idx.add.f32.msk $0xffff, v0  }
0x6b: {  	v1 =	vld [tilespmem:$0xC90];
	_ =	sdelay $0x7  }
0x6c: {  	[tilespmem:v1+s21+$0x0] =	vst.idx.add.f32.msk $0xffff, v0  }
0x6d: {  	v1 =	vld [tilespmem:$0xCA0];
	_ =	sdelay $0x7  }
0x6e: {  	[tilespmem:v1+s21+$0x0] =	vst.idx.add.f32.msk $0xffff, v0  }
0x6f: {  	v1 =	vld [tilespmem:$0xCA2];
	_ =	sdelay $0x7  }
0x70: {  	[tilespmem:v1+s21+$0x0] =	vst.idx.add.f32.msk vm0, v0  }
0x71: {  	_ =	swait.ge [sflag:s16], $0x1900  }
0x72: {  	[sflag:s16] =	ssyncset.done $0x0  }
0x73: {  	[sflag:s16] =	ssyncadd.s32 $0xFFFFE700  }
0x74: {  	_ =	swait.ge [sflag:s17], $0x1900  }
0x75: {  	[sflag:s17] =	ssyncset.done $0x0  }
0x76: {  	s18 =	simm.s32 $0x580;
	[sflag:s17] =	ssyncadd.s32 $0xFFFFE700  }
0x77: {  	[tilespmem:s19], [sflag:$0x1] =	stream.indirect.gather [hbm4b:s5+s13], $0x80, s18, s13, $0xb8;
	[tilespmem:$0x1BC80] =	vst v63  }
0x78: {  	s9 =	simm.s32 $0xD00  }
0x79: {  	[spmem:s2] =	stream.indirect.scatter.add.f32 [tilespmem:s15], [sflag:$0x3], $0x80, s9, s13, $0xb8;
	[tilespmem:$0x1BC80] =	vst v63  }
0x7a: {  	v1 =	vld [tilespmem:$0xD00];
	_ =	sdelay $0x7  }
0x7b: {  	[tilespmem:v1+s21+$0x0] =	vst.idx.add.f32.msk $0xffff, v0  }
0x7c: {  	v1 =	vld [tilespmem:$0xD10];
	_ =	sdelay $0x7  }
0x7d: {  	[tilespmem:v1+s21+$0x0] =	vst.idx.add.f32.msk $0xffff, v0  }
0x7e: {  	v1 =	vld [tilespmem:$0xD20];
	_ =	sdelay $0x7  }
0x7f: {  	[tilespmem:v1+s21+$0x0] =	vst.idx.add.f32.msk $0xffff, v0  }
0x80: {  	v1 =	vld [tilespmem:$0xD22];
	_ =	sdelay $0x7  }
0x81: {  	[tilespmem:v1+s21+$0x0] =	vst.idx.add.f32.msk vm0, v0  }
0x82: {  	_ =	swait.ge [sflag:s16], $0x1900  }
0x83: {  	[sflag:s16] =	ssyncset.done $0x0  }
0x84: {  	[sflag:s16] =	ssyncadd.s32 $0xFFFFE700  }
0x85: {  	_ =	swait.ge [sflag:s17], $0x1900  }
0x86: {  	[sflag:s17] =	ssyncset.done $0x0  }
0x87: {  	s18 =	simm.s32 $0x600;
	[sflag:s17] =	ssyncadd.s32 $0xFFFFE700  }
0x88: {  	[tilespmem:s15], [sflag:$0x1] =	stream.indirect.gather [hbm4b:s5+s13], $0x80, s18, s13, $0xb8;
	[tilespmem:$0x1BC80] =	vst v63  }
0x89: {  	s9 =	simm.s32 $0xD80  }
0x8a: {  	[spmem:s2] =	stream.indirect.scatter.add.f32 [tilespmem:s19], [sflag:$0x3], $0x80, s9, s13, $0xb8;
	[tilespmem:$0x1BC80] =	vst v63  }
0x8b: {  	v1 =	vld [tilespmem:$0xD80];
	_ =	sdelay $0x7  }
0x8c: {  	[tilespmem:v1+s21+$0x0] =	vst.idx.add.f32.msk $0xffff, v0  }
0x8d: {  	v1 =	vld [tilespmem:$0xD90];
	_ =	sdelay $0x7  }
0x8e: {  	[tilespmem:v1+s21+$0x0] =	vst.idx.add.f32.msk $0xffff, v0  }
0x8f: {  	v1 =	vld [tilespmem:$0xDA0];
	_ =	sdelay $0x7  }
0x90: {  	[tilespmem:v1+s21+$0x0] =	vst.idx.add.f32.msk $0xffff, v0  }
0x91: {  	v1 =	vld [tilespmem:$0xDA2];
	_ =	sdelay $0x7  }
0x92: {  	[tilespmem:v1+s21+$0x0] =	vst.idx.add.f32.msk vm0, v0  }
0x93: {  	_ =	swait.ge [sflag:s16], $0x1900  }
0x94: {  	[sflag:s16] =	ssyncset.done $0x0  }
0x95: {  	[sflag:s16] =	ssyncadd.s32 $0xFFFFE700  }
0x96: {  	_ =	swait.ge [sflag:s17], $0x1900  }
0x97: {  	[sflag:s17] =	ssyncset.done $0x0  }
0x98: {  	s18 =	simm.s32 $0x680;
	[sflag:s17] =	ssyncadd.s32 $0xFFFFE700  }
0x99: {  	[tilespmem:s19], [sflag:$0x1] =	stream.indirect.gather [hbm4b:s5+s13], $0x80, s18, s13, $0xb8;
	[tilespmem:$0x1BC80] =	vst v63  }
0x9a: {  	s9 =	simm.s32 $0xE00  }
0x9b: {  	[spmem:s2] =	stream.indirect.scatter.add.f32 [tilespmem:s15], [sflag:$0x3], $0x80, s9, s13, $0xb8;
	[tilespmem:$0x1BC80] =	vst v63  }
0x9c: {  	v1 =	vld [tilespmem:$0xE00];
	_ =	sdelay $0x7  }
0x9d: {  	[tilespmem:v1+s21+$0x0] =	vst.idx.add.f32.msk $0xffff, v0  }
0x9e: {  	v1 =	vld [tilespmem:$0xE10];
	_ =	sdelay $0x7  }
0x9f: {  	[tilespmem:v1+s21+$0x0] =	vst.idx.add.f32.msk $0xffff, v0  }
0xa0: {  	v1 =	vld [tilespmem:$0xE20];
	_ =	sdelay $0x7  }
0xa1: {  	[tilespmem:v1+s21+$0x0] =	vst.idx.add.f32.msk $0xffff, v0  }
0xa2: {  	v1 =	vld [tilespmem:$0xE22];
	_ =	sdelay $0x7  }
0xa3: {  	[tilespmem:v1+s21+$0x0] =	vst.idx.add.f32.msk vm0, v0  }
0xa4: {  	_ =	swait.ge [sflag:s16], $0x1900  }
0xa5: {  	[sflag:s16] =	ssyncset.done $0x0  }
0xa6: {  	[sflag:s16] =	ssyncadd.s32 $0xFFFFE700  }
0xa7: {  	_ =	swait.ge [sflag:s17], $0x1900  }
0xa8: {  	[sflag:s17] =	ssyncset.done $0x0  }
0xa9: {  	s18 =	simm.s32 $0x700;
	[sflag:s17] =	ssyncadd.s32 $0xFFFFE700  }
0xaa: {  	[tilespmem:s15], [sflag:$0x1] =	stream.indirect.gather [hbm4b:s5+s13], $0x80, s18, s13, $0xb8;
	[tilespmem:$0x1BC80] =	vst v63  }
0xab: {  	s9 =	simm.s32 $0xE80  }
0xac: {  	[spmem:s2] =	stream.indirect.scatter.add.f32 [tilespmem:s19], [sflag:$0x3], $0x80, s9, s13, $0xb8;
	[tilespmem:$0x1BC80] =	vst v63  }
0xad: {  	v1 =	vld [tilespmem:$0xE80];
	_ =	sdelay $0x7  }
0xae: {  	[tilespmem:v1+s21+$0x0] =	vst.idx.add.f32.msk $0xffff, v0  }
0xaf: {  	v1 =	vld [tilespmem:$0xE90];
	_ =	sdelay $0x7  }
0xb0: {  	[tilespmem:v1+s21+$0x0] =	vst.idx.add.f32.msk $0xffff, v0  }
0xb1: {  	v1 =	vld [tilespmem:$0xEA0];
	_ =	sdelay $0x7  }
0xb2: {  	[tilespmem:v1+s21+$0x0] =	vst.idx.add.f32.msk $0xffff, v0  }
0xb3: {  	v1 =	vld [tilespmem:$0xEA2];
	_ =	sdelay $0x7  }
0xb4: {  	[tilespmem:v1+s21+$0x0] =	vst.idx.add.f32.msk vm0, v0  }
0xb5: {  	_ =	swait.ge [sflag:s16], $0x1900  }
0xb6: {  	[sflag:s16] =	ssyncset.done $0x0  }
0xb7: {  	[sflag:s16] =	ssyncadd.s32 $0xFFFFE700  }
0xb8: {  	_ =	swait.ge [sflag:s17], $0x1900  }
0xb9: {  	[sflag:s17] =	ssyncset.done $0x0  }
0xba: {  	s18 =	simm.s32 $0x780;
	[sflag:s17] =	ssyncadd.s32 $0xFFFFE700  }
0xbb: {  	[tilespmem:s19], [sflag:$0x1] =	stream.indirect.gather [hbm4b:s5+s13], $0x80, s18, s13, $0xb8;
	[tilespmem:$0x1BC80] =	vst v63  }
0xbc: {  	s9 =	simm.s32 $0xF00  }
0xbd: {  	[spmem:s2] =	stream.indirect.scatter.add.f32 [tilespmem:s15], [sflag:$0x3], $0x80, s9, s13, $0xb8;
	[tilespmem:$0x1BC80] =	vst v63  }
0xbe: {  	v1 =	vld [tilespmem:$0xF00];
	_ =	sdelay $0x7  }
0xbf: {  	[tilespmem:v1+s21+$0x0] =	vst.idx.add.f32.msk $0xffff, v0  }
0xc0: {  	v1 =	vld [tilespmem:$0xF10];
	_ =	sdelay $0x7  }
0xc1: {  	[tilespmem:v1+s21+$0x0] =	vst.idx.add.f32.msk $0xffff, v0  }
0xc2: {  	v1 =	vld [tilespmem:$0xF20];
	_ =	sdelay $0x7  }
0xc3: {  	[tilespmem:v1+s21+$0x0] =	vst.idx.add.f32.msk $0xffff, v0  }
0xc4: {  	v1 =	vld [tilespmem:$0xF22];
	_ =	sdelay $0x7  }
0xc5: {  	[tilespmem:v1+s21+$0x0] =	vst.idx.add.f32.msk vm0, v0  }
0xc6: {  	_ =	swait.ge [sflag:s16], $0x1900  }
0xc7: {  	[sflag:s16] =	ssyncset.done $0x0  }
0xc8: {  	[sflag:s16] =	ssyncadd.s32 $0xFFFFE700  }
0xc9: {  	_ =	swait.ge [sflag:s17], $0x1900  }
0xca: {  	[sflag:s17] =	ssyncset.done $0x0  }
0xcb: {  	s18 =	simm.s32 $0xF80;
	[sflag:s17] =	ssyncadd.s32 $0xFFFFE700  }
0xcc: {  	[spmem:s2] =	stream.indirect.scatter.add.f32 [tilespmem:s19], [sflag:$0x3], $0x80, s18, s13, $0xb8;
	[tilespmem:$0x1BC80] =	vst v63  }
0xcd: {  	v1 =	vld [tilespmem:$0xF80];
	_ =	sdelay $0x7  }
0xce: {  	[tilespmem:v1+s21+$0x0] =	vst.idx.add.f32.msk $0xffff, v0  }
0xcf: {  	v1 =	vld [tilespmem:$0xF90];
	_ =	sdelay $0x7  }
0xd0: {  	s1 =	simm.s32 $0xFA2;
	s18 =	simm.s32 $0xFA0;
	[tilespmem:v1+s21+$0x0] =	vst.idx.add.f32.msk $0xffff, v0  }
.LBB2_12:
0xd1: {  	v1 =	vld [tilespmem:s18+$0x0];
	_ =	sdelay $0x7  }
0xd2: {  	[tilespmem:v1+s21+$0x0] =	vst.idx.add.f32.msk $0xffff, v0  }
0xd3: {  	v1 =	vld [tilespmem:s1+$0x0];
	_ =	sdelay $0x1  }
0xd4: {  	s6 =	sadd.s32 $0x80, s6  }
0xd5: {  	p1 =	sne.s32 s6, $0x1900  }
.Ltmp7:
0xd6: {  	_ = 	snop;
	(pc) =	sbr.rel @!p1 .LBB2_13-.Ltmp7, $2  }
0xd7: {  	_ =	sdelay $0x2  }
0xd8: {  	s7 =	sadd.s32 $0x1, s7;
	[tilespmem:v1+s21+$0x0] =	vst.idx.add.f32.msk vm0, v0  }
.LBB2_9:
0xd9: {  	s1 =	sand.u32 $0x1, s7  }
0xda: {  	p1 =	seq.s32 s1, $0x1  }
.Ltmp8:
0xdb: {  	_ = 	snop;
	(pc) =	sbr.rel @p1 .LBB2_11-.Ltmp8, $1  }
0xdc: {  	_ =	sdelay $0x3  }
0xdd: {  	p1 =	sne.s32 s6, $0x0  }
0xde: {  	s1 =	simm.s32 @p1 $0x2  }
0xdf: {  	_ =	swait.ge @p1 [sflag:s1], $0x400  }
0xe0: {  	[sflag:s1] =	ssyncset.done @p1 $0x0  }
0xe1: {  	[sflag:s1] =	ssyncadd.s32 @p1 $0xFFFFFC00  }
0xe2: {  	_ =	swait.ge @p1 [sflag:s1], $0x400  }
0xe3: {  	s18 =	simm.s32 @p1 $0x0;
	[sflag:s1] =	ssyncset.done @p1 $0x0  }
0xe4: {  	s9 =	simm.s32 @p1 $0x1000;
	[sflag:s1] =	ssyncadd.s32 @p1 $0xFFFFFC00;
	s1 =	simm.s32 @p1 $0x32  }
0xe5: {  	[tilespmem:s9], [sflag:$0x1] =	stream.indirect.gather @p1 [hbm4b:s5+s1], $0x80, s18, s1, $0xb8;
	[tilespmem:$0x1BC80] =	vst v63  }
0xe6: {  	s1 =	simm.s32 @p1 $0x1  }
0xe7: {  	_ =	swait.ge @p1 [sflag:s1], $0x1900  }
0xe8: {  	s9 =	simm.s32 @!p1 $0x0;
	[sflag:s1] =	ssyncset.done @p1 $0x0  }
0xe9: {  	s18 =	simm.s32 @!p1 $0x1000;
	[sflag:s1] =	ssyncadd.s32 @p1 $0xFFFFE700;
	s1 =	simm.s32 @!p1 $0x32  }
0xea: {  	[tilespmem:s18], [sflag:$0x1] =	stream.indirect.gather @!p1 [hbm4b:s5+s1], $0x80, s9, s1, $0xb8;
	[tilespmem:$0x1BC80] =	vst v63  }
0xeb: {  	s1 =	simm.s32 @!p1 $0x1  }
0xec: {  	s1 =	simm.s32 @p1 $0x3  }
0xed: {  	_ =	swait.ge [sflag:s1], $0x1900  }
0xee: {  	[sflag:s1] =	ssyncset.done $0x0  }
0xef: {  	s9 =	sadd.s32 s6, s11;
	[sflag:s1] =	ssyncadd.s32 $0xFFFFE700  }
0xf0: {  	[tilespmem:s14], [sflag:$0x2] =	stream.linear.gather [hbm4b:s9+s8], $0x400, $0x38;
	[tilespmem:$0x1BC80] =	vst v63  }
0xf1: {  	s18 =	sadd.s32 s6, s10  }
0xf2: {  	[tilespmem:s20], [sflag:$0x2] =	stream.linear.gather [hbm4b:s18+s8], $0x400, $0x38;
	[tilespmem:$0x1BC80] =	vst v63  }
0xf3: {  	s9 =	simm.s32 $0x80  }
0xf4: {  	[tilespmem:s19], [sflag:$0x1] =	stream.indirect.gather [hbm4b:s5+s13], $0x80, s9, s13, $0xb8;
	[tilespmem:$0x1BC80] =	vst v63  }
0xf5: {  	s18 =	simm.s32 $0x800  }
0xf6: {  	[spmem:s2] =	stream.indirect.scatter.add.f32 [tilespmem:s15], [sflag:$0x3], $0x80, s18, s13, $0xb8;
	[tilespmem:$0x1BC80] =	vst v63  }
0xf7: {  	v1 =	vld [tilespmem:$0x800];
	_ =	sdelay $0x7  }
0xf8: {  	[tilespmem:v1+s21+$0x0] =	vst.idx.add.f32.msk $0xffff, v0  }
0xf9: {  	v1 =	vld [tilespmem:$0x810];
	_ =	sdelay $0x7  }
0xfa: {  	[tilespmem:v1+s21+$0x0] =	vst.idx.add.f32.msk $0xffff, v0  }
0xfb: {  	v1 =	vld [tilespmem:$0x820];
	_ =	sdelay $0x7  }
0xfc: {  	[tilespmem:v1+s21+$0x0] =	vst.idx.add.f32.msk $0xffff, v0  }
0xfd: {  	v1 =	vld [tilespmem:$0x822];
	_ =	sdelay $0x7  }
0xfe: {  	[tilespmem:v1+s21+$0x0] =	vst.idx.add.f32.msk vm0, v0  }
0xff: {  	_ =	swait.ge [sflag:s16], $0x1900  }
0x100: {  	[sflag:s16] =	ssyncset.done $0x0  }
0x101: {  	[sflag:s16] =	ssyncadd.s32 $0xFFFFE700  }
0x102: {  	_ =	swait.ge [sflag:s17], $0x1900  }
0x103: {  	[sflag:s17] =	ssyncset.done $0x0  }
0x104: {  	s9 =	simm.s32 $0x100;
	[sflag:s17] =	ssyncadd.s32 $0xFFFFE700  }
0x105: {  	[tilespmem:s15], [sflag:$0x1] =	stream.indirect.gather [hbm4b:s5+s13], $0x80, s9, s13, $0xb8;
	[tilespmem:$0x1BC80] =	vst v63  }
0x106: {  	s18 =	simm.s32 $0x880  }
0x107: {  	[spmem:s2] =	stream.indirect.scatter.add.f32 [tilespmem:s19], [sflag:$0x3], $0x80, s18, s13, $0xb8;
	[tilespmem:$0x1BC80] =	vst v63  }
0x108: {  	v1 =	vld [tilespmem:$0x880];
	_ =	sdelay $0x7  }
0x109: {  	[tilespmem:v1+s21+$0x0] =	vst.idx.add.f32.msk $0xffff, v0  }
0x10a: {  	v1 =	vld [tilespmem:$0x890];
	_ =	sdelay $0x7  }
0x10b: {  	[tilespmem:v1+s21+$0x0] =	vst.idx.add.f32.msk $0xffff, v0  }
0x10c: {  	v1 =	vld [tilespmem:$0x8A0];
	_ =	sdelay $0x7  }
0x10d: {  	[tilespmem:v1+s21+$0x0] =	vst.idx.add.f32.msk $0xffff, v0  }
0x10e: {  	v1 =	vld [tilespmem:$0x8A2];
	_ =	sdelay $0x7  }
0x10f: {  	[tilespmem:v1+s21+$0x0] =	vst.idx.add.f32.msk vm0, v0  }
0x110: {  	_ =	swait.ge [sflag:s16], $0x1900  }
0x111: {  	[sflag:s16] =	ssyncset.done $0x0  }
0x112: {  	[sflag:s16] =	ssyncadd.s32 $0xFFFFE700  }
0x113: {  	_ =	swait.ge [sflag:s17], $0x1900  }
0x114: {  	[sflag:s17] =	ssyncset.done $0x0  }
0x115: {  	[sflag:s17] =	ssyncadd.s32 $0xFFFFE700  }
0x116: {  	[tilespmem:s19], [sflag:$0x1] =	stream.indirect.gather [hbm4b:s5+s13], $0x80, s22, s13, $0xb8;
	[tilespmem:$0x1BC80] =	vst v63  }
0x117: {  	_ = 	snop  }
0x118: {  	[spmem:s2] =	stream.indirect.scatter.add.f32 [tilespmem:s15], [sflag:$0x3], $0x80, s23, s13, $0xb8;
	[tilespmem:$0x1BC80] =	vst v63  }
0x119: {  	v1 =	vld [tilespmem:$0x900];
	_ =	sdelay $0x7  }
0x11a: {  	[tilespmem:v1+s21+$0x0] =	vst.idx.add.f32.msk $0xffff, v0  }
0x11b: {  	v1 =	vld [tilespmem:$0x910];
	_ =	sdelay $0x7  }
0x11c: {  	[tilespmem:v1+s21+$0x0] =	vst.idx.add.f32.msk $0xffff, v0  }
0x11d: {  	v1 =	vld [tilespmem:$0x920];
	_ =	sdelay $0x7  }
0x11e: {  	[tilespmem:v1+s21+$0x0] =	vst.idx.add.f32.msk $0xffff, v0  }
0x11f: {  	v1 =	vld [tilespmem:$0x922];
	_ =	sdelay $0x7  }
0x120: {  	[tilespmem:v1+s21+$0x0] =	vst.idx.add.f32.msk vm0, v0  }
0x121: {  	_ =	swait.ge [sflag:s16], $0x1900  }
0x122: {  	[sflag:s16] =	ssyncset.done $0x0  }
0x123: {  	[sflag:s16] =	ssyncadd.s32 $0xFFFFE700  }
0x124: {  	_ =	swait.ge [sflag:s17], $0x1900  }
0x125: {  	[sflag:s17] =	ssyncset.done $0x0  }
0x126: {  	[sflag:s17] =	ssyncadd.s32 $0xFFFFE700  }
0x127: {  	[tilespmem:s15], [sflag:$0x1] =	stream.indirect.gather [hbm4b:s5+s13], $0x80, s24, s13, $0xb8;
	[tilespmem:$0x1BC80] =	vst v63  }
0x128: {  	_ = 	snop  }
0x129: {  	[spmem:s2] =	stream.indirect.scatter.add.f32 [tilespmem:s19], [sflag:$0x3], $0x80, s25, s13, $0xb8;
	[tilespmem:$0x1BC80] =	vst v63  }
0x12a: {  	v1 =	vld [tilespmem:$0x980];
	_ =	sdelay $0x7  }
0x12b: {  	[tilespmem:v1+s21+$0x0] =	vst.idx.add.f32.msk $0xffff, v0  }
0x12c: {  	v1 =	vld [tilespmem:$0x990];
	_ =	sdelay $0x7  }
0x12d: {  	[tilespmem:v1+s21+$0x0] =	vst.idx.add.f32.msk $0xffff, v0  }
0x12e: {  	v1 =	vld [tilespmem:$0x9A0];
	_ =	sdelay $0x7  }
0x12f: {  	[tilespmem:v1+s21+$0x0] =	vst.idx.add.f32.msk $0xffff, v0  }
0x130: {  	v1 =	vld [tilespmem:$0x9A2];
	_ =	sdelay $0x7  }
0x131: {  	[tilespmem:v1+s21+$0x0] =	vst.idx.add.f32.msk vm0, v0  }
0x132: {  	_ =	swait.ge [sflag:s16], $0x1900  }
0x133: {  	[sflag:s16] =	ssyncset.done $0x0  }
0x134: {  	[sflag:s16] =	ssyncadd.s32 $0xFFFFE700  }
0x135: {  	_ =	swait.ge [sflag:s17], $0x1900  }
0x136: {  	[sflag:s17] =	ssyncset.done $0x0  }
0x137: {  	[sflag:s17] =	ssyncadd.s32 $0xFFFFE700  }
0x138: {  	[tilespmem:s19], [sflag:$0x1] =	stream.indirect.gather [hbm4b:s5+s13], $0x80, s26, s13, $0xb8;
	[tilespmem:$0x1BC80] =	vst v63  }
0x139: {  	_ = 	snop  }
0x13a: {  	[spmem:s2] =	stream.indirect.scatter.add.f32 [tilespmem:s15], [sflag:$0x3], $0x80, s28, s13, $0xb8;
	[tilespmem:$0x1BC80] =	vst v63  }
0x13b: {  	v1 =	vld [tilespmem:$0xA00];
	_ =	sdelay $0x7  }
0x13c: {  	[tilespmem:v1+s21+$0x0] =	vst.idx.add.f32.msk $0xffff, v0  }
0x13d: {  	v1 =	vld [tilespmem:$0xA10];
	_ =	sdelay $0x7  }
0x13e: {  	[tilespmem:v1+s21+$0x0] =	vst.idx.add.f32.msk $0xffff, v0  }
0x13f: {  	v1 =	vld [tilespmem:$0xA20];
	_ =	sdelay $0x7  }
0x140: {  	[tilespmem:v1+s21+$0x0] =	vst.idx.add.f32.msk $0xffff, v0  }
0x141: {  	v1 =	vld [tilespmem:$0xA22];
	_ =	sdelay $0x7  }
0x142: {  	[tilespmem:v1+s21+$0x0] =	vst.idx.add.f32.msk vm0, v0  }
0x143: {  	_ =	swait.ge [sflag:s16], $0x1900  }
0x144: {  	[sflag:s16] =	ssyncset.done $0x0  }
0x145: {  	[sflag:s16] =	ssyncadd.s32 $0xFFFFE700  }
0x146: {  	_ =	swait.ge [sflag:s17], $0x1900  }
0x147: {  	[sflag:s17] =	ssyncset.done $0x0  }
0x148: {  	[sflag:s17] =	ssyncadd.s32 $0xFFFFE700  }
0x149: {  	[tilespmem:s15], [sflag:$0x1] =	stream.indirect.gather [hbm4b:s5+s13], $0x80, s29, s13, $0xb8;
	[tilespmem:$0x1BC80] =	vst v63  }
0x14a: {  	_ = 	snop  }
0x14b: {  	[spmem:s2] =	stream.indirect.scatter.add.f32 [tilespmem:s19], [sflag:$0x3], $0x80, s30, s13, $0xb8;
	[tilespmem:$0x1BC80] =	vst v63  }
0x14c: {  	v1 =	vld [tilespmem:$0xA80];
	_ =	sdelay $0x7  }
0x14d: {  	[tilespmem:v1+s21+$0x0] =	vst.idx.add.f32.msk $0xffff, v0  }
0x14e: {  	v1 =	vld [tilespmem:$0xA90];
	_ =	sdelay $0x7  }
0x14f: {  	[tilespmem:v1+s21+$0x0] =	vst.idx.add.f32.msk $0xffff, v0  }
0x150: {  	v1 =	vld [tilespmem:$0xAA0];
	_ =	sdelay $0x7  }
0x151: {  	[tilespmem:v1+s21+$0x0] =	vst.idx.add.f32.msk $0xffff, v0  }
0x152: {  	v1 =	vld [tilespmem:$0xAA2];
	_ =	sdelay $0x7  }
0x153: {  	[tilespmem:v1+s21+$0x0] =	vst.idx.add.f32.msk vm0, v0  }
0x154: {  	_ =	swait.ge [sflag:s16], $0x1900  }
0x155: {  	[sflag:s16] =	ssyncset.done $0x0  }
0x156: {  	[sflag:s16] =	ssyncadd.s32 $0xFFFFE700  }
0x157: {  	_ =	swait.ge [sflag:s17], $0x1900  }
0x158: {  	[sflag:s17] =	ssyncset.done $0x0  }
0x159: {  	[sflag:s17] =	ssyncadd.s32 $0xFFFFE700  }
0x15a: {  	[tilespmem:s19], [sflag:$0x1] =	stream.indirect.gather [hbm4b:s5+s13], $0x80, s31, s13, $0xb8;
	[tilespmem:$0x1BC80] =	vst v63  }
0x15b: {  	_ = 	snop  }
0x15c: {  	[spmem:s2] =	stream.indirect.scatter.add.f32 [tilespmem:s15], [sflag:$0x3], $0x80, s3, s13, $0xb8;
	[tilespmem:$0x1BC80] =	vst v63  }
0x15d: {  	v1 =	vld [tilespmem:$0xB00];
	_ =	sdelay $0x7  }
0x15e: {  	[tilespmem:v1+s21+$0x0] =	vst.idx.add.f32.msk $0xffff, v0  }
0x15f: {  	v1 =	vld [tilespmem:$0xB10];
	_ =	sdelay $0x7  }
0x160: {  	[tilespmem:v1+s21+$0x0] =	vst.idx.add.f32.msk $0xffff, v0  }
0x161: {  	v1 =	vld [tilespmem:$0xB20];
	_ =	sdelay $0x7  }
0x162: {  	[tilespmem:v1+s21+$0x0] =	vst.idx.add.f32.msk $0xffff, v0  }
0x163: {  	v1 =	vld [tilespmem:$0xB22];
	_ =	sdelay $0x7  }
0x164: {  	[tilespmem:v1+s21+$0x0] =	vst.idx.add.f32.msk vm0, v0  }
0x165: {  	_ =	swait.ge [sflag:s16], $0x1900  }
0x166: {  	[sflag:s16] =	ssyncset.done $0x0  }
0x167: {  	[sflag:s16] =	ssyncadd.s32 $0xFFFFE700  }
0x168: {  	_ =	swait.ge [sflag:s17], $0x1900  }
0x169: {  	[sflag:s17] =	ssyncset.done $0x0  }
0x16a: {  	[sflag:s17] =	ssyncadd.s32 $0xFFFFE700  }
0x16b: {  	[spmem:s2] =	stream.indirect.scatter.add.f32 [tilespmem:s19], [sflag:$0x3], $0x80, s0, s13, $0xb8;
	[tilespmem:$0x1BC80] =	vst v63  }
0x16c: {  	v1 =	vld [tilespmem:$0xB80];
	_ =	sdelay $0x7  }
0x16d: {  	[tilespmem:v1+s21+$0x0] =	vst.idx.add.f32.msk $0xffff, v0  }
0x16e: {  	v1 =	vld [tilespmem:$0xB90];
	_ =	sdelay $0x3  }
.Ltmp9:
0x16f: {  	_ = 	snop;
	(pc) =	sbr.rel .LBB2_12-.Ltmp9, $2  }
0x170: {  	_ =	sdelay $0x2  }
0x171: {  	s1 =	simm.s32 $0xBA2;
	s18 =	simm.s32 $0xBA0;
	[tilespmem:v1+s21+$0x0] =	vst.idx.add.f32.msk $0xffff, v0  }
.LBB2_13:
0x172: {  	s0 =	simm.s32 $0x3  }
.Ltmp10:
0x173: {  	_ =	swait.ge [sflag:s0], $0x1900;
	(pc) =	sbr.rel @p0 .LBB2_19-.Ltmp10, $4  }
0x174: {  	[sflag:s0] =	ssyncset.done $0x0  }
0x175: {  	[sflag:s0] =	ssyncadd.s32 $0xFFFFE700  }
0x176: {  	[bflag:$0x0] =	sbarrier.arrive $0xFFFF  }
0x177: {  	s11 =	stileid.u32  }
0x178: {  	s8 =	rddreg [dreg:$0x6]  }
0x179: {  	p1 =	sne.s32 s8, $0x1  }
.Ltmp11:
0x17a: {  	_ = 	snop;
	(pc) =	sbr.rel @!p1 .LBB2_15-.Ltmp11, $4  }
0x17b: {  	s0 =	smul.u32 $0x2800, s11;
	s1 =	rddreg [dreg:$0x2]  }
0x17c: {  	s6 =	simm.s32 $0x28;
	s7 =	simm.s32 $0x5C00;
	s3 =	simm.s32 $0x4800  }
0x17d: {  	s5 =	simm.s32 $0x0;
	s10 =	sadd.s32 $0xFFFFFFE8, s4;
	p0 =	por $0x0, $0x0  }
0x17e: {  	v0 =	vlaneseq.u32;
	s8 =	sadd.s32 $0xFFFFFFFF, s8;
	s0 =	sadd.s32 s0, s1;
	s1 =	simm.s32 $0x4  }
0x17f: {  	v1 =	vadd.s32 s10, v0;
	s9 =	sadd.s32 $0xFFFFFFF8, s4  }
0x180: {  	[tilespmem:$0x5C00] =	vst v1;
	v1 =	vadd.s32 s9, v0  }
0x181: {  	[tilespmem:$0x5C10] =	vst v1;
	v1 =	vadd.s32 s4, v0  }
0x182: {  	[tilespmem:$0x5C18] =	vst v1  }
0x183: {  	[tilespmem:s3], [sflag:$0x4] =	stream.indirect.gather [spmem:s2], $0x80, s7, s6, $0xb8;
	[tilespmem:$0x1BC80] =	vst v63  }
0x184: {  	p1 =	sne.s32 s8, $0x1;
	_ =	swait.ge [sflag:s1], $0x1400  }
.Ltmp12:
0x185: {  	[sflag:s1] =	ssyncset.done $0x0;
	(pc) =	sbr.rel @!p1 .LBB2_18-.Ltmp12, $4  }
0x186: {  	p0 =	por $0x1, $0x1;
	[sflag:s1] =	ssyncadd.s32 $0xFFFFEC00  }
0x187: {  	[hbm4b:s0+s5] =	stream.linear.scatter [tilespmem:s3], [sflag:$0x4], $0x1400, $0x38;
	[tilespmem:$0x1BC80] =	vst v63  }
0x188: {  	s9 =	sadd.s32 $0xFFFFFFFF, s8;
	s4 =	sadd.s32 $0x28, s4;
	_ =	swait.ge [sflag:s1], $0x1400  }
0x189: {  	s8 =	smov.u32 s0;
	s10 =	sadd.s32 $0xFFFFFFE8, s4;
	[sflag:s1] =	ssyncset.done $0x0  }
.LBB2_17:
0x18a: {  	v1 =	vadd.s32 s10, v0;
	s10 =	sadd.s32 $0xFFFFFFF8, s4;
	[sflag:s1] =	ssyncadd.s32 $0xFFFFEC00;
	s8 =	sadd.s32 $0x280, s8  }
0x18b: {  	p1 =	sne.s32 s9, $0x1;
	s9 =	sadd.s32 $0xFFFFFFFF, s9;
	[tilespmem:$0x5C00] =	vst v1;
	v1 =	vadd.s32 s10, v0  }
0x18c: {  	[tilespmem:$0x5C10] =	vst v1;
	v1 =	vadd.s32 s4, v0  }
0x18d: {  	[tilespmem:$0x5C18] =	vst v1  }
0x18e: {  	[tilespmem:s3], [sflag:$0x4] =	stream.indirect.gather [spmem:s2], $0x80, s7, s6, $0xb8;
	[tilespmem:$0x1BC80] =	vst v63  }
0x18f: {  	_ =	swait.ge [sflag:s1], $0x1400  }
.Ltmp13:
0x190: {  	[sflag:s1] =	ssyncset.done $0x0;
	(pc) =	sbr.rel @p1 .LBB2_17-.Ltmp13, $4  }
0x191: {  	[sflag:s1] =	ssyncadd.s32 $0xFFFFEC00  }
0x192: {  	[hbm4b:s8+s5] =	stream.linear.scatter [tilespmem:s3], [sflag:$0x4], $0x1400, $0x38;
	[tilespmem:$0x1BC80] =	vst v63  }
0x193: {  	s4 =	sadd.s32 $0x28, s4;
	_ =	swait.ge [sflag:s1], $0x1400  }
0x194: {  	s10 =	sadd.s32 $0xFFFFFFE8, s4;
	[sflag:s1] =	ssyncset.done $0x0  }
.LBB2_18:
0x195: {  	v1 =	vadd.s32 s10, v0;
	s9 =	sadd.s32 $0xFFFFFFF8, s4;
	[sflag:s1] =	ssyncadd.s32 @p0 $0xFFFFEC00  }
0x196: {  	[tilespmem:$0x5C00] =	vst v1;
	v62 =	vadd.s32 s9, v0  }
0x197: {  	v63 =	vadd.s32 s4, v0;
	[tilespmem:$0x5C10] =	vst v62  }
0x198: {  	[tilespmem:$0x5C18] =	vst v63  }
0x199: {  	[tilespmem:s3], [sflag:$0x4] =	stream.indirect.gather [spmem:s2], $0x80, s7, s6, $0xb8;
	[tilespmem:$0x1BC80] =	vst v63  }
0x19a: {  	_ =	swait.ge [sflag:s1], $0x1400  }
0x19b: {  	s2 =	sadd.s32 @p0 $0x280, s8;
	[sflag:s1] =	ssyncset.done $0x0  }
0x19c: {  	s0 =	smov.u32 @p0 s2;
	[sflag:s1] =	ssyncadd.s32 $0xFFFFEC00  }
0x19d: {  	[hbm4b:s0+s5] =	stream.linear.scatter [tilespmem:s3], [sflag:$0x4], $0x1400, $0x38;
	[tilespmem:$0x1BC80] =	vst v63  }
0x19e: {  	_ =	swait.ge [sflag:s1], $0x1400  }
0x19f: {  	[sflag:s1] =	ssyncset.done $0x0  }
0x1a0: {  	[sflag:s1] =	ssyncadd.s32 $0xFFFFEC00  }
.LBB2_19:
0x1a1: {  	s0 =	simm.s32 $0x80;
	s1 =	simm.s32 $0x400  }
0x1a2: {  	s2 =	simm.s32 $0x5C80;
	s3 =	rddreg [dreg:$0x5];
	s31 =	simm.s32 $0x4  }
0x1a3: {  	[hbm4b:s3+s0] =	stream.strided.scatter [tilespmem:s2], [sflag:$0x4], $0x2780, s1, s0, $0x38;
	[tilespmem:$0x1BC80] =	vst v63  }
0x1a4: {  	_ =	swait.ge [sflag:s31], $0x2780  }
0x1a5: {  	[sflag:s31] =	ssyncset.done $0x0  }
0x1a6: {  	[sflag:s31] =	ssyncadd.s32 $0xFFFFD880  }
0x1a7: {  	_ =	sfence.sel $0x180000  }
0x1a8: {  	[bflag:$0x0] =	sbarrier.arrive $0xFFFF  }
0x1a9: {  	_ =	strace $0x90000047  }
0x1aa: {  	[bflag:$0x2] =	sbarrier.arrive $0xFFFF  }
0x1ab: {  	p0 =	sne.s32 s11, $0x0;
	s0 =	rddreg [dreg:$0x4]  }
0x1ac: {  	s0 =	sadd.s32 @!p0 $0x100000, s0  }
0x1ad: {  	[sflag:s0] =	ssyncadd.tile.s32 @!p0 $0x1;
	_ =	shalt  }
.LBB2_15:
.Ltmp14:
0x1ae: {  	(pc) =	sbr.rel .LBB2_18-.Ltmp14, $2  }
0x1af: {  	_ =	sdelay $0x2  }
0x1b0: {  	s8 =	smov.u32 s0  }
.Lfunc_end2:
_tile_overlayer_lowered:
.L_overlay_start_2:
0x1b1: {  	(tag) =	ssettag $0x2  }
0x1b2: {  	s0 =	rddreg [dreg:$0x0];
	s2 =	stileid.u32  }
0x1b3: {  	s1 =	rddreg [dreg:$0x1];
	p0 =	sne.s32 s2, $0x0  }
0x1b4: {  	s3 =	rddreg [dreg:$0x2];
	[bflag:$0x3] =	sbarrier.arrive $0xFFFF;
	s2 =	simm.s32 @!p0 $0x1C04  }
0x1b5: {  	[timem:s3], [sflag:s2] =	dma.local @!p0 [hbm:s0], s1  }
0x1b6: {  	s0 =	simm.s32 @!p0 $0x4  }
0x1b7: {  	_ =	swait.ge @!p0 [sflag:s0], s1  }
0x1b8: {  	s1 =	ssub.s32 @!p0 $0x0, s1;
	[sflag:s0] =	ssyncset.done @!p0 $0x0  }
0x1b9: {  	[sflag:s0] =	ssyncadd.s32 @!p0 s1  }
0x1ba: {  	[bflag:$0x3] =	sbarrier.arrive $0xFFFF  }
0x1bb: {  	_ =	shalt  }

</sc_bundles>
